<compile_context>
chip_gen: v7x
topology: tpu7x:2x2x1
jax: 0.10.2.dev20260603
libtpu: 0.0.44.dev20260713+nightly
codegen_flags: <defaults>
</compile_context>

<pallas_src>
import functools

import jax
import jax.numpy as jnp
from jax import lax
from jax.experimental import pallas as pl
from jax.experimental.pallas import tpu as pltpu
from jax.experimental.pallas import tpu_sc as plsc

_NC = 2
_NS = 16
_NW = _NC * _NS
_LANES = 16
_CHUNK = 320
_STEP = 16
_GPC = _CHUNK // _LANES


@functools.partial(jax.jit, static_argnames=("n_tok", "dim", "vocab"))
def _sc_embed(ids, voc, length, tab, crow, *, n_tok, dim, vocab):
    per_w = n_tok // _NW
    n_chunks = per_w // _CHUNK
    n_groups = per_w // _LANES
    seq_len = n_tok // length.shape[0]

    def body(ids_hbm, voc_hbm, len_hbm, tab_hbm, crow_hbm,
             out_hbm, mask_hbm,
             rank_v, voc_v, vidx_v, mif_v, mi_v, len_v, crow_v,
             rows0, rows1, outb0, outb1, kcnt,
             isem, msem, gsem0, gsem1, wsem0, wsem1):
        wid = lax.axis_index("s") * _NC + lax.axis_index("c")
        base0 = wid * per_w
        dsl_all = pl.ds(base0, per_w)

        in_cps = [
            pltpu.async_copy(ids_hbm.at[dsl_all], rank_v, isem),
            pltpu.async_copy(voc_hbm.at[dsl_all], voc_v, isem),
            pltpu.async_copy(len_hbm, len_v, isem),
            pltpu.async_copy(crow_hbm, crow_v, isem),
        ]
        for cp in in_cps:
            cp.wait()

        zeros16 = jnp.zeros((_LANES,), jnp.int32)
        iota16 = lax.iota(jnp.int32, _LANES)

        def zero_body(j, carry):
            vidx_v[pl.ds(j * _LANES, _LANES)] = zeros16
            return carry

        lax.fori_loop(0, (per_w + _LANES) // _LANES, zero_body, 0)

        def idx_body(j, r0):
            sl = pl.ds(j * _LANES, _LANES)
            idv = rank_v[sl]
            vv = voc_v[sl]
            gt = base0 + j * _LANES + iota16
            bq = lax.shift_right_logical(
                lax.shift_right_logical(gt, 3) * 41944, 20)
            ln = plsc.load_gather(len_v, [bq])
            mi = lax.shift_right_logical((gt - bq * seq_len) - ln, 31)
            r0 = jnp.where(j % _GPC == 0, 0, r0)
            csum = plsc.cumsum(mi)
            rank = r0 + csum - mi
            cidx = mi * (idv + vv * vocab)
            tgt = mi * ((j // _GPC) * _CHUNK + rank) + (1 - mi) * per_w
            plsc.store_scatter(vidx_v, [tgt], cidx)
            rank_v[sl] = rank
            voc_v[sl] = vv * dim
            mif_v[sl] = mi.astype(jnp.float32)
            mi_v[sl] = mi
            r0 = r0 + jnp.sum(mi)

            @pl.when(j % _GPC == _GPC - 1)
            def _():
                kcnt[j // _GPC] = r0

            return r0

        lax.fori_loop(0, n_groups, idx_body, jnp.int32(0))

        mask_cp = pltpu.async_copy(mi_v, mask_hbm.at[dsl_all], msem)

        bufs = [(rows0, outb0, gsem0, wsem0), (rows1, outb1, gsem1, wsem1)]

        def ladder(c_t, rr, gsem, extra_ok, fire_it):
            k = kcnt[c_t]
            for s in range(_CHUNK // _STEP):
                cond = k > s * _STEP
                if extra_ok is not None:
                    cond = jnp.logical_and(extra_ok, cond)

                @pl.when(cond)
                def _(_s=s):
                    src = tab_hbm.at[vidx_v.at[
                        pl.ds(c_t * _CHUNK + _s * _STEP, _STEP)]]
                    dst = rr.at[pl.ds(_s * _STEP, _STEP)]
                    if fire_it:
                        pltpu.async_copy(src, dst, gsem)
                    else:
                        pltpu.make_async_copy(src, dst, gsem).wait()

        ladder(0, rows0, gsem0, None, True)

        def pair_body(cp, carry):
            for b in range(2):
                c_t = cp * 2 + b
                rr, ob, gsem, wsem = bufs[b]
                nrr, _, ngsem, _ = bufs[1 - b]
                ladder(c_t + 1, nrr, ngsem, c_t + 1 <= n_chunks - 1, True)
                ladder(c_t, rr, gsem, None, False)

                @pl.when(c_t >= 2)
                def _():
                    pltpu.make_async_copy(
                        ob,
                        out_hbm.at[pl.ds(
                            base0 + (c_t - 2) * _CHUNK, _CHUNK)],
                        wsem).wait()

                def comb(j2, carry2, _rr=rr, _ob=ob, _c=c_t):
                    sl = pl.ds(_c * _CHUNK + j2 * _LANES, _LANES)
                    rank16 = rank_v[sl]
                    voco16 = voc_v[sl]
                    mvec = mif_v[sl]
                    row16 = iota16 + j2 * _LANES

                    def fblk(f8, carry3):
                        for df in range(8):
                            f = f8 * 8 + df
                            fb = zeros16 + f
                            src = plsc.load_gather(_rr, [rank16, fb])
                            cvec = plsc.load_gather(crow_v, [voco16 + f])
                            plsc.store_scatter(_ob, [row16, fb],
                                               (src + cvec) * mvec)
                        return carry3

                    lax.fori_loop(0, dim // 8, fblk, 0)
                    return carry2

                lax.fori_loop(0, _GPC, comb, 0)
                pltpu.async_copy(
                    ob, out_hbm.at[pl.ds(base0 + c_t * _CHUNK, _CHUNK)],
                    wsem)
            return carry

        lax.fori_loop(0, n_chunks // 2, pair_body, 0)

        for b in range(2):
            _, ob, _, wsem = bufs[b]
            c_last = n_chunks - 2 + b
            pltpu.make_async_copy(
                ob, out_hbm.at[pl.ds(base0 + c_last * _CHUNK, _CHUNK)],
                wsem).wait()
        mask_cp.wait()

    fn = pl.kernel(
        body,
        out_type=[
            jax.ShapeDtypeStruct((n_tok, dim), jnp.float32),
            jax.ShapeDtypeStruct((n_tok,), jnp.int32),
        ],
        mesh=plsc.VectorSubcoreMesh(core_axis_name="c", subcore_axis_name="s"),
        compiler_params=pltpu.CompilerParams(
            use_tc_tiling_on_sc=False, needs_layout_passes=False),
        scratch_types=[
            pltpu.VMEM((per_w,), jnp.int32),
            pltpu.VMEM((per_w,), jnp.int32),
            pltpu.VMEM((per_w + _LANES,), jnp.int32),
            pltpu.VMEM((per_w,), jnp.float32),
            pltpu.VMEM((per_w,), jnp.int32),
            pltpu.VMEM((length.shape[0],), jnp.int32),
            pltpu.VMEM((2 * dim,), jnp.float32),
            pltpu.VMEM((_CHUNK, dim), jnp.float32),
            pltpu.VMEM((_CHUNK, dim), jnp.float32),
            pltpu.VMEM((_CHUNK, dim), jnp.float32),
            pltpu.VMEM((_CHUNK, dim), jnp.float32),
            pltpu.SMEM((n_chunks + 1,), jnp.int32),
            pltpu.SemaphoreType.DMA,
            pltpu.SemaphoreType.DMA,
            pltpu.SemaphoreType.DMA,
            pltpu.SemaphoreType.DMA,
            pltpu.SemaphoreType.DMA,
            pltpu.SemaphoreType.DMA,
        ],
    )
    return fn(ids, voc, length, tab, crow)


def kernel(input_ids, vocab_ids, length, llm_table, cod_table):
    B, L = input_ids.shape
    V, D = llm_table.shape
    N = B * L
    ids = input_ids.reshape(N).astype(jnp.int32)
    voc = vocab_ids.reshape(N).astype(jnp.int32)
    tab = jnp.concatenate([llm_table, cod_table], axis=0)
    crow = jnp.concatenate([cod_table[0], llm_table[0]]).reshape(2 * D)
    out, mask_i = _sc_embed(ids, voc, length.astype(jnp.int32), tab, crow,
                            n_tok=N, dim=D, vocab=V)
    return out.reshape(B, L, D), (mask_i.reshape(B, L) != 0)

# --- scband reference (transcript-rebuilt; emitter-appended) ---
"""Pipeline reference for scband-base-embedding-layer-16475494548082 (READ-ONLY COPY).

The authoritative reference and input builder live on the scoring server;
editing this copy changes nothing except your own understanding.
"""

import jax, jax.numpy as jnp
import numpy as np

B = 1024
L = 200
VOCAB = 100000
DIM = 64
TV_LLM = 0
TV_COD = 1


def setup_inputs(seed: int = 0) -> dict:
    key = jax.random.key(seed)
    k1, k2, k3, k4, k5 = jax.random.split(key, 5)
    input_ids = jax.random.randint(k1, (B, L), 0, VOCAB, dtype=jnp.int64 if jax.config.jax_enable_x64 else jnp.int32)
    vocab_ids = jax.random.randint(k2, (B, L), 0, 2, dtype=jnp.int64 if jax.config.jax_enable_x64 else jnp.int32)
    length = jax.random.randint(k3, (B,), 0, L, dtype=jnp.int64 if jax.config.jax_enable_x64 else jnp.int32)
    llm_table = jax.random.normal(k4, (VOCAB, DIM), dtype=jnp.float32) * 0.02
    cod_table = jax.random.normal(k5, (VOCAB, DIM), dtype=jnp.float32) * 0.02
    return {"input_ids": input_ids, "vocab_ids": vocab_ids, "length": length,
            "llm_table": llm_table, "cod_table": cod_table}


def reference(input_ids, vocab_ids, length, llm_table, cod_table):
    max_len = input_ids.shape[-1]
    pos = jnp.arange(max_len)[None, :]
    attention_mask = pos < length[:, None]                      # bool [B, L]
    llm_mask = (vocab_ids == TV_LLM) & attention_mask
    cod_mask = (vocab_ids == TV_COD) & attention_mask
    llm_input = input_ids * llm_mask.astype(input_ids.dtype)    # zeros out masked ids
    cod_input = input_ids * cod_mask.astype(input_ids.dtype)
    llm_embeddings = jnp.take(llm_table, llm_input, axis=0)     # [B, L, D]
    cod_embeddings = jnp.take(cod_table, cod_input, axis=0)     # [B, L, D]
    input_embeddings = (llm_embeddings + cod_embeddings) * attention_mask[..., None].astype(jnp.float32)
    return (input_embeddings, attention_mask)

if __name__ == "__main__":
    import jax
    _d = setup_inputs()
    print(jax.jit(kernel)(*tuple(_d.values())))

</pallas_src>

<mosaic_0001>
#map = affine_map<(d0, d1) -> (0)>
#map1 = affine_map<(d0, d1) -> (0, 0)>
module attributes {stable_mosaic.version = 14 : i64} {
  func.func @body(%arg0: i32, %arg1: i32, %arg2: memref<204800xi32, #tpu.memory_space<hbm>>, %arg3: memref<204800xi32, #tpu.memory_space<hbm>>, %arg4: memref<1024xi32, #tpu.memory_space<hbm>>, %arg5: memref<200000x64xf32, #tpu.memory_space<hbm>>, %arg6: memref<128xf32, #tpu.memory_space<hbm>>, %arg7: memref<204800x64xf32, #tpu.memory_space<hbm>>, %arg8: memref<204800xi32, #tpu.memory_space<hbm>>, %arg9: memref<6400xi32, #tpu.memory_space<vmem>>, %arg10: memref<6400xi32, #tpu.memory_space<vmem>>, %arg11: memref<6416xi32, #tpu.memory_space<vmem>>, %arg12: memref<6400xf32, #tpu.memory_space<vmem>>, %arg13: memref<6400xi32, #tpu.memory_space<vmem>>, %arg14: memref<1024xi32, #tpu.memory_space<vmem>>, %arg15: memref<128xf32, #tpu.memory_space<vmem>>, %arg16: memref<320x64xf32, #tpu.memory_space<vmem>>, %arg17: memref<320x64xf32, #tpu.memory_space<vmem>>, %arg18: memref<320x64xf32, #tpu.memory_space<vmem>>, %arg19: memref<320x64xf32, #tpu.memory_space<vmem>>, %arg20: memref<21xi32, #tpu.memory_space<smem>>, %arg21: memref<!tpu.dma_semaphore, #tpu.memory_space<semaphore_mem>>, %arg22: memref<!tpu.dma_semaphore, #tpu.memory_space<semaphore_mem>>, %arg23: memref<!tpu.dma_semaphore, #tpu.memory_space<semaphore_mem>>, %arg24: memref<!tpu.dma_semaphore, #tpu.memory_space<semaphore_mem>>, %arg25: memref<!tpu.dma_semaphore, #tpu.memory_space<semaphore_mem>>, %arg26: memref<!tpu.dma_semaphore, #tpu.memory_space<semaphore_mem>>) attributes {dimension_semantics = [#tpu.dimension_semantics<core_parallel>, #tpu.dimension_semantics<subcore_parallel>], iteration_bounds = array<i64: 2, 16>, scalar_prefetch = 0 : i64, scratch_operands = 18 : i64, tpu.core_type = #tpu.core_type<sc_vector_subcore>, window_params = [{transform_indices = #map}, {transform_indices = #map}, {transform_indices = #map}, {transform_indices = #map1}, {transform_indices = #map}, {transform_indices = #map1}, {transform_indices = #map}]} {
    %mul3A = arith.constant 2 : i32
    %mul3A_0 = arith.muli %arg1, %mul3A : i32
    %add3A = arith.addi %mul3A_0, %arg0 : i32
    %mul3A_1 = arith.constant 6400 : i32
    %mul3A_2 = arith.muli %add3A, %mul3A_1 : i32
    %dma_start3A = tpu.memref_slice %arg2[%mul3A_2] : memref<204800xi32, #tpu.memory_space<hbm>> -> memref<6400xi32, #tpu.memory_space<hbm>>
    %dma_start3A_3 = tpu.memref_slice %arg2[%mul3A_2] : memref<204800xi32, #tpu.memory_space<hbm>> -> memref<6400xi32, #tpu.memory_space<hbm>>
    tpu.enqueue_dma source(%dma_start3A_3 : memref<6400xi32, #tpu.memory_space<hbm>>) target(%arg9 : memref<6400xi32, #tpu.memory_space<vmem>>) target_semaphore(%arg21 : memref<!tpu.dma_semaphore, #tpu.memory_space<semaphore_mem>>)
    %dma_start3A_4 = tpu.memref_slice %arg3[%mul3A_2] : memref<204800xi32, #tpu.memory_space<hbm>> -> memref<6400xi32, #tpu.memory_space<hbm>>
    %dma_start3A_5 = tpu.memref_slice %arg3[%mul3A_2] : memref<204800xi32, #tpu.memory_space<hbm>> -> memref<6400xi32, #tpu.memory_space<hbm>>
    tpu.enqueue_dma source(%dma_start3A_5 : memref<6400xi32, #tpu.memory_space<hbm>>) target(%arg10 : memref<6400xi32, #tpu.memory_space<vmem>>) target_semaphore(%arg21 : memref<!tpu.dma_semaphore, #tpu.memory_space<semaphore_mem>>)
    tpu.enqueue_dma source(%arg4 : memref<1024xi32, #tpu.memory_space<hbm>>) target(%arg14 : memref<1024xi32, #tpu.memory_space<vmem>>) target_semaphore(%arg21 : memref<!tpu.dma_semaphore, #tpu.memory_space<semaphore_mem>>)
    tpu.enqueue_dma source(%arg6 : memref<128xf32, #tpu.memory_space<hbm>>) target(%arg15 : memref<128xf32, #tpu.memory_space<vmem>>) target_semaphore(%arg21 : memref<!tpu.dma_semaphore, #tpu.memory_space<semaphore_mem>>)
    %dma_wait3A = tpu.memref_slice %arg2[%mul3A_2] : memref<204800xi32, #tpu.memory_space<hbm>> -> memref<6400xi32, #tpu.memory_space<hbm>>
    %dma_wait3A_6 = tpu.memref_slice %arg2[%mul3A_2] : memref<204800xi32, #tpu.memory_space<hbm>> -> memref<6400xi32, #tpu.memory_space<hbm>>
    tpu.wait_dma2 semaphore(%arg21 : memref<!tpu.dma_semaphore, #tpu.memory_space<semaphore_mem>>) src(%dma_wait3A_6 : memref<6400xi32, #tpu.memory_space<hbm>>) dst(%arg9 : memref<6400xi32, #tpu.memory_space<vmem>>)
    %dma_wait3A_7 = tpu.memref_slice %arg3[%mul3A_2] : memref<204800xi32, #tpu.memory_space<hbm>> -> memref<6400xi32, #tpu.memory_space<hbm>>
    %dma_wait3A_8 = tpu.memref_slice %arg3[%mul3A_2] : memref<204800xi32, #tpu.memory_space<hbm>> -> memref<6400xi32, #tpu.memory_space<hbm>>
    tpu.wait_dma2 semaphore(%arg21 : memref<!tpu.dma_semaphore, #tpu.memory_space<semaphore_mem>>) src(%dma_wait3A_8 : memref<6400xi32, #tpu.memory_space<hbm>>) dst(%arg10 : memref<6400xi32, #tpu.memory_space<vmem>>)
    tpu.wait_dma2 semaphore(%arg21 : memref<!tpu.dma_semaphore, #tpu.memory_space<semaphore_mem>>) src(%arg4 : memref<1024xi32, #tpu.memory_space<hbm>>) dst(%arg14 : memref<1024xi32, #tpu.memory_space<vmem>>)
    tpu.wait_dma2 semaphore(%arg21 : memref<!tpu.dma_semaphore, #tpu.memory_space<semaphore_mem>>) src(%arg6 : memref<128xf32, #tpu.memory_space<hbm>>) dst(%arg15 : memref<128xf32, #tpu.memory_space<vmem>>)
    %broadcast_in_dim3A = arith.constant 0 : i32
    %broadcast_in_dim3A_9 = vector.broadcast %broadcast_in_dim3A : i32 to vector<16xi32>
    %iota3A = tpu.iota {dimensions = array<i32: 0>} : vector<16xi32>
    %scan3A = arith.constant 0 : i32
    %scan3A_10 = arith.constant 0 : i32
    %scan3A_11 = arith.constant 401 : i32
    %scan3A_12 = arith.addi %scan3A_10, %scan3A_11 : i32
    %scan3A_13 = arith.constant 1 : i32
    scf.for %scan3A_143 = %scan3A_10 to %scan3A_12 step %scan3A_13  : i32 {
      %mul3A_144 = arith.constant 16 : i32
      %mul3A_145 = arith.muli %scan3A_143, %mul3A_144 : i32
      %swap3A = arith.index_cast %mul3A_145 : i32 to index
      %swap3A_146 = tpu.vector_load %arg11[%swap3A] {strides = array<i32>} : memref<6416xi32, #tpu.memory_space<vmem>>, vector<16xi32>,
      tpu.vector_store %arg11[%swap3A], %broadcast_in_dim3A_9 {strides = array<i32>} : memref<6416xi32, #tpu.memory_space<vmem>>, vector<16xi32>,
    }
    %scan3A_14 = arith.constant 401 : i32
    %scan3A_15 = arith.constant 0 : i32
    %scan3A_16 = arith.constant 0 : i32
    %scan3A_17 = arith.constant 400 : i32
    %scan3A_18 = arith.addi %scan3A_16, %scan3A_17 : i32
    %scan3A_19 = arith.constant 1 : i32
    %scan3A_20 = scf.for %scan3A_143 = %scan3A_16 to %scan3A_18 step %scan3A_19 iter_args(%scan3A_144 = %scan3A_15) -> (i32)  : i32 {
      %mul3A_145 = arith.constant 16 : i32
      %mul3A_146 = arith.muli %scan3A_143, %mul3A_145 : i32
      %get3A_147 = arith.index_cast %mul3A_146 : i32 to index
      %get3A_148 = tpu.vector_load %arg9[%get3A_147] {strides = array<i32>} : memref<6400xi32, #tpu.memory_space<vmem>>, vector<16xi32>,
      %get3A_149 = arith.index_cast %mul3A_146 : i32 to index
      %get3A_150 = tpu.vector_load %arg10[%get3A_149] {strides = array<i32>} : memref<6400xi32, #tpu.memory_space<vmem>>, vector<16xi32>,
      %mul3A_151 = arith.constant 16 : i32
      %mul3A_152 = arith.muli %scan3A_143, %mul3A_151 : i32
      %add3A_153 = arith.addi %mul3A_2, %mul3A_152 : i32
      %add3A_154 = vector.broadcast %add3A_153 : i32 to vector<16xi32>
      %add3A_155 = arith.addi %add3A_154, %iota3A : vector<16xi32>
      %shift_right_logical3A = arith.constant 3 : i32
      %shift_right_logical3A_156 = vector.broadcast %shift_right_logical3A : i32 to vector<16xi32>
      %shift_right_logical3A_157 = arith.shrui %add3A_155, %shift_right_logical3A_156 : vector<16xi32>
      %mul3A_158 = arith.constant 41944 : i32
      %mul3A_159 = vector.broadcast %mul3A_158 : i32 to vector<16xi32>
      %mul3A_160 = arith.muli %shift_right_logical3A_157, %mul3A_159 : vector<16xi32>
      %shift_right_logical3A_161 = arith.constant 20 : i32
      %shift_right_logical3A_162 = vector.broadcast %shift_right_logical3A_161 : i32 to vector<16xi32>
      %shift_right_logical3A_163 = arith.shrui %mul3A_160, %shift_right_logical3A_162 : vector<16xi32>
      %gather3A = tpu.vector_load_idx %arg14[%shift_right_logical3A_163] : memref<1024xi32, #tpu.memory_space<vmem>>[vector<16xi32>], vector<16xi32>,
      %mul3A_164 = arith.constant 200 : i32
      %mul3A_165 = vector.broadcast %mul3A_164 : i32 to vector<16xi32>
      %mul3A_166 = arith.muli %shift_right_logical3A_163, %mul3A_165 : vector<16xi32>
      %sub3A = arith.subi %add3A_155, %mul3A_166 : vector<16xi32>
      %sub3A_167 = arith.subi %sub3A, %gather3A : vector<16xi32>
      %shift_right_logical3A_168 = arith.constant 31 : i32
      %shift_right_logical3A_169 = vector.broadcast %shift_right_logical3A_168 : i32 to vector<16xi32>
      %shift_right_logical3A_170 = arith.shrui %sub3A_167, %shift_right_logical3A_169 : vector<16xi32>
      %jit3A = arith.constant 20 : i32
      %eq3A = arith.constant 0 : i32
      %eq3A_171 = arith.cmpi eq, %jit3A, %eq3A : i32
      %jit3A_172 = arith.constant 1 : i32
      %select_n3A = arith.select %eq3A_171, %jit3A_172, %jit3A : i32
      %rem3A = arith.remsi %scan3A_143, %select_n3A : i32
      %ne3A = arith.constant 0 : i32
      %ne3A_173 = arith.cmpi ne, %rem3A, %ne3A : i32
      %lt3A = arith.constant 0 : i32
      %lt3A_174 = arith.cmpi slt, %rem3A, %lt3A : i32
      %lt3A_175 = arith.constant 0 : i32
      %lt3A_176 = arith.cmpi slt, %select_n3A, %lt3A_175 : i32
      %ne3A_177 = arith.xori %lt3A_174, %lt3A_176 : i1
      %and3A = arith.andi %ne3A_177, %ne3A_173 : i1
      %add3A_178 = arith.addi %rem3A, %select_n3A : i32
      %select_n3A_179 = arith.select %and3A, %add3A_178, %rem3A : i32
      %eq3A_180 = arith.constant 0 : i32
      %eq3A_181 = arith.cmpi eq, %select_n3A_179, %eq3A_180 : i32
      %jit3A_182 = arith.constant 0 : i32
      %select_n3A_183 = arith.select %eq3A_181, %jit3A_182, %scan3A_144 : i32
      %broadcast_in_dim3A_184 = arith.constant true
      %broadcast_in_dim3A_185 = vector.broadcast %broadcast_in_dim3A_184 : i1 to vector<16xi1>
      %masked_cumsum3A = tpu.scan <sum>, %shift_right_logical3A_170 masked %broadcast_in_dim3A_185 : vector<16xi32>, vector<16xi1> -> vector<16xi32>
      %add3A_186 = vector.broadcast %select_n3A_183 : i32 to vector<16xi32>
      %add3A_187 = arith.addi %add3A_186, %masked_cumsum3A : vector<16xi32>
      %sub3A_188 = arith.subi %add3A_187, %shift_right_logical3A_170 : vector<16xi32>
      %mul3A_189 = arith.constant 100000 : i32
      %mul3A_190 = vector.broadcast %mul3A_189 : i32 to vector<16xi32>
      %mul3A_191 = arith.muli %get3A_150, %mul3A_190 : vector<16xi32>
      %add3A_192 = arith.addi %get3A_148, %mul3A_191 : vector<16xi32>
      %mul3A_193 = arith.muli %shift_right_logical3A_170, %add3A_192 : vector<16xi32>
      %jit3A_194 = arith.constant 20 : i32
      %div3A = arith.divsi %scan3A_143, %jit3A_194 : i32
      %sign3A = arith.constant 0 : i32
      %sign3A_195 = arith.cmpi sgt, %scan3A_143, %sign3A : i32
      %sign3A_196 = arith.extui %sign3A_195 : i1 to i32
      %sign3A_197 = arith.constant 0 : i32
      %sign3A_198 = arith.cmpi slt, %scan3A_143, %sign3A_197 : i32
      %sign3A_199 = arith.extui %sign3A_198 : i1 to i32
      %sign3A_200 = arith.subi %sign3A_196, %sign3A_199 : i32
      %sign3A_201 = arith.constant 0 : i32
      %sign3A_202 = arith.cmpi sgt, %jit3A_194, %sign3A_201 : i32
      %sign3A_203 = arith.extui %sign3A_202 : i1 to i32
      %sign3A_204 = arith.constant 0 : i32
      %sign3A_205 = arith.cmpi slt, %jit3A_194, %sign3A_204 : i32
      %sign3A_206 = arith.extui %sign3A_205 : i1 to i32
      %sign3A_207 = arith.subi %sign3A_203, %sign3A_206 : i32
      %ne3A_208 = arith.cmpi ne, %sign3A_200, %sign3A_207 : i32
      %rem3A_209 = arith.remsi %scan3A_143, %jit3A_194 : i32
      %ne3A_210 = arith.constant 0 : i32
      %ne3A_211 = arith.cmpi ne, %rem3A_209, %ne3A_210 : i32
      %and3A_212 = arith.andi %ne3A_208, %ne3A_211 : i1
      %sub3A_213 = arith.constant 1 : i32
      %sub3A_214 = arith.subi %div3A, %sub3A_213 : i32
      %select_n3A_215 = arith.select %and3A_212, %sub3A_214, %div3A : i32
      %mul3A_216 = arith.constant 320 : i32
      %mul3A_217 = arith.muli %select_n3A_215, %mul3A_216 : i32
      %add3A_218 = vector.broadcast %mul3A_217 : i32 to vector<16xi32>
      %add3A_219 = arith.addi %add3A_218, %sub3A_188 : vector<16xi32>
      %mul3A_220 = arith.muli %shift_right_logical3A_170, %add3A_219 : vector<16xi32>
      %sub3A_221 = arith.constant 1 : i32
      %sub3A_222 = vector.broadcast %sub3A_221 : i32 to vector<16xi32>
      %sub3A_223 = arith.subi %sub3A_222, %shift_right_logical3A_170 : vector<16xi32>
      %mul3A_224 = arith.constant 6400 : i32
      %mul3A_225 = vector.broadcast %mul3A_224 : i32 to vector<16xi32>
      %mul3A_226 = arith.muli %sub3A_223, %mul3A_225 : vector<16xi32>
      %add3A_227 = arith.addi %mul3A_220, %mul3A_226 : vector<16xi32>
      tpu.vector_store_idx %arg11[%add3A_227], %mul3A_193 : memref<6416xi32, #tpu.memory_space<vmem>>[vector<16xi32>], vector<16xi32>,
      %swap3A = arith.index_cast %mul3A_146 : i32 to index
      %swap3A_228 = tpu.vector_load %arg9[%swap3A] {strides = array<i32>} : memref<6400xi32, #tpu.memory_space<vmem>>, vector<16xi32>,
      tpu.vector_store %arg9[%swap3A], %sub3A_188 {strides = array<i32>} : memref<6400xi32, #tpu.memory_space<vmem>>, vector<16xi32>,
      %mul3A_229 = arith.constant 64 : i32
      %mul3A_230 = vector.broadcast %mul3A_229 : i32 to vector<16xi32>
      %mul3A_231 = arith.muli %get3A_150, %mul3A_230 : vector<16xi32>
      %swap3A_232 = arith.index_cast %mul3A_146 : i32 to index
      %swap3A_233 = tpu.vector_load %arg10[%swap3A_232] {strides = array<i32>} : memref<6400xi32, #tpu.memory_space<vmem>>, vector<16xi32>,
      tpu.vector_store %arg10[%swap3A_232], %mul3A_231 {strides = array<i32>} : memref<6400xi32, #tpu.memory_space<vmem>>, vector<16xi32>,
      %convert_element_type3A_234 = arith.sitofp %shift_right_logical3A_170 : vector<16xi32> to vector<16xf32>
      %swap3A_235 = arith.index_cast %mul3A_146 : i32 to index
      %swap3A_236 = tpu.vector_load %arg12[%swap3A_235] {strides = array<i32>} : memref<6400xf32, #tpu.memory_space<vmem>>, vector<16xf32>,
      tpu.vector_store %arg12[%swap3A_235], %convert_element_type3A_234 {strides = array<i32>} : memref<6400xf32, #tpu.memory_space<vmem>>, vector<16xf32>,
      %swap3A_237 = arith.index_cast %mul3A_146 : i32 to index
      %swap3A_238 = tpu.vector_load %arg13[%swap3A_237] {strides = array<i32>} : memref<6400xi32, #tpu.memory_space<vmem>>, vector<16xi32>,
      tpu.vector_store %arg13[%swap3A_237], %shift_right_logical3A_170 {strides = array<i32>} : memref<6400xi32, #tpu.memory_space<vmem>>, vector<16xi32>,
      %reduce_sum3A = arith.constant true
      %reduce_sum3A_239 = vector.broadcast %reduce_sum3A : i1 to vector<16xi1>
      %reduce_sum3A_240 = tpu.scan <sum>, %shift_right_logical3A_170 masked %reduce_sum3A_239 : vector<16xi32>, vector<16xi1> -> vector<16xi32>
      %reduce_sum3A_241 = vector.extract %reduce_sum3A_240[15] : i32 from vector<16xi32>
      %add3A_242 = arith.addi %select_n3A_183, %reduce_sum3A_241 : i32
      %jit3A_243 = arith.constant 20 : i32
      %eq3A_244 = arith.constant 0 : i32
      %eq3A_245 = arith.cmpi eq, %jit3A_243, %eq3A_244 : i32
      %jit3A_246 = arith.constant 1 : i32
      %select_n3A_247 = arith.select %eq3A_245, %jit3A_246, %jit3A_243 : i32
      %rem3A_248 = arith.remsi %scan3A_143, %select_n3A_247 : i32
      %ne3A_249 = arith.constant 0 : i32
      %ne3A_250 = arith.cmpi ne, %rem3A_248, %ne3A_249 : i32
      %lt3A_251 = arith.constant 0 : i32
      %lt3A_252 = arith.cmpi slt, %rem3A_248, %lt3A_251 : i32
      %lt3A_253 = arith.constant 0 : i32
      %lt3A_254 = arith.cmpi slt, %select_n3A_247, %lt3A_253 : i32
      %ne3A_255 = arith.xori %lt3A_252, %lt3A_254 : i1
      %and3A_256 = arith.andi %ne3A_255, %ne3A_250 : i1
      %add3A_257 = arith.addi %rem3A_248, %select_n3A_247 : i32
      %select_n3A_258 = arith.select %and3A_256, %add3A_257, %rem3A_248 : i32
      %eq3A_259 = arith.constant 19 : i32
      %eq3A_260 = arith.cmpi eq, %select_n3A_258, %eq3A_259 : i32
      %convert_element_type3A_261 = arith.extui %eq3A_260 : i1 to i32
      %cond3A_262 = arith.constant 0 : i32
      %cond3A_263 = arith.cmpi ne, %convert_element_type3A_261, %cond3A_262 : i32
      scf.if %cond3A_263 {
        %jit3A_264 = arith.constant 20 : i32
        %div3A_265 = arith.divsi %scan3A_143, %jit3A_264 : i32
        %sign3A_266 = arith.constant 0 : i32
        %sign3A_267 = arith.cmpi sgt, %scan3A_143, %sign3A_266 : i32
        %sign3A_268 = arith.extui %sign3A_267 : i1 to i32
        %sign3A_269 = arith.constant 0 : i32
        %sign3A_270 = arith.cmpi slt, %scan3A_143, %sign3A_269 : i32
        %sign3A_271 = arith.extui %sign3A_270 : i1 to i32
        %sign3A_272 = arith.subi %sign3A_268, %sign3A_271 : i32
        %sign3A_273 = arith.constant 0 : i32
        %sign3A_274 = arith.cmpi sgt, %jit3A_264, %sign3A_273 : i32
        %sign3A_275 = arith.extui %sign3A_274 : i1 to i32
        %sign3A_276 = arith.constant 0 : i32
        %sign3A_277 = arith.cmpi slt, %jit3A_264, %sign3A_276 : i32
        %sign3A_278 = arith.extui %sign3A_277 : i1 to i32
        %sign3A_279 = arith.subi %sign3A_275, %sign3A_278 : i32
        %ne3A_280 = arith.cmpi ne, %sign3A_272, %sign3A_279 : i32
        %rem3A_281 = arith.remsi %scan3A_143, %jit3A_264 : i32
        %ne3A_282 = arith.constant 0 : i32
        %ne3A_283 = arith.cmpi ne, %rem3A_281, %ne3A_282 : i32
        %and3A_284 = arith.andi %ne3A_280, %ne3A_283 : i1
        %sub3A_285 = arith.constant 1 : i32
        %sub3A_286 = arith.subi %div3A_265, %sub3A_285 : i32
        %select_n3A_287 = arith.select %and3A_284, %sub3A_286, %div3A_265 : i32
        %swap3A_288 = arith.index_cast %select_n3A_287 : i32 to index
        %swap3A_289 = memref.load %arg20[%swap3A_288] : memref<21xi32, #tpu.memory_space<smem>>
        memref.store %add3A_242, %arg20[%swap3A_288] : memref<21xi32, #tpu.memory_space<smem>>
      } else {
      }
      scf.yield %add3A_242 : i32
    }
    %scan3A_21 = arith.constant 400 : i32
    %dma_start3A_22 = tpu.memref_slice %arg8[%mul3A_2] : memref<204800xi32, #tpu.memory_space<hbm>> -> memref<6400xi32, #tpu.memory_space<hbm>>
    %dma_start3A_23 = tpu.memref_slice %arg8[%mul3A_2] : memref<204800xi32, #tpu.memory_space<hbm>> -> memref<6400xi32, #tpu.memory_space<hbm>>
    tpu.enqueue_dma source(%arg13 : memref<6400xi32, #tpu.memory_space<vmem>>) target(%dma_start3A_23 : memref<6400xi32, #tpu.memory_space<hbm>>) target_semaphore(%arg22 : memref<!tpu.dma_semaphore, #tpu.memory_space<semaphore_mem>>)
    %get3A = arith.constant 0 : i32
    %get3A_24 = arith.index_cast %get3A : i32 to index
    %get3A_25 = memref.load %arg20[%get3A_24] : memref<21xi32, #tpu.memory_space<smem>>
    %gt3A = arith.constant 0 : i32
    %gt3A_26 = arith.cmpi sgt, %get3A_25, %gt3A : i32
    %convert_element_type3A = arith.extui %gt3A_26 : i1 to i32
    %cond3A = arith.constant 0 : i32
    %cond3A_27 = arith.cmpi ne, %convert_element_type3A, %cond3A : i32
    scf.if %cond3A_27 {
      %dma_start3A_143 = arith.constant 0 : i32
      %dma_start3A_144 = arith.constant 0 : i32
      %dma_start3A_145 = tpu.memref_slice %arg16[%dma_start3A_143, %dma_start3A_144] : memref<320x64xf32, #tpu.memory_space<vmem>> -> memref<16x64xf32, #tpu.memory_space<vmem>>
      %dma_start3A_146 = arith.constant 0 : i32
      %dma_start3A_147 = tpu.memref_slice %arg11[%dma_start3A_146] : memref<6416xi32, #tpu.memory_space<vmem>> -> memref<16xi32, #tpu.memory_space<vmem>>
      %dma_start3A_148 = arith.constant 0 : i32
      %dma_start3A_149 = arith.constant 0 : i32
      %dma_start3A_150 = tpu.memref_slice %arg5[%dma_start3A_148, %dma_start3A_149] : memref<200000x64xf32, #tpu.memory_space<hbm>> -> memref<200000x64xf32, #tpu.memory_space<hbm>>
      tpu.enqueue_indirect_dma source(%dma_start3A_150 : memref<200000x64xf32, #tpu.memory_space<hbm>>) target(%dma_start3A_145 : memref<16x64xf32, #tpu.memory_space<vmem>>) offsets(%dma_start3A_147 : memref<16xi32, #tpu.memory_space<vmem>>) semaphore(%arg23 : memref<!tpu.dma_semaphore, #tpu.memory_space<semaphore_mem>>)
    } else {
    }
    %gt3A_28 = arith.constant 16 : i32
    %gt3A_29 = arith.cmpi sgt, %get3A_25, %gt3A_28 : i32
    %convert_element_type3A_30 = arith.extui %gt3A_29 : i1 to i32
    %cond3A_31 = arith.constant 0 : i32
    %cond3A_32 = arith.cmpi ne, %convert_element_type3A_30, %cond3A_31 : i32
    scf.if %cond3A_32 {
      %dma_start3A_143 = arith.constant 16 : i32
      %dma_start3A_144 = arith.constant 0 : i32
      %dma_start3A_145 = tpu.memref_slice %arg16[%dma_start3A_143, %dma_start3A_144] : memref<320x64xf32, #tpu.memory_space<vmem>> -> memref<16x64xf32, #tpu.memory_space<vmem>>
      %dma_start3A_146 = arith.constant 16 : i32
      %dma_start3A_147 = tpu.memref_slice %arg11[%dma_start3A_146] : memref<6416xi32, #tpu.memory_space<vmem>> -> memref<16xi32, #tpu.memory_space<vmem>>
      %dma_start3A_148 = arith.constant 0 : i32
      %dma_start3A_149 = arith.constant 0 : i32
      %dma_start3A_150 = tpu.memref_slice %arg5[%dma_start3A_148, %dma_start3A_149] : memref<200000x64xf32, #tpu.memory_space<hbm>> -> memref<200000x64xf32, #tpu.memory_space<hbm>>
      tpu.enqueue_indirect_dma source(%dma_start3A_150 : memref<200000x64xf32, #tpu.memory_space<hbm>>) target(%dma_start3A_145 : memref<16x64xf32, #tpu.memory_space<vmem>>) offsets(%dma_start3A_147 : memref<16xi32, #tpu.memory_space<vmem>>) semaphore(%arg23 : memref<!tpu.dma_semaphore, #tpu.memory_space<semaphore_mem>>)
    } else {
    }
    %gt3A_33 = arith.constant 32 : i32
    %gt3A_34 = arith.cmpi sgt, %get3A_25, %gt3A_33 : i32
    %convert_element_type3A_35 = arith.extui %gt3A_34 : i1 to i32
    %cond3A_36 = arith.constant 0 : i32
    %cond3A_37 = arith.cmpi ne, %convert_element_type3A_35, %cond3A_36 : i32
    scf.if %cond3A_37 {
      %dma_start3A_143 = arith.constant 32 : i32
      %dma_start3A_144 = arith.constant 0 : i32
      %dma_start3A_145 = tpu.memref_slice %arg16[%dma_start3A_143, %dma_start3A_144] : memref<320x64xf32, #tpu.memory_space<vmem>> -> memref<16x64xf32, #tpu.memory_space<vmem>>
      %dma_start3A_146 = arith.constant 32 : i32
      %dma_start3A_147 = tpu.memref_slice %arg11[%dma_start3A_146] : memref<6416xi32, #tpu.memory_space<vmem>> -> memref<16xi32, #tpu.memory_space<vmem>>
      %dma_start3A_148 = arith.constant 0 : i32
      %dma_start3A_149 = arith.constant 0 : i32
      %dma_start3A_150 = tpu.memref_slice %arg5[%dma_start3A_148, %dma_start3A_149] : memref<200000x64xf32, #tpu.memory_space<hbm>> -> memref<200000x64xf32, #tpu.memory_space<hbm>>
      tpu.enqueue_indirect_dma source(%dma_start3A_150 : memref<200000x64xf32, #tpu.memory_space<hbm>>) target(%dma_start3A_145 : memref<16x64xf32, #tpu.memory_space<vmem>>) offsets(%dma_start3A_147 : memref<16xi32, #tpu.memory_space<vmem>>) semaphore(%arg23 : memref<!tpu.dma_semaphore, #tpu.memory_space<semaphore_mem>>)
    } else {
    }
    %gt3A_38 = arith.constant 48 : i32
    %gt3A_39 = arith.cmpi sgt, %get3A_25, %gt3A_38 : i32
    %convert_element_type3A_40 = arith.extui %gt3A_39 : i1 to i32
    %cond3A_41 = arith.constant 0 : i32
    %cond3A_42 = arith.cmpi ne, %convert_element_type3A_40, %cond3A_41 : i32
    scf.if %cond3A_42 {
      %dma_start3A_143 = arith.constant 48 : i32
      %dma_start3A_144 = arith.constant 0 : i32
      %dma_start3A_145 = tpu.memref_slice %arg16[%dma_start3A_143, %dma_start3A_144] : memref<320x64xf32, #tpu.memory_space<vmem>> -> memref<16x64xf32, #tpu.memory_space<vmem>>
      %dma_start3A_146 = arith.constant 48 : i32
      %dma_start3A_147 = tpu.memref_slice %arg11[%dma_start3A_146] : memref<6416xi32, #tpu.memory_space<vmem>> -> memref<16xi32, #tpu.memory_space<vmem>>
      %dma_start3A_148 = arith.constant 0 : i32
      %dma_start3A_149 = arith.constant 0 : i32
      %dma_start3A_150 = tpu.memref_slice %arg5[%dma_start3A_148, %dma_start3A_149] : memref<200000x64xf32, #tpu.memory_space<hbm>> -> memref<200000x64xf32, #tpu.memory_space<hbm>>
      tpu.enqueue_indirect_dma source(%dma_start3A_150 : memref<200000x64xf32, #tpu.memory_space<hbm>>) target(%dma_start3A_145 : memref<16x64xf32, #tpu.memory_space<vmem>>) offsets(%dma_start3A_147 : memref<16xi32, #tpu.memory_space<vmem>>) semaphore(%arg23 : memref<!tpu.dma_semaphore, #tpu.memory_space<semaphore_mem>>)
    } else {
    }
    %gt3A_43 = arith.constant 64 : i32
    %gt3A_44 = arith.cmpi sgt, %get3A_25, %gt3A_43 : i32
    %convert_element_type3A_45 = arith.extui %gt3A_44 : i1 to i32
    %cond3A_46 = arith.constant 0 : i32
    %cond3A_47 = arith.cmpi ne, %convert_element_type3A_45, %cond3A_46 : i32
    scf.if %cond3A_47 {
      %dma_start3A_143 = arith.constant 64 : i32
      %dma_start3A_144 = arith.constant 0 : i32
      %dma_start3A_145 = tpu.memref_slice %arg16[%dma_start3A_143, %dma_start3A_144] : memref<320x64xf32, #tpu.memory_space<vmem>> -> memref<16x64xf32, #tpu.memory_space<vmem>>
      %dma_start3A_146 = arith.constant 64 : i32
      %dma_start3A_147 = tpu.memref_slice %arg11[%dma_start3A_146] : memref<6416xi32, #tpu.memory_space<vmem>> -> memref<16xi32, #tpu.memory_space<vmem>>
      %dma_start3A_148 = arith.constant 0 : i32
      %dma_start3A_149 = arith.constant 0 : i32
      %dma_start3A_150 = tpu.memref_slice %arg5[%dma_start3A_148, %dma_start3A_149] : memref<200000x64xf32, #tpu.memory_space<hbm>> -> memref<200000x64xf32, #tpu.memory_space<hbm>>
      tpu.enqueue_indirect_dma source(%dma_start3A_150 : memref<200000x64xf32, #tpu.memory_space<hbm>>) target(%dma_start3A_145 : memref<16x64xf32, #tpu.memory_space<vmem>>) offsets(%dma_start3A_147 : memref<16xi32, #tpu.memory_space<vmem>>) semaphore(%arg23 : memref<!tpu.dma_semaphore, #tpu.memory_space<semaphore_mem>>)
    } else {
    }
    %gt3A_48 = arith.constant 80 : i32
    %gt3A_49 = arith.cmpi sgt, %get3A_25, %gt3A_48 : i32
    %convert_element_type3A_50 = arith.extui %gt3A_49 : i1 to i32
    %cond3A_51 = arith.constant 0 : i32
    %cond3A_52 = arith.cmpi ne, %convert_element_type3A_50, %cond3A_51 : i32
    scf.if %cond3A_52 {
      %dma_start3A_143 = arith.constant 80 : i32
      %dma_start3A_144 = arith.constant 0 : i32
      %dma_start3A_145 = tpu.memref_slice %arg16[%dma_start3A_143, %dma_start3A_144] : memref<320x64xf32, #tpu.memory_space<vmem>> -> memref<16x64xf32, #tpu.memory_space<vmem>>
      %dma_start3A_146 = arith.constant 80 : i32
      %dma_start3A_147 = tpu.memref_slice %arg11[%dma_start3A_146] : memref<6416xi32, #tpu.memory_space<vmem>> -> memref<16xi32, #tpu.memory_space<vmem>>
      %dma_start3A_148 = arith.constant 0 : i32
      %dma_start3A_149 = arith.constant 0 : i32
      %dma_start3A_150 = tpu.memref_slice %arg5[%dma_start3A_148, %dma_start3A_149] : memref<200000x64xf32, #tpu.memory_space<hbm>> -> memref<200000x64xf32, #tpu.memory_space<hbm>>
      tpu.enqueue_indirect_dma source(%dma_start3A_150 : memref<200000x64xf32, #tpu.memory_space<hbm>>) target(%dma_start3A_145 : memref<16x64xf32, #tpu.memory_space<vmem>>) offsets(%dma_start3A_147 : memref<16xi32, #tpu.memory_space<vmem>>) semaphore(%arg23 : memref<!tpu.dma_semaphore, #tpu.memory_space<semaphore_mem>>)
    } else {
    }
    %gt3A_53 = arith.constant 96 : i32
    %gt3A_54 = arith.cmpi sgt, %get3A_25, %gt3A_53 : i32
    %convert_element_type3A_55 = arith.extui %gt3A_54 : i1 to i32
    %cond3A_56 = arith.constant 0 : i32
    %cond3A_57 = arith.cmpi ne, %convert_element_type3A_55, %cond3A_56 : i32
    scf.if %cond3A_57 {
      %dma_start3A_143 = arith.constant 96 : i32
      %dma_start3A_144 = arith.constant 0 : i32
      %dma_start3A_145 = tpu.memref_slice %arg16[%dma_start3A_143, %dma_start3A_144] : memref<320x64xf32, #tpu.memory_space<vmem>> -> memref<16x64xf32, #tpu.memory_space<vmem>>
      %dma_start3A_146 = arith.constant 96 : i32
      %dma_start3A_147 = tpu.memref_slice %arg11[%dma_start3A_146] : memref<6416xi32, #tpu.memory_space<vmem>> -> memref<16xi32, #tpu.memory_space<vmem>>
      %dma_start3A_148 = arith.constant 0 : i32
      %dma_start3A_149 = arith.constant 0 : i32
      %dma_start3A_150 = tpu.memref_slice %arg5[%dma_start3A_148, %dma_start3A_149] : memref<200000x64xf32, #tpu.memory_space<hbm>> -> memref<200000x64xf32, #tpu.memory_space<hbm>>
      tpu.enqueue_indirect_dma source(%dma_start3A_150 : memref<200000x64xf32, #tpu.memory_space<hbm>>) target(%dma_start3A_145 : memref<16x64xf32, #tpu.memory_space<vmem>>) offsets(%dma_start3A_147 : memref<16xi32, #tpu.memory_space<vmem>>) semaphore(%arg23 : memref<!tpu.dma_semaphore, #tpu.memory_space<semaphore_mem>>)
    } else {
    }
    %gt3A_58 = arith.constant 112 : i32
    %gt3A_59 = arith.cmpi sgt, %get3A_25, %gt3A_58 : i32
    %convert_element_type3A_60 = arith.extui %gt3A_59 : i1 to i32
    %cond3A_61 = arith.constant 0 : i32
    %cond3A_62 = arith.cmpi ne, %convert_element_type3A_60, %cond3A_61 : i32
    scf.if %cond3A_62 {
      %dma_start3A_143 = arith.constant 112 : i32
      %dma_start3A_144 = arith.constant 0 : i32
      %dma_start3A_145 = tpu.memref_slice %arg16[%dma_start3A_143, %dma_start3A_144] : memref<320x64xf32, #tpu.memory_space<vmem>> -> memref<16x64xf32, #tpu.memory_space<vmem>>
      %dma_start3A_146 = arith.constant 112 : i32
      %dma_start3A_147 = tpu.memref_slice %arg11[%dma_start3A_146] : memref<6416xi32, #tpu.memory_space<vmem>> -> memref<16xi32, #tpu.memory_space<vmem>>
      %dma_start3A_148 = arith.constant 0 : i32
      %dma_start3A_149 = arith.constant 0 : i32
      %dma_start3A_150 = tpu.memref_slice %arg5[%dma_start3A_148, %dma_start3A_149] : memref<200000x64xf32, #tpu.memory_space<hbm>> -> memref<200000x64xf32, #tpu.memory_space<hbm>>
      tpu.enqueue_indirect_dma source(%dma_start3A_150 : memref<200000x64xf32, #tpu.memory_space<hbm>>) target(%dma_start3A_145 : memref<16x64xf32, #tpu.memory_space<vmem>>) offsets(%dma_start3A_147 : memref<16xi32, #tpu.memory_space<vmem>>) semaphore(%arg23 : memref<!tpu.dma_semaphore, #tpu.memory_space<semaphore_mem>>)
    } else {
    }
    %gt3A_63 = arith.constant 128 : i32
    %gt3A_64 = arith.cmpi sgt, %get3A_25, %gt3A_63 : i32
    %convert_element_type3A_65 = arith.extui %gt3A_64 : i1 to i32
    %cond3A_66 = arith.constant 0 : i32
    %cond3A_67 = arith.cmpi ne, %convert_element_type3A_65, %cond3A_66 : i32
    scf.if %cond3A_67 {
      %dma_start3A_143 = arith.constant 128 : i32
      %dma_start3A_144 = arith.constant 0 : i32
      %dma_start3A_145 = tpu.memref_slice %arg16[%dma_start3A_143, %dma_start3A_144] : memref<320x64xf32, #tpu.memory_space<vmem>> -> memref<16x64xf32, #tpu.memory_space<vmem>>
      %dma_start3A_146 = arith.constant 128 : i32
      %dma_start3A_147 = tpu.memref_slice %arg11[%dma_start3A_146] : memref<6416xi32, #tpu.memory_space<vmem>> -> memref<16xi32, #tpu.memory_space<vmem>>
      %dma_start3A_148 = arith.constant 0 : i32
      %dma_start3A_149 = arith.constant 0 : i32
      %dma_start3A_150 = tpu.memref_slice %arg5[%dma_start3A_148, %dma_start3A_149] : memref<200000x64xf32, #tpu.memory_space<hbm>> -> memref<200000x64xf32, #tpu.memory_space<hbm>>
      tpu.enqueue_indirect_dma source(%dma_start3A_150 : memref<200000x64xf32, #tpu.memory_space<hbm>>) target(%dma_start3A_145 : memref<16x64xf32, #tpu.memory_space<vmem>>) offsets(%dma_start3A_147 : memref<16xi32, #tpu.memory_space<vmem>>) semaphore(%arg23 : memref<!tpu.dma_semaphore, #tpu.memory_space<semaphore_mem>>)
    } else {
    }
    %gt3A_68 = arith.constant 144 : i32
    %gt3A_69 = arith.cmpi sgt, %get3A_25, %gt3A_68 : i32
    %convert_element_type3A_70 = arith.extui %gt3A_69 : i1 to i32
    %cond3A_71 = arith.constant 0 : i32
    %cond3A_72 = arith.cmpi ne, %convert_element_type3A_70, %cond3A_71 : i32
    scf.if %cond3A_72 {
      %dma_start3A_143 = arith.constant 144 : i32
      %dma_start3A_144 = arith.constant 0 : i32
      %dma_start3A_145 = tpu.memref_slice %arg16[%dma_start3A_143, %dma_start3A_144] : memref<320x64xf32, #tpu.memory_space<vmem>> -> memref<16x64xf32, #tpu.memory_space<vmem>>
      %dma_start3A_146 = arith.constant 144 : i32
      %dma_start3A_147 = tpu.memref_slice %arg11[%dma_start3A_146] : memref<6416xi32, #tpu.memory_space<vmem>> -> memref<16xi32, #tpu.memory_space<vmem>>
      %dma_start3A_148 = arith.constant 0 : i32
      %dma_start3A_149 = arith.constant 0 : i32
      %dma_start3A_150 = tpu.memref_slice %arg5[%dma_start3A_148, %dma_start3A_149] : memref<200000x64xf32, #tpu.memory_space<hbm>> -> memref<200000x64xf32, #tpu.memory_space<hbm>>
      tpu.enqueue_indirect_dma source(%dma_start3A_150 : memref<200000x64xf32, #tpu.memory_space<hbm>>) target(%dma_start3A_145 : memref<16x64xf32, #tpu.memory_space<vmem>>) offsets(%dma_start3A_147 : memref<16xi32, #tpu.memory_space<vmem>>) semaphore(%arg23 : memref<!tpu.dma_semaphore, #tpu.memory_space<semaphore_mem>>)
    } else {
    }
    %gt3A_73 = arith.constant 160 : i32
    %gt3A_74 = arith.cmpi sgt, %get3A_25, %gt3A_73 : i32
    %convert_element_type3A_75 = arith.extui %gt3A_74 : i1 to i32
    %cond3A_76 = arith.constant 0 : i32
    %cond3A_77 = arith.cmpi ne, %convert_element_type3A_75, %cond3A_76 : i32
    scf.if %cond3A_77 {
      %dma_start3A_143 = arith.constant 160 : i32
      %dma_start3A_144 = arith.constant 0 : i32
      %dma_start3A_145 = tpu.memref_slice %arg16[%dma_start3A_143, %dma_start3A_144] : memref<320x64xf32, #tpu.memory_space<vmem>> -> memref<16x64xf32, #tpu.memory_space<vmem>>
      %dma_start3A_146 = arith.constant 160 : i32
      %dma_start3A_147 = tpu.memref_slice %arg11[%dma_start3A_146] : memref<6416xi32, #tpu.memory_space<vmem>> -> memref<16xi32, #tpu.memory_space<vmem>>
      %dma_start3A_148 = arith.constant 0 : i32
      %dma_start3A_149 = arith.constant 0 : i32
      %dma_start3A_150 = tpu.memref_slice %arg5[%dma_start3A_148, %dma_start3A_149] : memref<200000x64xf32, #tpu.memory_space<hbm>> -> memref<200000x64xf32, #tpu.memory_space<hbm>>
      tpu.enqueue_indirect_dma source(%dma_start3A_150 : memref<200000x64xf32, #tpu.memory_space<hbm>>) target(%dma_start3A_145 : memref<16x64xf32, #tpu.memory_space<vmem>>) offsets(%dma_start3A_147 : memref<16xi32, #tpu.memory_space<vmem>>) semaphore(%arg23 : memref<!tpu.dma_semaphore, #tpu.memory_space<semaphore_mem>>)
    } else {
    }
    %gt3A_78 = arith.constant 176 : i32
    %gt3A_79 = arith.cmpi sgt, %get3A_25, %gt3A_78 : i32
    %convert_element_type3A_80 = arith.extui %gt3A_79 : i1 to i32
    %cond3A_81 = arith.constant 0 : i32
    %cond3A_82 = arith.cmpi ne, %convert_element_type3A_80, %cond3A_81 : i32
    scf.if %cond3A_82 {
      %dma_start3A_143 = arith.constant 176 : i32
      %dma_start3A_144 = arith.constant 0 : i32
      %dma_start3A_145 = tpu.memref_slice %arg16[%dma_start3A_143, %dma_start3A_144] : memref<320x64xf32, #tpu.memory_space<vmem>> -> memref<16x64xf32, #tpu.memory_space<vmem>>
      %dma_start3A_146 = arith.constant 176 : i32
      %dma_start3A_147 = tpu.memref_slice %arg11[%dma_start3A_146] : memref<6416xi32, #tpu.memory_space<vmem>> -> memref<16xi32, #tpu.memory_space<vmem>>
      %dma_start3A_148 = arith.constant 0 : i32
      %dma_start3A_149 = arith.constant 0 : i32
      %dma_start3A_150 = tpu.memref_slice %arg5[%dma_start3A_148, %dma_start3A_149] : memref<200000x64xf32, #tpu.memory_space<hbm>> -> memref<200000x64xf32, #tpu.memory_space<hbm>>
      tpu.enqueue_indirect_dma source(%dma_start3A_150 : memref<200000x64xf32, #tpu.memory_space<hbm>>) target(%dma_start3A_145 : memref<16x64xf32, #tpu.memory_space<vmem>>) offsets(%dma_start3A_147 : memref<16xi32, #tpu.memory_space<vmem>>) semaphore(%arg23 : memref<!tpu.dma_semaphore, #tpu.memory_space<semaphore_mem>>)
    } else {
    }
    %gt3A_83 = arith.constant 192 : i32
    %gt3A_84 = arith.cmpi sgt, %get3A_25, %gt3A_83 : i32
    %convert_element_type3A_85 = arith.extui %gt3A_84 : i1 to i32
    %cond3A_86 = arith.constant 0 : i32
    %cond3A_87 = arith.cmpi ne, %convert_element_type3A_85, %cond3A_86 : i32
    scf.if %cond3A_87 {
      %dma_start3A_143 = arith.constant 192 : i32
      %dma_start3A_144 = arith.constant 0 : i32
      %dma_start3A_145 = tpu.memref_slice %arg16[%dma_start3A_143, %dma_start3A_144] : memref<320x64xf32, #tpu.memory_space<vmem>> -> memref<16x64xf32, #tpu.memory_space<vmem>>
      %dma_start3A_146 = arith.constant 192 : i32
      %dma_start3A_147 = tpu.memref_slice %arg11[%dma_start3A_146] : memref<6416xi32, #tpu.memory_space<vmem>> -> memref<16xi32, #tpu.memory_space<vmem>>
      %dma_start3A_148 = arith.constant 0 : i32
      %dma_start3A_149 = arith.constant 0 : i32
      %dma_start3A_150 = tpu.memref_slice %arg5[%dma_start3A_148, %dma_start3A_149] : memref<200000x64xf32, #tpu.memory_space<hbm>> -> memref<200000x64xf32, #tpu.memory_space<hbm>>
      tpu.enqueue_indirect_dma source(%dma_start3A_150 : memref<200000x64xf32, #tpu.memory_space<hbm>>) target(%dma_start3A_145 : memref<16x64xf32, #tpu.memory_space<vmem>>) offsets(%dma_start3A_147 : memref<16xi32, #tpu.memory_space<vmem>>) semaphore(%arg23 : memref<!tpu.dma_semaphore, #tpu.memory_space<semaphore_mem>>)
    } else {
    }
    %gt3A_88 = arith.constant 208 : i32
    %gt3A_89 = arith.cmpi sgt, %get3A_25, %gt3A_88 : i32
    %convert_element_type3A_90 = arith.extui %gt3A_89 : i1 to i32
    %cond3A_91 = arith.constant 0 : i32
    %cond3A_92 = arith.cmpi ne, %convert_element_type3A_90, %cond3A_91 : i32
    scf.if %cond3A_92 {
      %dma_start3A_143 = arith.constant 208 : i32
      %dma_start3A_144 = arith.constant 0 : i32
      %dma_start3A_145 = tpu.memref_slice %arg16[%dma_start3A_143, %dma_start3A_144] : memref<320x64xf32, #tpu.memory_space<vmem>> -> memref<16x64xf32, #tpu.memory_space<vmem>>
      %dma_start3A_146 = arith.constant 208 : i32
      %dma_start3A_147 = tpu.memref_slice %arg11[%dma_start3A_146] : memref<6416xi32, #tpu.memory_space<vmem>> -> memref<16xi32, #tpu.memory_space<vmem>>
      %dma_start3A_148 = arith.constant 0 : i32
      %dma_start3A_149 = arith.constant 0 : i32
      %dma_start3A_150 = tpu.memref_slice %arg5[%dma_start3A_148, %dma_start3A_149] : memref<200000x64xf32, #tpu.memory_space<hbm>> -> memref<200000x64xf32, #tpu.memory_space<hbm>>
      tpu.enqueue_indirect_dma source(%dma_start3A_150 : memref<200000x64xf32, #tpu.memory_space<hbm>>) target(%dma_start3A_145 : memref<16x64xf32, #tpu.memory_space<vmem>>) offsets(%dma_start3A_147 : memref<16xi32, #tpu.memory_space<vmem>>) semaphore(%arg23 : memref<!tpu.dma_semaphore, #tpu.memory_space<semaphore_mem>>)
    } else {
    }
    %gt3A_93 = arith.constant 224 : i32
    %gt3A_94 = arith.cmpi sgt, %get3A_25, %gt3A_93 : i32
    %convert_element_type3A_95 = arith.extui %gt3A_94 : i1 to i32
    %cond3A_96 = arith.constant 0 : i32
    %cond3A_97 = arith.cmpi ne, %convert_element_type3A_95, %cond3A_96 : i32
    scf.if %cond3A_97 {
      %dma_start3A_143 = arith.constant 224 : i32
      %dma_start3A_144 = arith.constant 0 : i32
      %dma_start3A_145 = tpu.memref_slice %arg16[%dma_start3A_143, %dma_start3A_144] : memref<320x64xf32, #tpu.memory_space<vmem>> -> memref<16x64xf32, #tpu.memory_space<vmem>>
      %dma_start3A_146 = arith.constant 224 : i32
      %dma_start3A_147 = tpu.memref_slice %arg11[%dma_start3A_146] : memref<6416xi32, #tpu.memory_space<vmem>> -> memref<16xi32, #tpu.memory_space<vmem>>
      %dma_start3A_148 = arith.constant 0 : i32
      %dma_start3A_149 = arith.constant 0 : i32
      %dma_start3A_150 = tpu.memref_slice %arg5[%dma_start3A_148, %dma_start3A_149] : memref<200000x64xf32, #tpu.memory_space<hbm>> -> memref<200000x64xf32, #tpu.memory_space<hbm>>
      tpu.enqueue_indirect_dma source(%dma_start3A_150 : memref<200000x64xf32, #tpu.memory_space<hbm>>) target(%dma_start3A_145 : memref<16x64xf32, #tpu.memory_space<vmem>>) offsets(%dma_start3A_147 : memref<16xi32, #tpu.memory_space<vmem>>) semaphore(%arg23 : memref<!tpu.dma_semaphore, #tpu.memory_space<semaphore_mem>>)
    } else {
    }
    %gt3A_98 = arith.constant 240 : i32
    %gt3A_99 = arith.cmpi sgt, %get3A_25, %gt3A_98 : i32
    %convert_element_type3A_100 = arith.extui %gt3A_99 : i1 to i32
    %cond3A_101 = arith.constant 0 : i32
    %cond3A_102 = arith.cmpi ne, %convert_element_type3A_100, %cond3A_101 : i32
    scf.if %cond3A_102 {
      %dma_start3A_143 = arith.constant 240 : i32
      %dma_start3A_144 = arith.constant 0 : i32
      %dma_start3A_145 = tpu.memref_slice %arg16[%dma_start3A_143, %dma_start3A_144] : memref<320x64xf32, #tpu.memory_space<vmem>> -> memref<16x64xf32, #tpu.memory_space<vmem>>
      %dma_start3A_146 = arith.constant 240 : i32
      %dma_start3A_147 = tpu.memref_slice %arg11[%dma_start3A_146] : memref<6416xi32, #tpu.memory_space<vmem>> -> memref<16xi32, #tpu.memory_space<vmem>>
      %dma_start3A_148 = arith.constant 0 : i32
      %dma_start3A_149 = arith.constant 0 : i32
      %dma_start3A_150 = tpu.memref_slice %arg5[%dma_start3A_148, %dma_start3A_149] : memref<200000x64xf32, #tpu.memory_space<hbm>> -> memref<200000x64xf32, #tpu.memory_space<hbm>>
      tpu.enqueue_indirect_dma source(%dma_start3A_150 : memref<200000x64xf32, #tpu.memory_space<hbm>>) target(%dma_start3A_145 : memref<16x64xf32, #tpu.memory_space<vmem>>) offsets(%dma_start3A_147 : memref<16xi32, #tpu.memory_space<vmem>>) semaphore(%arg23 : memref<!tpu.dma_semaphore, #tpu.memory_space<semaphore_mem>>)
    } else {
    }
    %gt3A_103 = arith.constant 256 : i32
    %gt3A_104 = arith.cmpi sgt, %get3A_25, %gt3A_103 : i32
    %convert_element_type3A_105 = arith.extui %gt3A_104 : i1 to i32
    %cond3A_106 = arith.constant 0 : i32
    %cond3A_107 = arith.cmpi ne, %convert_element_type3A_105, %cond3A_106 : i32
    scf.if %cond3A_107 {
      %dma_start3A_143 = arith.constant 256 : i32
      %dma_start3A_144 = arith.constant 0 : i32
      %dma_start3A_145 = tpu.memref_slice %arg16[%dma_start3A_143, %dma_start3A_144] : memref<320x64xf32, #tpu.memory_space<vmem>> -> memref<16x64xf32, #tpu.memory_space<vmem>>
      %dma_start3A_146 = arith.constant 256 : i32
      %dma_start3A_147 = tpu.memref_slice %arg11[%dma_start3A_146] : memref<6416xi32, #tpu.memory_space<vmem>> -> memref<16xi32, #tpu.memory_space<vmem>>
      %dma_start3A_148 = arith.constant 0 : i32
      %dma_start3A_149 = arith.constant 0 : i32
      %dma_start3A_150 = tpu.memref_slice %arg5[%dma_start3A_148, %dma_start3A_149] : memref<200000x64xf32, #tpu.memory_space<hbm>> -> memref<200000x64xf32, #tpu.memory_space<hbm>>
      tpu.enqueue_indirect_dma source(%dma_start3A_150 : memref<200000x64xf32, #tpu.memory_space<hbm>>) target(%dma_start3A_145 : memref<16x64xf32, #tpu.memory_space<vmem>>) offsets(%dma_start3A_147 : memref<16xi32, #tpu.memory_space<vmem>>) semaphore(%arg23 : memref<!tpu.dma_semaphore, #tpu.memory_space<semaphore_mem>>)
    } else {
    }
    %gt3A_108 = arith.constant 272 : i32
    %gt3A_109 = arith.cmpi sgt, %get3A_25, %gt3A_108 : i32
    %convert_element_type3A_110 = arith.extui %gt3A_109 : i1 to i32
    %cond3A_111 = arith.constant 0 : i32
    %cond3A_112 = arith.cmpi ne, %convert_element_type3A_110, %cond3A_111 : i32
    scf.if %cond3A_112 {
      %dma_start3A_143 = arith.constant 272 : i32
      %dma_start3A_144 = arith.constant 0 : i32
      %dma_start3A_145 = tpu.memref_slice %arg16[%dma_start3A_143, %dma_start3A_144] : memref<320x64xf32, #tpu.memory_space<vmem>> -> memref<16x64xf32, #tpu.memory_space<vmem>>
      %dma_start3A_146 = arith.constant 272 : i32
      %dma_start3A_147 = tpu.memref_slice %arg11[%dma_start3A_146] : memref<6416xi32, #tpu.memory_space<vmem>> -> memref<16xi32, #tpu.memory_space<vmem>>
      %dma_start3A_148 = arith.constant 0 : i32
      %dma_start3A_149 = arith.constant 0 : i32
      %dma_start3A_150 = tpu.memref_slice %arg5[%dma_start3A_148, %dma_start3A_149] : memref<200000x64xf32, #tpu.memory_space<hbm>> -> memref<200000x64xf32, #tpu.memory_space<hbm>>
      tpu.enqueue_indirect_dma source(%dma_start3A_150 : memref<200000x64xf32, #tpu.memory_space<hbm>>) target(%dma_start3A_145 : memref<16x64xf32, #tpu.memory_space<vmem>>) offsets(%dma_start3A_147 : memref<16xi32, #tpu.memory_space<vmem>>) semaphore(%arg23 : memref<!tpu.dma_semaphore, #tpu.memory_space<semaphore_mem>>)
    } else {
    }
    %gt3A_113 = arith.constant 288 : i32
    %gt3A_114 = arith.cmpi sgt, %get3A_25, %gt3A_113 : i32
    %convert_element_type3A_115 = arith.extui %gt3A_114 : i1 to i32
    %cond3A_116 = arith.constant 0 : i32
    %cond3A_117 = arith.cmpi ne, %convert_element_type3A_115, %cond3A_116 : i32
    scf.if %cond3A_117 {
      %dma_start3A_143 = arith.constant 288 : i32
      %dma_start3A_144 = arith.constant 0 : i32
      %dma_start3A_145 = tpu.memref_slice %arg16[%dma_start3A_143, %dma_start3A_144] : memref<320x64xf32, #tpu.memory_space<vmem>> -> memref<16x64xf32, #tpu.memory_space<vmem>>
      %dma_start3A_146 = arith.constant 288 : i32
      %dma_start3A_147 = tpu.memref_slice %arg11[%dma_start3A_146] : memref<6416xi32, #tpu.memory_space<vmem>> -> memref<16xi32, #tpu.memory_space<vmem>>
      %dma_start3A_148 = arith.constant 0 : i32
      %dma_start3A_149 = arith.constant 0 : i32
      %dma_start3A_150 = tpu.memref_slice %arg5[%dma_start3A_148, %dma_start3A_149] : memref<200000x64xf32, #tpu.memory_space<hbm>> -> memref<200000x64xf32, #tpu.memory_space<hbm>>
      tpu.enqueue_indirect_dma source(%dma_start3A_150 : memref<200000x64xf32, #tpu.memory_space<hbm>>) target(%dma_start3A_145 : memref<16x64xf32, #tpu.memory_space<vmem>>) offsets(%dma_start3A_147 : memref<16xi32, #tpu.memory_space<vmem>>) semaphore(%arg23 : memref<!tpu.dma_semaphore, #tpu.memory_space<semaphore_mem>>)
    } else {
    }
    %gt3A_118 = arith.constant 304 : i32
    %gt3A_119 = arith.cmpi sgt, %get3A_25, %gt3A_118 : i32
    %convert_element_type3A_120 = arith.extui %gt3A_119 : i1 to i32
    %cond3A_121 = arith.constant 0 : i32
    %cond3A_122 = arith.cmpi ne, %convert_element_type3A_120, %cond3A_121 : i32
    scf.if %cond3A_122 {
      %dma_start3A_143 = arith.constant 304 : i32
      %dma_start3A_144 = arith.constant 0 : i32
      %dma_start3A_145 = tpu.memref_slice %arg16[%dma_start3A_143, %dma_start3A_144] : memref<320x64xf32, #tpu.memory_space<vmem>> -> memref<16x64xf32, #tpu.memory_space<vmem>>
      %dma_start3A_146 = arith.constant 304 : i32
      %dma_start3A_147 = tpu.memref_slice %arg11[%dma_start3A_146] : memref<6416xi32, #tpu.memory_space<vmem>> -> memref<16xi32, #tpu.memory_space<vmem>>
      %dma_start3A_148 = arith.constant 0 : i32
      %dma_start3A_149 = arith.constant 0 : i32
      %dma_start3A_150 = tpu.memref_slice %arg5[%dma_start3A_148, %dma_start3A_149] : memref<200000x64xf32, #tpu.memory_space<hbm>> -> memref<200000x64xf32, #tpu.memory_space<hbm>>
      tpu.enqueue_indirect_dma source(%dma_start3A_150 : memref<200000x64xf32, #tpu.memory_space<hbm>>) target(%dma_start3A_145 : memref<16x64xf32, #tpu.memory_space<vmem>>) offsets(%dma_start3A_147 : memref<16xi32, #tpu.memory_space<vmem>>) semaphore(%arg23 : memref<!tpu.dma_semaphore, #tpu.memory_space<semaphore_mem>>)
    } else {
    }
    %scan3A_123 = arith.constant 0 : i32
    %scan3A_124 = arith.constant 0 : i32
    %scan3A_125 = arith.constant 10 : i32
    %scan3A_126 = arith.addi %scan3A_124, %scan3A_125 : i32
    %scan3A_127 = arith.constant 1 : i32
    scf.for %scan3A_143 = %scan3A_124 to %scan3A_126 step %scan3A_127  : i32 {
      %mul3A_144 = arith.constant 2 : i32
      %mul3A_145 = arith.muli %scan3A_143, %mul3A_144 : i32
      %add3A_146 = arith.constant 0 : i32
      %add3A_147 = arith.addi %mul3A_145, %add3A_146 : i32
      %add3A_148 = arith.constant 1 : i32
      %add3A_149 = arith.addi %add3A_147, %add3A_148 : i32
      %add3A_150 = arith.constant 1 : i32
      %add3A_151 = arith.addi %add3A_147, %add3A_150 : i32
      %le3A = arith.constant 19 : i32
      %le3A_152 = arith.cmpi sle, %add3A_151, %le3A : i32
      %get3A_153 = arith.index_cast %add3A_149 : i32 to index
      %get3A_154 = memref.load %arg20[%get3A_153] : memref<21xi32, #tpu.memory_space<smem>>
      %gt3A_155 = arith.constant 0 : i32
      %gt3A_156 = arith.cmpi sgt, %get3A_154, %gt3A_155 : i32
      %and3A = arith.andi %le3A_152, %gt3A_156 : i1
      %convert_element_type3A_157 = arith.extui %and3A : i1 to i32
      %cond3A_158 = arith.constant 0 : i32
      %cond3A_159 = arith.cmpi ne, %convert_element_type3A_157, %cond3A_158 : i32
      scf.if %cond3A_159 {
        %mul3A_645 = arith.constant 320 : i32
        %mul3A_646 = arith.muli %add3A_149, %mul3A_645 : i32
        %add3A_647 = arith.constant 0 : i32
        %add3A_648 = arith.addi %mul3A_646, %add3A_647 : i32
        %dma_start3A_649 = arith.constant 0 : i32
        %dma_start3A_650 = arith.constant 0 : i32
        %dma_start3A_651 = tpu.memref_slice %arg17[%dma_start3A_649, %dma_start3A_650] : memref<320x64xf32, #tpu.memory_space<vmem>> -> memref<16x64xf32, #tpu.memory_space<vmem>>
        %dma_start3A_652 = tpu.memref_slice %arg11[%add3A_648] : memref<6416xi32, #tpu.memory_space<vmem>> -> memref<16xi32, #tpu.memory_space<vmem>>
        %dma_start3A_653 = arith.constant 0 : i32
        %dma_start3A_654 = arith.constant 0 : i32
        %dma_start3A_655 = tpu.memref_slice %arg5[%dma_start3A_653, %dma_start3A_654] : memref<200000x64xf32, #tpu.memory_space<hbm>> -> memref<200000x64xf32, #tpu.memory_space<hbm>>
        tpu.enqueue_indirect_dma source(%dma_start3A_655 : memref<200000x64xf32, #tpu.memory_space<hbm>>) target(%dma_start3A_651 : memref<16x64xf32, #tpu.memory_space<vmem>>) offsets(%dma_start3A_652 : memref<16xi32, #tpu.memory_space<vmem>>) semaphore(%arg24 : memref<!tpu.dma_semaphore, #tpu.memory_space<semaphore_mem>>)
      } else {
      }
      %gt3A_160 = arith.constant 16 : i32
      %gt3A_161 = arith.cmpi sgt, %get3A_154, %gt3A_160 : i32
      %and3A_162 = arith.andi %le3A_152, %gt3A_161 : i1
      %convert_element_type3A_163 = arith.extui %and3A_162 : i1 to i32
      %cond3A_164 = arith.constant 0 : i32
      %cond3A_165 = arith.cmpi ne, %convert_element_type3A_163, %cond3A_164 : i32
      scf.if %cond3A_165 {
        %mul3A_645 = arith.constant 320 : i32
        %mul3A_646 = arith.muli %add3A_149, %mul3A_645 : i32
        %add3A_647 = arith.constant 16 : i32
        %add3A_648 = arith.addi %mul3A_646, %add3A_647 : i32
        %dma_start3A_649 = arith.constant 16 : i32
        %dma_start3A_650 = arith.constant 0 : i32
        %dma_start3A_651 = tpu.memref_slice %arg17[%dma_start3A_649, %dma_start3A_650] : memref<320x64xf32, #tpu.memory_space<vmem>> -> memref<16x64xf32, #tpu.memory_space<vmem>>
        %dma_start3A_652 = tpu.memref_slice %arg11[%add3A_648] : memref<6416xi32, #tpu.memory_space<vmem>> -> memref<16xi32, #tpu.memory_space<vmem>>
        %dma_start3A_653 = arith.constant 0 : i32
        %dma_start3A_654 = arith.constant 0 : i32
        %dma_start3A_655 = tpu.memref_slice %arg5[%dma_start3A_653, %dma_start3A_654] : memref<200000x64xf32, #tpu.memory_space<hbm>> -> memref<200000x64xf32, #tpu.memory_space<hbm>>
        tpu.enqueue_indirect_dma source(%dma_start3A_655 : memref<200000x64xf32, #tpu.memory_space<hbm>>) target(%dma_start3A_651 : memref<16x64xf32, #tpu.memory_space<vmem>>) offsets(%dma_start3A_652 : memref<16xi32, #tpu.memory_space<vmem>>) semaphore(%arg24 : memref<!tpu.dma_semaphore, #tpu.memory_space<semaphore_mem>>)
      } else {
      }
      %gt3A_166 = arith.constant 32 : i32
      %gt3A_167 = arith.cmpi sgt, %get3A_154, %gt3A_166 : i32
      %and3A_168 = arith.andi %le3A_152, %gt3A_167 : i1
      %convert_element_type3A_169 = arith.extui %and3A_168 : i1 to i32
      %cond3A_170 = arith.constant 0 : i32
      %cond3A_171 = arith.cmpi ne, %convert_element_type3A_169, %cond3A_170 : i32
      scf.if %cond3A_171 {
        %mul3A_645 = arith.constant 320 : i32
        %mul3A_646 = arith.muli %add3A_149, %mul3A_645 : i32
        %add3A_647 = arith.constant 32 : i32
        %add3A_648 = arith.addi %mul3A_646, %add3A_647 : i32
        %dma_start3A_649 = arith.constant 32 : i32
        %dma_start3A_650 = arith.constant 0 : i32
        %dma_start3A_651 = tpu.memref_slice %arg17[%dma_start3A_649, %dma_start3A_650] : memref<320x64xf32, #tpu.memory_space<vmem>> -> memref<16x64xf32, #tpu.memory_space<vmem>>
        %dma_start3A_652 = tpu.memref_slice %arg11[%add3A_648] : memref<6416xi32, #tpu.memory_space<vmem>> -> memref<16xi32, #tpu.memory_space<vmem>>
        %dma_start3A_653 = arith.constant 0 : i32
        %dma_start3A_654 = arith.constant 0 : i32
        %dma_start3A_655 = tpu.memref_slice %arg5[%dma_start3A_653, %dma_start3A_654] : memref<200000x64xf32, #tpu.memory_space<hbm>> -> memref<200000x64xf32, #tpu.memory_space<hbm>>
        tpu.enqueue_indirect_dma source(%dma_start3A_655 : memref<200000x64xf32, #tpu.memory_space<hbm>>) target(%dma_start3A_651 : memref<16x64xf32, #tpu.memory_space<vmem>>) offsets(%dma_start3A_652 : memref<16xi32, #tpu.memory_space<vmem>>) semaphore(%arg24 : memref<!tpu.dma_semaphore, #tpu.memory_space<semaphore_mem>>)
      } else {
      }
      %gt3A_172 = arith.constant 48 : i32
      %gt3A_173 = arith.cmpi sgt, %get3A_154, %gt3A_172 : i32
      %and3A_174 = arith.andi %le3A_152, %gt3A_173 : i1
      %convert_element_type3A_175 = arith.extui %and3A_174 : i1 to i32
      %cond3A_176 = arith.constant 0 : i32
      %cond3A_177 = arith.cmpi ne, %convert_element_type3A_175, %cond3A_176 : i32
      scf.if %cond3A_177 {
        %mul3A_645 = arith.constant 320 : i32
        %mul3A_646 = arith.muli %add3A_149, %mul3A_645 : i32
        %add3A_647 = arith.constant 48 : i32
        %add3A_648 = arith.addi %mul3A_646, %add3A_647 : i32
        %dma_start3A_649 = arith.constant 48 : i32
        %dma_start3A_650 = arith.constant 0 : i32
        %dma_start3A_651 = tpu.memref_slice %arg17[%dma_start3A_649, %dma_start3A_650] : memref<320x64xf32, #tpu.memory_space<vmem>> -> memref<16x64xf32, #tpu.memory_space<vmem>>
        %dma_start3A_652 = tpu.memref_slice %arg11[%add3A_648] : memref<6416xi32, #tpu.memory_space<vmem>> -> memref<16xi32, #tpu.memory_space<vmem>>
        %dma_start3A_653 = arith.constant 0 : i32
        %dma_start3A_654 = arith.constant 0 : i32
        %dma_start3A_655 = tpu.memref_slice %arg5[%dma_start3A_653, %dma_start3A_654] : memref<200000x64xf32, #tpu.memory_space<hbm>> -> memref<200000x64xf32, #tpu.memory_space<hbm>>
        tpu.enqueue_indirect_dma source(%dma_start3A_655 : memref<200000x64xf32, #tpu.memory_space<hbm>>) target(%dma_start3A_651 : memref<16x64xf32, #tpu.memory_space<vmem>>) offsets(%dma_start3A_652 : memref<16xi32, #tpu.memory_space<vmem>>) semaphore(%arg24 : memref<!tpu.dma_semaphore, #tpu.memory_space<semaphore_mem>>)
      } else {
      }
      %gt3A_178 = arith.constant 64 : i32
      %gt3A_179 = arith.cmpi sgt, %get3A_154, %gt3A_178 : i32
      %and3A_180 = arith.andi %le3A_152, %gt3A_179 : i1
      %convert_element_type3A_181 = arith.extui %and3A_180 : i1 to i32
      %cond3A_182 = arith.constant 0 : i32
      %cond3A_183 = arith.cmpi ne, %convert_element_type3A_181, %cond3A_182 : i32
      scf.if %cond3A_183 {
        %mul3A_645 = arith.constant 320 : i32
        %mul3A_646 = arith.muli %add3A_149, %mul3A_645 : i32
        %add3A_647 = arith.constant 64 : i32
        %add3A_648 = arith.addi %mul3A_646, %add3A_647 : i32
        %dma_start3A_649 = arith.constant 64 : i32
        %dma_start3A_650 = arith.constant 0 : i32
        %dma_start3A_651 = tpu.memref_slice %arg17[%dma_start3A_649, %dma_start3A_650] : memref<320x64xf32, #tpu.memory_space<vmem>> -> memref<16x64xf32, #tpu.memory_space<vmem>>
        %dma_start3A_652 = tpu.memref_slice %arg11[%add3A_648] : memref<6416xi32, #tpu.memory_space<vmem>> -> memref<16xi32, #tpu.memory_space<vmem>>
        %dma_start3A_653 = arith.constant 0 : i32
        %dma_start3A_654 = arith.constant 0 : i32
        %dma_start3A_655 = tpu.memref_slice %arg5[%dma_start3A_653, %dma_start3A_654] : memref<200000x64xf32, #tpu.memory_space<hbm>> -> memref<200000x64xf32, #tpu.memory_space<hbm>>
        tpu.enqueue_indirect_dma source(%dma_start3A_655 : memref<200000x64xf32, #tpu.memory_space<hbm>>) target(%dma_start3A_651 : memref<16x64xf32, #tpu.memory_space<vmem>>) offsets(%dma_start3A_652 : memref<16xi32, #tpu.memory_space<vmem>>) semaphore(%arg24 : memref<!tpu.dma_semaphore, #tpu.memory_space<semaphore_mem>>)
      } else {
      }
      %gt3A_184 = arith.constant 80 : i32
      %gt3A_185 = arith.cmpi sgt, %get3A_154, %gt3A_184 : i32
      %and3A_186 = arith.andi %le3A_152, %gt3A_185 : i1
      %convert_element_type3A_187 = arith.extui %and3A_186 : i1 to i32
      %cond3A_188 = arith.constant 0 : i32
      %cond3A_189 = arith.cmpi ne, %convert_element_type3A_187, %cond3A_188 : i32
      scf.if %cond3A_189 {
        %mul3A_645 = arith.constant 320 : i32
        %mul3A_646 = arith.muli %add3A_149, %mul3A_645 : i32
        %add3A_647 = arith.constant 80 : i32
        %add3A_648 = arith.addi %mul3A_646, %add3A_647 : i32
        %dma_start3A_649 = arith.constant 80 : i32
        %dma_start3A_650 = arith.constant 0 : i32
        %dma_start3A_651 = tpu.memref_slice %arg17[%dma_start3A_649, %dma_start3A_650] : memref<320x64xf32, #tpu.memory_space<vmem>> -> memref<16x64xf32, #tpu.memory_space<vmem>>
        %dma_start3A_652 = tpu.memref_slice %arg11[%add3A_648] : memref<6416xi32, #tpu.memory_space<vmem>> -> memref<16xi32, #tpu.memory_space<vmem>>
        %dma_start3A_653 = arith.constant 0 : i32
        %dma_start3A_654 = arith.constant 0 : i32
        %dma_start3A_655 = tpu.memref_slice %arg5[%dma_start3A_653, %dma_start3A_654] : memref<200000x64xf32, #tpu.memory_space<hbm>> -> memref<200000x64xf32, #tpu.memory_space<hbm>>
        tpu.enqueue_indirect_dma source(%dma_start3A_655 : memref<200000x64xf32, #tpu.memory_space<hbm>>) target(%dma_start3A_651 : memref<16x64xf32, #tpu.memory_space<vmem>>) offsets(%dma_start3A_652 : memref<16xi32, #tpu.memory_space<vmem>>) semaphore(%arg24 : memref<!tpu.dma_semaphore, #tpu.memory_space<semaphore_mem>>)
      } else {
      }
      %gt3A_190 = arith.constant 96 : i32
      %gt3A_191 = arith.cmpi sgt, %get3A_154, %gt3A_190 : i32
      %and3A_192 = arith.andi %le3A_152, %gt3A_191 : i1
      %convert_element_type3A_193 = arith.extui %and3A_192 : i1 to i32
      %cond3A_194 = arith.constant 0 : i32
      %cond3A_195 = arith.cmpi ne, %convert_element_type3A_193, %cond3A_194 : i32
      scf.if %cond3A_195 {
        %mul3A_645 = arith.constant 320 : i32
        %mul3A_646 = arith.muli %add3A_149, %mul3A_645 : i32
        %add3A_647 = arith.constant 96 : i32
        %add3A_648 = arith.addi %mul3A_646, %add3A_647 : i32
        %dma_start3A_649 = arith.constant 96 : i32
        %dma_start3A_650 = arith.constant 0 : i32
        %dma_start3A_651 = tpu.memref_slice %arg17[%dma_start3A_649, %dma_start3A_650] : memref<320x64xf32, #tpu.memory_space<vmem>> -> memref<16x64xf32, #tpu.memory_space<vmem>>
        %dma_start3A_652 = tpu.memref_slice %arg11[%add3A_648] : memref<6416xi32, #tpu.memory_space<vmem>> -> memref<16xi32, #tpu.memory_space<vmem>>
        %dma_start3A_653 = arith.constant 0 : i32
        %dma_start3A_654 = arith.constant 0 : i32
        %dma_start3A_655 = tpu.memref_slice %arg5[%dma_start3A_653, %dma_start3A_654] : memref<200000x64xf32, #tpu.memory_space<hbm>> -> memref<200000x64xf32, #tpu.memory_space<hbm>>
        tpu.enqueue_indirect_dma source(%dma_start3A_655 : memref<200000x64xf32, #tpu.memory_space<hbm>>) target(%dma_start3A_651 : memref<16x64xf32, #tpu.memory_space<vmem>>) offsets(%dma_start3A_652 : memref<16xi32, #tpu.memory_space<vmem>>) semaphore(%arg24 : memref<!tpu.dma_semaphore, #tpu.memory_space<semaphore_mem>>)
      } else {
      }
      %gt3A_196 = arith.constant 112 : i32
      %gt3A_197 = arith.cmpi sgt, %get3A_154, %gt3A_196 : i32
      %and3A_198 = arith.andi %le3A_152, %gt3A_197 : i1
      %convert_element_type3A_199 = arith.extui %and3A_198 : i1 to i32
      %cond3A_200 = arith.constant 0 : i32
      %cond3A_201 = arith.cmpi ne, %convert_element_type3A_199, %cond3A_200 : i32
      scf.if %cond3A_201 {
        %mul3A_645 = arith.constant 320 : i32
        %mul3A_646 = arith.muli %add3A_149, %mul3A_645 : i32
        %add3A_647 = arith.constant 112 : i32
        %add3A_648 = arith.addi %mul3A_646, %add3A_647 : i32
        %dma_start3A_649 = arith.constant 112 : i32
        %dma_start3A_650 = arith.constant 0 : i32
        %dma_start3A_651 = tpu.memref_slice %arg17[%dma_start3A_649, %dma_start3A_650] : memref<320x64xf32, #tpu.memory_space<vmem>> -> memref<16x64xf32, #tpu.memory_space<vmem>>
        %dma_start3A_652 = tpu.memref_slice %arg11[%add3A_648] : memref<6416xi32, #tpu.memory_space<vmem>> -> memref<16xi32, #tpu.memory_space<vmem>>
        %dma_start3A_653 = arith.constant 0 : i32
        %dma_start3A_654 = arith.constant 0 : i32
        %dma_start3A_655 = tpu.memref_slice %arg5[%dma_start3A_653, %dma_start3A_654] : memref<200000x64xf32, #tpu.memory_space<hbm>> -> memref<200000x64xf32, #tpu.memory_space<hbm>>
        tpu.enqueue_indirect_dma source(%dma_start3A_655 : memref<200000x64xf32, #tpu.memory_space<hbm>>) target(%dma_start3A_651 : memref<16x64xf32, #tpu.memory_space<vmem>>) offsets(%dma_start3A_652 : memref<16xi32, #tpu.memory_space<vmem>>) semaphore(%arg24 : memref<!tpu.dma_semaphore, #tpu.memory_space<semaphore_mem>>)
      } else {
      }
      %gt3A_202 = arith.constant 128 : i32
      %gt3A_203 = arith.cmpi sgt, %get3A_154, %gt3A_202 : i32
      %and3A_204 = arith.andi %le3A_152, %gt3A_203 : i1
      %convert_element_type3A_205 = arith.extui %and3A_204 : i1 to i32
      %cond3A_206 = arith.constant 0 : i32
      %cond3A_207 = arith.cmpi ne, %convert_element_type3A_205, %cond3A_206 : i32
      scf.if %cond3A_207 {
        %mul3A_645 = arith.constant 320 : i32
        %mul3A_646 = arith.muli %add3A_149, %mul3A_645 : i32
        %add3A_647 = arith.constant 128 : i32
        %add3A_648 = arith.addi %mul3A_646, %add3A_647 : i32
        %dma_start3A_649 = arith.constant 128 : i32
        %dma_start3A_650 = arith.constant 0 : i32
        %dma_start3A_651 = tpu.memref_slice %arg17[%dma_start3A_649, %dma_start3A_650] : memref<320x64xf32, #tpu.memory_space<vmem>> -> memref<16x64xf32, #tpu.memory_space<vmem>>
        %dma_start3A_652 = tpu.memref_slice %arg11[%add3A_648] : memref<6416xi32, #tpu.memory_space<vmem>> -> memref<16xi32, #tpu.memory_space<vmem>>
        %dma_start3A_653 = arith.constant 0 : i32
        %dma_start3A_654 = arith.constant 0 : i32
        %dma_start3A_655 = tpu.memref_slice %arg5[%dma_start3A_653, %dma_start3A_654] : memref<200000x64xf32, #tpu.memory_space<hbm>> -> memref<200000x64xf32, #tpu.memory_space<hbm>>
        tpu.enqueue_indirect_dma source(%dma_start3A_655 : memref<200000x64xf32, #tpu.memory_space<hbm>>) target(%dma_start3A_651 : memref<16x64xf32, #tpu.memory_space<vmem>>) offsets(%dma_start3A_652 : memref<16xi32, #tpu.memory_space<vmem>>) semaphore(%arg24 : memref<!tpu.dma_semaphore, #tpu.memory_space<semaphore_mem>>)
      } else {
      }
      %gt3A_208 = arith.constant 144 : i32
      %gt3A_209 = arith.cmpi sgt, %get3A_154, %gt3A_208 : i32
      %and3A_210 = arith.andi %le3A_152, %gt3A_209 : i1
      %convert_element_type3A_211 = arith.extui %and3A_210 : i1 to i32
      %cond3A_212 = arith.constant 0 : i32
      %cond3A_213 = arith.cmpi ne, %convert_element_type3A_211, %cond3A_212 : i32
      scf.if %cond3A_213 {
        %mul3A_645 = arith.constant 320 : i32
        %mul3A_646 = arith.muli %add3A_149, %mul3A_645 : i32
        %add3A_647 = arith.constant 144 : i32
        %add3A_648 = arith.addi %mul3A_646, %add3A_647 : i32
        %dma_start3A_649 = arith.constant 144 : i32
        %dma_start3A_650 = arith.constant 0 : i32
        %dma_start3A_651 = tpu.memref_slice %arg17[%dma_start3A_649, %dma_start3A_650] : memref<320x64xf32, #tpu.memory_space<vmem>> -> memref<16x64xf32, #tpu.memory_space<vmem>>
        %dma_start3A_652 = tpu.memref_slice %arg11[%add3A_648] : memref<6416xi32, #tpu.memory_space<vmem>> -> memref<16xi32, #tpu.memory_space<vmem>>
        %dma_start3A_653 = arith.constant 0 : i32
        %dma_start3A_654 = arith.constant 0 : i32
        %dma_start3A_655 = tpu.memref_slice %arg5[%dma_start3A_653, %dma_start3A_654] : memref<200000x64xf32, #tpu.memory_space<hbm>> -> memref<200000x64xf32, #tpu.memory_space<hbm>>
        tpu.enqueue_indirect_dma source(%dma_start3A_655 : memref<200000x64xf32, #tpu.memory_space<hbm>>) target(%dma_start3A_651 : memref<16x64xf32, #tpu.memory_space<vmem>>) offsets(%dma_start3A_652 : memref<16xi32, #tpu.memory_space<vmem>>) semaphore(%arg24 : memref<!tpu.dma_semaphore, #tpu.memory_space<semaphore_mem>>)
      } else {
      }
      %gt3A_214 = arith.constant 160 : i32
      %gt3A_215 = arith.cmpi sgt, %get3A_154, %gt3A_214 : i32
      %and3A_216 = arith.andi %le3A_152, %gt3A_215 : i1
      %convert_element_type3A_217 = arith.extui %and3A_216 : i1 to i32
      %cond3A_218 = arith.constant 0 : i32
      %cond3A_219 = arith.cmpi ne, %convert_element_type3A_217, %cond3A_218 : i32
      scf.if %cond3A_219 {
        %mul3A_645 = arith.constant 320 : i32
        %mul3A_646 = arith.muli %add3A_149, %mul3A_645 : i32
        %add3A_647 = arith.constant 160 : i32
        %add3A_648 = arith.addi %mul3A_646, %add3A_647 : i32
        %dma_start3A_649 = arith.constant 160 : i32
        %dma_start3A_650 = arith.constant 0 : i32
        %dma_start3A_651 = tpu.memref_slice %arg17[%dma_start3A_649, %dma_start3A_650] : memref<320x64xf32, #tpu.memory_space<vmem>> -> memref<16x64xf32, #tpu.memory_space<vmem>>
        %dma_start3A_652 = tpu.memref_slice %arg11[%add3A_648] : memref<6416xi32, #tpu.memory_space<vmem>> -> memref<16xi32, #tpu.memory_space<vmem>>
        %dma_start3A_653 = arith.constant 0 : i32
        %dma_start3A_654 = arith.constant 0 : i32
        %dma_start3A_655 = tpu.memref_slice %arg5[%dma_start3A_653, %dma_start3A_654] : memref<200000x64xf32, #tpu.memory_space<hbm>> -> memref<200000x64xf32, #tpu.memory_space<hbm>>
        tpu.enqueue_indirect_dma source(%dma_start3A_655 : memref<200000x64xf32, #tpu.memory_space<hbm>>) target(%dma_start3A_651 : memref<16x64xf32, #tpu.memory_space<vmem>>) offsets(%dma_start3A_652 : memref<16xi32, #tpu.memory_space<vmem>>) semaphore(%arg24 : memref<!tpu.dma_semaphore, #tpu.memory_space<semaphore_mem>>)
      } else {
      }
      %gt3A_220 = arith.constant 176 : i32
      %gt3A_221 = arith.cmpi sgt, %get3A_154, %gt3A_220 : i32
      %and3A_222 = arith.andi %le3A_152, %gt3A_221 : i1
      %convert_element_type3A_223 = arith.extui %and3A_222 : i1 to i32
      %cond3A_224 = arith.constant 0 : i32
      %cond3A_225 = arith.cmpi ne, %convert_element_type3A_223, %cond3A_224 : i32
      scf.if %cond3A_225 {
        %mul3A_645 = arith.constant 320 : i32
        %mul3A_646 = arith.muli %add3A_149, %mul3A_645 : i32
        %add3A_647 = arith.constant 176 : i32
        %add3A_648 = arith.addi %mul3A_646, %add3A_647 : i32
        %dma_start3A_649 = arith.constant 176 : i32
        %dma_start3A_650 = arith.constant 0 : i32
        %dma_start3A_651 = tpu.memref_slice %arg17[%dma_start3A_649, %dma_start3A_650] : memref<320x64xf32, #tpu.memory_space<vmem>> -> memref<16x64xf32, #tpu.memory_space<vmem>>
        %dma_start3A_652 = tpu.memref_slice %arg11[%add3A_648] : memref<6416xi32, #tpu.memory_space<vmem>> -> memref<16xi32, #tpu.memory_space<vmem>>
        %dma_start3A_653 = arith.constant 0 : i32
        %dma_start3A_654 = arith.constant 0 : i32
        %dma_start3A_655 = tpu.memref_slice %arg5[%dma_start3A_653, %dma_start3A_654] : memref<200000x64xf32, #tpu.memory_space<hbm>> -> memref<200000x64xf32, #tpu.memory_space<hbm>>
        tpu.enqueue_indirect_dma source(%dma_start3A_655 : memref<200000x64xf32, #tpu.memory_space<hbm>>) target(%dma_start3A_651 : memref<16x64xf32, #tpu.memory_space<vmem>>) offsets(%dma_start3A_652 : memref<16xi32, #tpu.memory_space<vmem>>) semaphore(%arg24 : memref<!tpu.dma_semaphore, #tpu.memory_space<semaphore_mem>>)
      } else {
      }
      %gt3A_226 = arith.constant 192 : i32
      %gt3A_227 = arith.cmpi sgt, %get3A_154, %gt3A_226 : i32
      %and3A_228 = arith.andi %le3A_152, %gt3A_227 : i1
      %convert_element_type3A_229 = arith.extui %and3A_228 : i1 to i32
      %cond3A_230 = arith.constant 0 : i32
      %cond3A_231 = arith.cmpi ne, %convert_element_type3A_229, %cond3A_230 : i32
      scf.if %cond3A_231 {
        %mul3A_645 = arith.constant 320 : i32
        %mul3A_646 = arith.muli %add3A_149, %mul3A_645 : i32
        %add3A_647 = arith.constant 192 : i32
        %add3A_648 = arith.addi %mul3A_646, %add3A_647 : i32
        %dma_start3A_649 = arith.constant 192 : i32
        %dma_start3A_650 = arith.constant 0 : i32
        %dma_start3A_651 = tpu.memref_slice %arg17[%dma_start3A_649, %dma_start3A_650] : memref<320x64xf32, #tpu.memory_space<vmem>> -> memref<16x64xf32, #tpu.memory_space<vmem>>
        %dma_start3A_652 = tpu.memref_slice %arg11[%add3A_648] : memref<6416xi32, #tpu.memory_space<vmem>> -> memref<16xi32, #tpu.memory_space<vmem>>
        %dma_start3A_653 = arith.constant 0 : i32
        %dma_start3A_654 = arith.constant 0 : i32
        %dma_start3A_655 = tpu.memref_slice %arg5[%dma_start3A_653, %dma_start3A_654] : memref<200000x64xf32, #tpu.memory_space<hbm>> -> memref<200000x64xf32, #tpu.memory_space<hbm>>
        tpu.enqueue_indirect_dma source(%dma_start3A_655 : memref<200000x64xf32, #tpu.memory_space<hbm>>) target(%dma_start3A_651 : memref<16x64xf32, #tpu.memory_space<vmem>>) offsets(%dma_start3A_652 : memref<16xi32, #tpu.memory_space<vmem>>) semaphore(%arg24 : memref<!tpu.dma_semaphore, #tpu.memory_space<semaphore_mem>>)
      } else {
      }
      %gt3A_232 = arith.constant 208 : i32
      %gt3A_233 = arith.cmpi sgt, %get3A_154, %gt3A_232 : i32
      %and3A_234 = arith.andi %le3A_152, %gt3A_233 : i1
      %convert_element_type3A_235 = arith.extui %and3A_234 : i1 to i32
      %cond3A_236 = arith.constant 0 : i32
      %cond3A_237 = arith.cmpi ne, %convert_element_type3A_235, %cond3A_236 : i32
      scf.if %cond3A_237 {
        %mul3A_645 = arith.constant 320 : i32
        %mul3A_646 = arith.muli %add3A_149, %mul3A_645 : i32
        %add3A_647 = arith.constant 208 : i32
        %add3A_648 = arith.addi %mul3A_646, %add3A_647 : i32
        %dma_start3A_649 = arith.constant 208 : i32
        %dma_start3A_650 = arith.constant 0 : i32
        %dma_start3A_651 = tpu.memref_slice %arg17[%dma_start3A_649, %dma_start3A_650] : memref<320x64xf32, #tpu.memory_space<vmem>> -> memref<16x64xf32, #tpu.memory_space<vmem>>
        %dma_start3A_652 = tpu.memref_slice %arg11[%add3A_648] : memref<6416xi32, #tpu.memory_space<vmem>> -> memref<16xi32, #tpu.memory_space<vmem>>
        %dma_start3A_653 = arith.constant 0 : i32
        %dma_start3A_654 = arith.constant 0 : i32
        %dma_start3A_655 = tpu.memref_slice %arg5[%dma_start3A_653, %dma_start3A_654] : memref<200000x64xf32, #tpu.memory_space<hbm>> -> memref<200000x64xf32, #tpu.memory_space<hbm>>
        tpu.enqueue_indirect_dma source(%dma_start3A_655 : memref<200000x64xf32, #tpu.memory_space<hbm>>) target(%dma_start3A_651 : memref<16x64xf32, #tpu.memory_space<vmem>>) offsets(%dma_start3A_652 : memref<16xi32, #tpu.memory_space<vmem>>) semaphore(%arg24 : memref<!tpu.dma_semaphore, #tpu.memory_space<semaphore_mem>>)
      } else {
      }
      %gt3A_238 = arith.constant 224 : i32
      %gt3A_239 = arith.cmpi sgt, %get3A_154, %gt3A_238 : i32
      %and3A_240 = arith.andi %le3A_152, %gt3A_239 : i1
      %convert_element_type3A_241 = arith.extui %and3A_240 : i1 to i32
      %cond3A_242 = arith.constant 0 : i32
      %cond3A_243 = arith.cmpi ne, %convert_element_type3A_241, %cond3A_242 : i32
      scf.if %cond3A_243 {
        %mul3A_645 = arith.constant 320 : i32
        %mul3A_646 = arith.muli %add3A_149, %mul3A_645 : i32
        %add3A_647 = arith.constant 224 : i32
        %add3A_648 = arith.addi %mul3A_646, %add3A_647 : i32
        %dma_start3A_649 = arith.constant 224 : i32
        %dma_start3A_650 = arith.constant 0 : i32
        %dma_start3A_651 = tpu.memref_slice %arg17[%dma_start3A_649, %dma_start3A_650] : memref<320x64xf32, #tpu.memory_space<vmem>> -> memref<16x64xf32, #tpu.memory_space<vmem>>
        %dma_start3A_652 = tpu.memref_slice %arg11[%add3A_648] : memref<6416xi32, #tpu.memory_space<vmem>> -> memref<16xi32, #tpu.memory_space<vmem>>
        %dma_start3A_653 = arith.constant 0 : i32
        %dma_start3A_654 = arith.constant 0 : i32
        %dma_start3A_655 = tpu.memref_slice %arg5[%dma_start3A_653, %dma_start3A_654] : memref<200000x64xf32, #tpu.memory_space<hbm>> -> memref<200000x64xf32, #tpu.memory_space<hbm>>
        tpu.enqueue_indirect_dma source(%dma_start3A_655 : memref<200000x64xf32, #tpu.memory_space<hbm>>) target(%dma_start3A_651 : memref<16x64xf32, #tpu.memory_space<vmem>>) offsets(%dma_start3A_652 : memref<16xi32, #tpu.memory_space<vmem>>) semaphore(%arg24 : memref<!tpu.dma_semaphore, #tpu.memory_space<semaphore_mem>>)
      } else {
      }
      %gt3A_244 = arith.constant 240 : i32
      %gt3A_245 = arith.cmpi sgt, %get3A_154, %gt3A_244 : i32
      %and3A_246 = arith.andi %le3A_152, %gt3A_245 : i1
      %convert_element_type3A_247 = arith.extui %and3A_246 : i1 to i32
      %cond3A_248 = arith.constant 0 : i32
      %cond3A_249 = arith.cmpi ne, %convert_element_type3A_247, %cond3A_248 : i32
      scf.if %cond3A_249 {
        %mul3A_645 = arith.constant 320 : i32
        %mul3A_646 = arith.muli %add3A_149, %mul3A_645 : i32
        %add3A_647 = arith.constant 240 : i32
        %add3A_648 = arith.addi %mul3A_646, %add3A_647 : i32
        %dma_start3A_649 = arith.constant 240 : i32
        %dma_start3A_650 = arith.constant 0 : i32
        %dma_start3A_651 = tpu.memref_slice %arg17[%dma_start3A_649, %dma_start3A_650] : memref<320x64xf32, #tpu.memory_space<vmem>> -> memref<16x64xf32, #tpu.memory_space<vmem>>
        %dma_start3A_652 = tpu.memref_slice %arg11[%add3A_648] : memref<6416xi32, #tpu.memory_space<vmem>> -> memref<16xi32, #tpu.memory_space<vmem>>
        %dma_start3A_653 = arith.constant 0 : i32
        %dma_start3A_654 = arith.constant 0 : i32
        %dma_start3A_655 = tpu.memref_slice %arg5[%dma_start3A_653, %dma_start3A_654] : memref<200000x64xf32, #tpu.memory_space<hbm>> -> memref<200000x64xf32, #tpu.memory_space<hbm>>
        tpu.enqueue_indirect_dma source(%dma_start3A_655 : memref<200000x64xf32, #tpu.memory_space<hbm>>) target(%dma_start3A_651 : memref<16x64xf32, #tpu.memory_space<vmem>>) offsets(%dma_start3A_652 : memref<16xi32, #tpu.memory_space<vmem>>) semaphore(%arg24 : memref<!tpu.dma_semaphore, #tpu.memory_space<semaphore_mem>>)
      } else {
      }
      %gt3A_250 = arith.constant 256 : i32
      %gt3A_251 = arith.cmpi sgt, %get3A_154, %gt3A_250 : i32
      %and3A_252 = arith.andi %le3A_152, %gt3A_251 : i1
      %convert_element_type3A_253 = arith.extui %and3A_252 : i1 to i32
      %cond3A_254 = arith.constant 0 : i32
      %cond3A_255 = arith.cmpi ne, %convert_element_type3A_253, %cond3A_254 : i32
      scf.if %cond3A_255 {
        %mul3A_645 = arith.constant 320 : i32
        %mul3A_646 = arith.muli %add3A_149, %mul3A_645 : i32
        %add3A_647 = arith.constant 256 : i32
        %add3A_648 = arith.addi %mul3A_646, %add3A_647 : i32
        %dma_start3A_649 = arith.constant 256 : i32
        %dma_start3A_650 = arith.constant 0 : i32
        %dma_start3A_651 = tpu.memref_slice %arg17[%dma_start3A_649, %dma_start3A_650] : memref<320x64xf32, #tpu.memory_space<vmem>> -> memref<16x64xf32, #tpu.memory_space<vmem>>
        %dma_start3A_652 = tpu.memref_slice %arg11[%add3A_648] : memref<6416xi32, #tpu.memory_space<vmem>> -> memref<16xi32, #tpu.memory_space<vmem>>
        %dma_start3A_653 = arith.constant 0 : i32
        %dma_start3A_654 = arith.constant 0 : i32
        %dma_start3A_655 = tpu.memref_slice %arg5[%dma_start3A_653, %dma_start3A_654] : memref<200000x64xf32, #tpu.memory_space<hbm>> -> memref<200000x64xf32, #tpu.memory_space<hbm>>
        tpu.enqueue_indirect_dma source(%dma_start3A_655 : memref<200000x64xf32, #tpu.memory_space<hbm>>) target(%dma_start3A_651 : memref<16x64xf32, #tpu.memory_space<vmem>>) offsets(%dma_start3A_652 : memref<16xi32, #tpu.memory_space<vmem>>) semaphore(%arg24 : memref<!tpu.dma_semaphore, #tpu.memory_space<semaphore_mem>>)
      } else {
      }
      %gt3A_256 = arith.constant 272 : i32
      %gt3A_257 = arith.cmpi sgt, %get3A_154, %gt3A_256 : i32
      %and3A_258 = arith.andi %le3A_152, %gt3A_257 : i1
      %convert_element_type3A_259 = arith.extui %and3A_258 : i1 to i32
      %cond3A_260 = arith.constant 0 : i32
      %cond3A_261 = arith.cmpi ne, %convert_element_type3A_259, %cond3A_260 : i32
      scf.if %cond3A_261 {
        %mul3A_645 = arith.constant 320 : i32
        %mul3A_646 = arith.muli %add3A_149, %mul3A_645 : i32
        %add3A_647 = arith.constant 272 : i32
        %add3A_648 = arith.addi %mul3A_646, %add3A_647 : i32
        %dma_start3A_649 = arith.constant 272 : i32
        %dma_start3A_650 = arith.constant 0 : i32
        %dma_start3A_651 = tpu.memref_slice %arg17[%dma_start3A_649, %dma_start3A_650] : memref<320x64xf32, #tpu.memory_space<vmem>> -> memref<16x64xf32, #tpu.memory_space<vmem>>
        %dma_start3A_652 = tpu.memref_slice %arg11[%add3A_648] : memref<6416xi32, #tpu.memory_space<vmem>> -> memref<16xi32, #tpu.memory_space<vmem>>
        %dma_start3A_653 = arith.constant 0 : i32
        %dma_start3A_654 = arith.constant 0 : i32
        %dma_start3A_655 = tpu.memref_slice %arg5[%dma_start3A_653, %dma_start3A_654] : memref<200000x64xf32, #tpu.memory_space<hbm>> -> memref<200000x64xf32, #tpu.memory_space<hbm>>
        tpu.enqueue_indirect_dma source(%dma_start3A_655 : memref<200000x64xf32, #tpu.memory_space<hbm>>) target(%dma_start3A_651 : memref<16x64xf32, #tpu.memory_space<vmem>>) offsets(%dma_start3A_652 : memref<16xi32, #tpu.memory_space<vmem>>) semaphore(%arg24 : memref<!tpu.dma_semaphore, #tpu.memory_space<semaphore_mem>>)
      } else {
      }
      %gt3A_262 = arith.constant 288 : i32
      %gt3A_263 = arith.cmpi sgt, %get3A_154, %gt3A_262 : i32
      %and3A_264 = arith.andi %le3A_152, %gt3A_263 : i1
      %convert_element_type3A_265 = arith.extui %and3A_264 : i1 to i32
      %cond3A_266 = arith.constant 0 : i32
      %cond3A_267 = arith.cmpi ne, %convert_element_type3A_265, %cond3A_266 : i32
      scf.if %cond3A_267 {
        %mul3A_645 = arith.constant 320 : i32
        %mul3A_646 = arith.muli %add3A_149, %mul3A_645 : i32
        %add3A_647 = arith.constant 288 : i32
        %add3A_648 = arith.addi %mul3A_646, %add3A_647 : i32
        %dma_start3A_649 = arith.constant 288 : i32
        %dma_start3A_650 = arith.constant 0 : i32
        %dma_start3A_651 = tpu.memref_slice %arg17[%dma_start3A_649, %dma_start3A_650] : memref<320x64xf32, #tpu.memory_space<vmem>> -> memref<16x64xf32, #tpu.memory_space<vmem>>
        %dma_start3A_652 = tpu.memref_slice %arg11[%add3A_648] : memref<6416xi32, #tpu.memory_space<vmem>> -> memref<16xi32, #tpu.memory_space<vmem>>
        %dma_start3A_653 = arith.constant 0 : i32
        %dma_start3A_654 = arith.constant 0 : i32
        %dma_start3A_655 = tpu.memref_slice %arg5[%dma_start3A_653, %dma_start3A_654] : memref<200000x64xf32, #tpu.memory_space<hbm>> -> memref<200000x64xf32, #tpu.memory_space<hbm>>
        tpu.enqueue_indirect_dma source(%dma_start3A_655 : memref<200000x64xf32, #tpu.memory_space<hbm>>) target(%dma_start3A_651 : memref<16x64xf32, #tpu.memory_space<vmem>>) offsets(%dma_start3A_652 : memref<16xi32, #tpu.memory_space<vmem>>) semaphore(%arg24 : memref<!tpu.dma_semaphore, #tpu.memory_space<semaphore_mem>>)
      } else {
      }
      %gt3A_268 = arith.constant 304 : i32
      %gt3A_269 = arith.cmpi sgt, %get3A_154, %gt3A_268 : i32
      %and3A_270 = arith.andi %le3A_152, %gt3A_269 : i1
      %convert_element_type3A_271 = arith.extui %and3A_270 : i1 to i32
      %cond3A_272 = arith.constant 0 : i32
      %cond3A_273 = arith.cmpi ne, %convert_element_type3A_271, %cond3A_272 : i32
      scf.if %cond3A_273 {
        %mul3A_645 = arith.constant 320 : i32
        %mul3A_646 = arith.muli %add3A_149, %mul3A_645 : i32
        %add3A_647 = arith.constant 304 : i32
        %add3A_648 = arith.addi %mul3A_646, %add3A_647 : i32
        %dma_start3A_649 = arith.constant 304 : i32
        %dma_start3A_650 = arith.constant 0 : i32
        %dma_start3A_651 = tpu.memref_slice %arg17[%dma_start3A_649, %dma_start3A_650] : memref<320x64xf32, #tpu.memory_space<vmem>> -> memref<16x64xf32, #tpu.memory_space<vmem>>
        %dma_start3A_652 = tpu.memref_slice %arg11[%add3A_648] : memref<6416xi32, #tpu.memory_space<vmem>> -> memref<16xi32, #tpu.memory_space<vmem>>
        %dma_start3A_653 = arith.constant 0 : i32
        %dma_start3A_654 = arith.constant 0 : i32
        %dma_start3A_655 = tpu.memref_slice %arg5[%dma_start3A_653, %dma_start3A_654] : memref<200000x64xf32, #tpu.memory_space<hbm>> -> memref<200000x64xf32, #tpu.memory_space<hbm>>
        tpu.enqueue_indirect_dma source(%dma_start3A_655 : memref<200000x64xf32, #tpu.memory_space<hbm>>) target(%dma_start3A_651 : memref<16x64xf32, #tpu.memory_space<vmem>>) offsets(%dma_start3A_652 : memref<16xi32, #tpu.memory_space<vmem>>) semaphore(%arg24 : memref<!tpu.dma_semaphore, #tpu.memory_space<semaphore_mem>>)
      } else {
      }
      %get3A_274 = arith.index_cast %add3A_147 : i32 to index
      %get3A_275 = memref.load %arg20[%get3A_274] : memref<21xi32, #tpu.memory_space<smem>>
      %gt3A_276 = arith.constant 0 : i32
      %gt3A_277 = arith.cmpi sgt, %get3A_275, %gt3A_276 : i32
      %convert_element_type3A_278 = arith.extui %gt3A_277 : i1 to i32
      %cond3A_279 = arith.constant 0 : i32
      %cond3A_280 = arith.cmpi ne, %convert_element_type3A_278, %cond3A_279 : i32
      scf.if %cond3A_280 {
        %mul3A_645 = arith.constant 320 : i32
        %mul3A_646 = arith.muli %add3A_147, %mul3A_645 : i32
        %add3A_647 = arith.constant 0 : i32
        %add3A_648 = arith.addi %mul3A_646, %add3A_647 : i32
        %dma_wait3A_649 = arith.constant 0 : i32
        %dma_wait3A_650 = arith.constant 0 : i32
        %dma_wait3A_651 = tpu.memref_slice %arg16[%dma_wait3A_649, %dma_wait3A_650] : memref<320x64xf32, #tpu.memory_space<vmem>> -> memref<16x64xf32, #tpu.memory_space<vmem>>
        %dma_wait3A_652 = tpu.memref_slice %arg11[%add3A_648] : memref<6416xi32, #tpu.memory_space<vmem>> -> memref<16xi32, #tpu.memory_space<vmem>>
        %dma_wait3A_653 = arith.constant 0 : i32
        %dma_wait3A_654 = arith.constant 0 : i32
        %dma_wait3A_655 = tpu.memref_slice %arg5[%dma_wait3A_653, %dma_wait3A_654] : memref<200000x64xf32, #tpu.memory_space<hbm>> -> memref<200000x64xf32, #tpu.memory_space<hbm>>
        tpu.wait_indirect_dma semaphore(%arg23 : memref<!tpu.dma_semaphore, #tpu.memory_space<semaphore_mem>>) src(%dma_wait3A_655 : memref<200000x64xf32, #tpu.memory_space<hbm>>) dst(%dma_wait3A_651 : memref<16x64xf32, #tpu.memory_space<vmem>>)
      } else {
      }
      %gt3A_281 = arith.constant 16 : i32
      %gt3A_282 = arith.cmpi sgt, %get3A_275, %gt3A_281 : i32
      %convert_element_type3A_283 = arith.extui %gt3A_282 : i1 to i32
      %cond3A_284 = arith.constant 0 : i32
      %cond3A_285 = arith.cmpi ne, %convert_element_type3A_283, %cond3A_284 : i32
      scf.if %cond3A_285 {
        %mul3A_645 = arith.constant 320 : i32
        %mul3A_646 = arith.muli %add3A_147, %mul3A_645 : i32
        %add3A_647 = arith.constant 16 : i32
        %add3A_648 = arith.addi %mul3A_646, %add3A_647 : i32
        %dma_wait3A_649 = arith.constant 16 : i32
        %dma_wait3A_650 = arith.constant 0 : i32
        %dma_wait3A_651 = tpu.memref_slice %arg16[%dma_wait3A_649, %dma_wait3A_650] : memref<320x64xf32, #tpu.memory_space<vmem>> -> memref<16x64xf32, #tpu.memory_space<vmem>>
        %dma_wait3A_652 = tpu.memref_slice %arg11[%add3A_648] : memref<6416xi32, #tpu.memory_space<vmem>> -> memref<16xi32, #tpu.memory_space<vmem>>
        %dma_wait3A_653 = arith.constant 0 : i32
        %dma_wait3A_654 = arith.constant 0 : i32
        %dma_wait3A_655 = tpu.memref_slice %arg5[%dma_wait3A_653, %dma_wait3A_654] : memref<200000x64xf32, #tpu.memory_space<hbm>> -> memref<200000x64xf32, #tpu.memory_space<hbm>>
        tpu.wait_indirect_dma semaphore(%arg23 : memref<!tpu.dma_semaphore, #tpu.memory_space<semaphore_mem>>) src(%dma_wait3A_655 : memref<200000x64xf32, #tpu.memory_space<hbm>>) dst(%dma_wait3A_651 : memref<16x64xf32, #tpu.memory_space<vmem>>)
      } else {
      }
      %gt3A_286 = arith.constant 32 : i32
      %gt3A_287 = arith.cmpi sgt, %get3A_275, %gt3A_286 : i32
      %convert_element_type3A_288 = arith.extui %gt3A_287 : i1 to i32
      %cond3A_289 = arith.constant 0 : i32
      %cond3A_290 = arith.cmpi ne, %convert_element_type3A_288, %cond3A_289 : i32
      scf.if %cond3A_290 {
        %mul3A_645 = arith.constant 320 : i32
        %mul3A_646 = arith.muli %add3A_147, %mul3A_645 : i32
        %add3A_647 = arith.constant 32 : i32
        %add3A_648 = arith.addi %mul3A_646, %add3A_647 : i32
        %dma_wait3A_649 = arith.constant 32 : i32
        %dma_wait3A_650 = arith.constant 0 : i32
        %dma_wait3A_651 = tpu.memref_slice %arg16[%dma_wait3A_649, %dma_wait3A_650] : memref<320x64xf32, #tpu.memory_space<vmem>> -> memref<16x64xf32, #tpu.memory_space<vmem>>
        %dma_wait3A_652 = tpu.memref_slice %arg11[%add3A_648] : memref<6416xi32, #tpu.memory_space<vmem>> -> memref<16xi32, #tpu.memory_space<vmem>>
        %dma_wait3A_653 = arith.constant 0 : i32
        %dma_wait3A_654 = arith.constant 0 : i32
        %dma_wait3A_655 = tpu.memref_slice %arg5[%dma_wait3A_653, %dma_wait3A_654] : memref<200000x64xf32, #tpu.memory_space<hbm>> -> memref<200000x64xf32, #tpu.memory_space<hbm>>
        tpu.wait_indirect_dma semaphore(%arg23 : memref<!tpu.dma_semaphore, #tpu.memory_space<semaphore_mem>>) src(%dma_wait3A_655 : memref<200000x64xf32, #tpu.memory_space<hbm>>) dst(%dma_wait3A_651 : memref<16x64xf32, #tpu.memory_space<vmem>>)
      } else {
      }
      %gt3A_291 = arith.constant 48 : i32
      %gt3A_292 = arith.cmpi sgt, %get3A_275, %gt3A_291 : i32
      %convert_element_type3A_293 = arith.extui %gt3A_292 : i1 to i32
      %cond3A_294 = arith.constant 0 : i32
      %cond3A_295 = arith.cmpi ne, %convert_element_type3A_293, %cond3A_294 : i32
      scf.if %cond3A_295 {
        %mul3A_645 = arith.constant 320 : i32
        %mul3A_646 = arith.muli %add3A_147, %mul3A_645 : i32
        %add3A_647 = arith.constant 48 : i32
        %add3A_648 = arith.addi %mul3A_646, %add3A_647 : i32
        %dma_wait3A_649 = arith.constant 48 : i32
        %dma_wait3A_650 = arith.constant 0 : i32
        %dma_wait3A_651 = tpu.memref_slice %arg16[%dma_wait3A_649, %dma_wait3A_650] : memref<320x64xf32, #tpu.memory_space<vmem>> -> memref<16x64xf32, #tpu.memory_space<vmem>>
        %dma_wait3A_652 = tpu.memref_slice %arg11[%add3A_648] : memref<6416xi32, #tpu.memory_space<vmem>> -> memref<16xi32, #tpu.memory_space<vmem>>
        %dma_wait3A_653 = arith.constant 0 : i32
        %dma_wait3A_654 = arith.constant 0 : i32
        %dma_wait3A_655 = tpu.memref_slice %arg5[%dma_wait3A_653, %dma_wait3A_654] : memref<200000x64xf32, #tpu.memory_space<hbm>> -> memref<200000x64xf32, #tpu.memory_space<hbm>>
        tpu.wait_indirect_dma semaphore(%arg23 : memref<!tpu.dma_semaphore, #tpu.memory_space<semaphore_mem>>) src(%dma_wait3A_655 : memref<200000x64xf32, #tpu.memory_space<hbm>>) dst(%dma_wait3A_651 : memref<16x64xf32, #tpu.memory_space<vmem>>)
      } else {
      }
      %gt3A_296 = arith.constant 64 : i32
      %gt3A_297 = arith.cmpi sgt, %get3A_275, %gt3A_296 : i32
      %convert_element_type3A_298 = arith.extui %gt3A_297 : i1 to i32
      %cond3A_299 = arith.constant 0 : i32
      %cond3A_300 = arith.cmpi ne, %convert_element_type3A_298, %cond3A_299 : i32
      scf.if %cond3A_300 {
        %mul3A_645 = arith.constant 320 : i32
        %mul3A_646 = arith.muli %add3A_147, %mul3A_645 : i32
        %add3A_647 = arith.constant 64 : i32
        %add3A_648 = arith.addi %mul3A_646, %add3A_647 : i32
        %dma_wait3A_649 = arith.constant 64 : i32
        %dma_wait3A_650 = arith.constant 0 : i32
        %dma_wait3A_651 = tpu.memref_slice %arg16[%dma_wait3A_649, %dma_wait3A_650] : memref<320x64xf32, #tpu.memory_space<vmem>> -> memref<16x64xf32, #tpu.memory_space<vmem>>
        %dma_wait3A_652 = tpu.memref_slice %arg11[%add3A_648] : memref<6416xi32, #tpu.memory_space<vmem>> -> memref<16xi32, #tpu.memory_space<vmem>>
        %dma_wait3A_653 = arith.constant 0 : i32
        %dma_wait3A_654 = arith.constant 0 : i32
        %dma_wait3A_655 = tpu.memref_slice %arg5[%dma_wait3A_653, %dma_wait3A_654] : memref<200000x64xf32, #tpu.memory_space<hbm>> -> memref<200000x64xf32, #tpu.memory_space<hbm>>
        tpu.wait_indirect_dma semaphore(%arg23 : memref<!tpu.dma_semaphore, #tpu.memory_space<semaphore_mem>>) src(%dma_wait3A_655 : memref<200000x64xf32, #tpu.memory_space<hbm>>) dst(%dma_wait3A_651 : memref<16x64xf32, #tpu.memory_space<vmem>>)
      } else {
      }
      %gt3A_301 = arith.constant 80 : i32
      %gt3A_302 = arith.cmpi sgt, %get3A_275, %gt3A_301 : i32
      %convert_element_type3A_303 = arith.extui %gt3A_302 : i1 to i32
      %cond3A_304 = arith.constant 0 : i32
      %cond3A_305 = arith.cmpi ne, %convert_element_type3A_303, %cond3A_304 : i32
      scf.if %cond3A_305 {
        %mul3A_645 = arith.constant 320 : i32
        %mul3A_646 = arith.muli %add3A_147, %mul3A_645 : i32
        %add3A_647 = arith.constant 80 : i32
        %add3A_648 = arith.addi %mul3A_646, %add3A_647 : i32
        %dma_wait3A_649 = arith.constant 80 : i32
        %dma_wait3A_650 = arith.constant 0 : i32
        %dma_wait3A_651 = tpu.memref_slice %arg16[%dma_wait3A_649, %dma_wait3A_650] : memref<320x64xf32, #tpu.memory_space<vmem>> -> memref<16x64xf32, #tpu.memory_space<vmem>>
        %dma_wait3A_652 = tpu.memref_slice %arg11[%add3A_648] : memref<6416xi32, #tpu.memory_space<vmem>> -> memref<16xi32, #tpu.memory_space<vmem>>
        %dma_wait3A_653 = arith.constant 0 : i32
        %dma_wait3A_654 = arith.constant 0 : i32
        %dma_wait3A_655 = tpu.memref_slice %arg5[%dma_wait3A_653, %dma_wait3A_654] : memref<200000x64xf32, #tpu.memory_space<hbm>> -> memref<200000x64xf32, #tpu.memory_space<hbm>>
        tpu.wait_indirect_dma semaphore(%arg23 : memref<!tpu.dma_semaphore, #tpu.memory_space<semaphore_mem>>) src(%dma_wait3A_655 : memref<200000x64xf32, #tpu.memory_space<hbm>>) dst(%dma_wait3A_651 : memref<16x64xf32, #tpu.memory_space<vmem>>)
      } else {
      }
      %gt3A_306 = arith.constant 96 : i32
      %gt3A_307 = arith.cmpi sgt, %get3A_275, %gt3A_306 : i32
      %convert_element_type3A_308 = arith.extui %gt3A_307 : i1 to i32
      %cond3A_309 = arith.constant 0 : i32
      %cond3A_310 = arith.cmpi ne, %convert_element_type3A_308, %cond3A_309 : i32
      scf.if %cond3A_310 {
        %mul3A_645 = arith.constant 320 : i32
        %mul3A_646 = arith.muli %add3A_147, %mul3A_645 : i32
        %add3A_647 = arith.constant 96 : i32
        %add3A_648 = arith.addi %mul3A_646, %add3A_647 : i32
        %dma_wait3A_649 = arith.constant 96 : i32
        %dma_wait3A_650 = arith.constant 0 : i32
        %dma_wait3A_651 = tpu.memref_slice %arg16[%dma_wait3A_649, %dma_wait3A_650] : memref<320x64xf32, #tpu.memory_space<vmem>> -> memref<16x64xf32, #tpu.memory_space<vmem>>
        %dma_wait3A_652 = tpu.memref_slice %arg11[%add3A_648] : memref<6416xi32, #tpu.memory_space<vmem>> -> memref<16xi32, #tpu.memory_space<vmem>>
        %dma_wait3A_653 = arith.constant 0 : i32
        %dma_wait3A_654 = arith.constant 0 : i32
        %dma_wait3A_655 = tpu.memref_slice %arg5[%dma_wait3A_653, %dma_wait3A_654] : memref<200000x64xf32, #tpu.memory_space<hbm>> -> memref<200000x64xf32, #tpu.memory_space<hbm>>
        tpu.wait_indirect_dma semaphore(%arg23 : memref<!tpu.dma_semaphore, #tpu.memory_space<semaphore_mem>>) src(%dma_wait3A_655 : memref<200000x64xf32, #tpu.memory_space<hbm>>) dst(%dma_wait3A_651 : memref<16x64xf32, #tpu.memory_space<vmem>>)
      } else {
      }
      %gt3A_311 = arith.constant 112 : i32
      %gt3A_312 = arith.cmpi sgt, %get3A_275, %gt3A_311 : i32
      %convert_element_type3A_313 = arith.extui %gt3A_312 : i1 to i32
      %cond3A_314 = arith.constant 0 : i32
      %cond3A_315 = arith.cmpi ne, %convert_element_type3A_313, %cond3A_314 : i32
      scf.if %cond3A_315 {
        %mul3A_645 = arith.constant 320 : i32
        %mul3A_646 = arith.muli %add3A_147, %mul3A_645 : i32
        %add3A_647 = arith.constant 112 : i32
        %add3A_648 = arith.addi %mul3A_646, %add3A_647 : i32
        %dma_wait3A_649 = arith.constant 112 : i32
        %dma_wait3A_650 = arith.constant 0 : i32
        %dma_wait3A_651 = tpu.memref_slice %arg16[%dma_wait3A_649, %dma_wait3A_650] : memref<320x64xf32, #tpu.memory_space<vmem>> -> memref<16x64xf32, #tpu.memory_space<vmem>>
        %dma_wait3A_652 = tpu.memref_slice %arg11[%add3A_648] : memref<6416xi32, #tpu.memory_space<vmem>> -> memref<16xi32, #tpu.memory_space<vmem>>
        %dma_wait3A_653 = arith.constant 0 : i32
        %dma_wait3A_654 = arith.constant 0 : i32
        %dma_wait3A_655 = tpu.memref_slice %arg5[%dma_wait3A_653, %dma_wait3A_654] : memref<200000x64xf32, #tpu.memory_space<hbm>> -> memref<200000x64xf32, #tpu.memory_space<hbm>>
        tpu.wait_indirect_dma semaphore(%arg23 : memref<!tpu.dma_semaphore, #tpu.memory_space<semaphore_mem>>) src(%dma_wait3A_655 : memref<200000x64xf32, #tpu.memory_space<hbm>>) dst(%dma_wait3A_651 : memref<16x64xf32, #tpu.memory_space<vmem>>)
      } else {
      }
      %gt3A_316 = arith.constant 128 : i32
      %gt3A_317 = arith.cmpi sgt, %get3A_275, %gt3A_316 : i32
      %convert_element_type3A_318 = arith.extui %gt3A_317 : i1 to i32
      %cond3A_319 = arith.constant 0 : i32
      %cond3A_320 = arith.cmpi ne, %convert_element_type3A_318, %cond3A_319 : i32
      scf.if %cond3A_320 {
        %mul3A_645 = arith.constant 320 : i32
        %mul3A_646 = arith.muli %add3A_147, %mul3A_645 : i32
        %add3A_647 = arith.constant 128 : i32
        %add3A_648 = arith.addi %mul3A_646, %add3A_647 : i32
        %dma_wait3A_649 = arith.constant 128 : i32
        %dma_wait3A_650 = arith.constant 0 : i32
        %dma_wait3A_651 = tpu.memref_slice %arg16[%dma_wait3A_649, %dma_wait3A_650] : memref<320x64xf32, #tpu.memory_space<vmem>> -> memref<16x64xf32, #tpu.memory_space<vmem>>
        %dma_wait3A_652 = tpu.memref_slice %arg11[%add3A_648] : memref<6416xi32, #tpu.memory_space<vmem>> -> memref<16xi32, #tpu.memory_space<vmem>>
        %dma_wait3A_653 = arith.constant 0 : i32
        %dma_wait3A_654 = arith.constant 0 : i32
        %dma_wait3A_655 = tpu.memref_slice %arg5[%dma_wait3A_653, %dma_wait3A_654] : memref<200000x64xf32, #tpu.memory_space<hbm>> -> memref<200000x64xf32, #tpu.memory_space<hbm>>
        tpu.wait_indirect_dma semaphore(%arg23 : memref<!tpu.dma_semaphore, #tpu.memory_space<semaphore_mem>>) src(%dma_wait3A_655 : memref<200000x64xf32, #tpu.memory_space<hbm>>) dst(%dma_wait3A_651 : memref<16x64xf32, #tpu.memory_space<vmem>>)
      } else {
      }
      %gt3A_321 = arith.constant 144 : i32
      %gt3A_322 = arith.cmpi sgt, %get3A_275, %gt3A_321 : i32
      %convert_element_type3A_323 = arith.extui %gt3A_322 : i1 to i32
      %cond3A_324 = arith.constant 0 : i32
      %cond3A_325 = arith.cmpi ne, %convert_element_type3A_323, %cond3A_324 : i32
      scf.if %cond3A_325 {
        %mul3A_645 = arith.constant 320 : i32
        %mul3A_646 = arith.muli %add3A_147, %mul3A_645 : i32
        %add3A_647 = arith.constant 144 : i32
        %add3A_648 = arith.addi %mul3A_646, %add3A_647 : i32
        %dma_wait3A_649 = arith.constant 144 : i32
        %dma_wait3A_650 = arith.constant 0 : i32
        %dma_wait3A_651 = tpu.memref_slice %arg16[%dma_wait3A_649, %dma_wait3A_650] : memref<320x64xf32, #tpu.memory_space<vmem>> -> memref<16x64xf32, #tpu.memory_space<vmem>>
        %dma_wait3A_652 = tpu.memref_slice %arg11[%add3A_648] : memref<6416xi32, #tpu.memory_space<vmem>> -> memref<16xi32, #tpu.memory_space<vmem>>
        %dma_wait3A_653 = arith.constant 0 : i32
        %dma_wait3A_654 = arith.constant 0 : i32
        %dma_wait3A_655 = tpu.memref_slice %arg5[%dma_wait3A_653, %dma_wait3A_654] : memref<200000x64xf32, #tpu.memory_space<hbm>> -> memref<200000x64xf32, #tpu.memory_space<hbm>>
        tpu.wait_indirect_dma semaphore(%arg23 : memref<!tpu.dma_semaphore, #tpu.memory_space<semaphore_mem>>) src(%dma_wait3A_655 : memref<200000x64xf32, #tpu.memory_space<hbm>>) dst(%dma_wait3A_651 : memref<16x64xf32, #tpu.memory_space<vmem>>)
      } else {
      }
      %gt3A_326 = arith.constant 160 : i32
      %gt3A_327 = arith.cmpi sgt, %get3A_275, %gt3A_326 : i32
      %convert_element_type3A_328 = arith.extui %gt3A_327 : i1 to i32
      %cond3A_329 = arith.constant 0 : i32
      %cond3A_330 = arith.cmpi ne, %convert_element_type3A_328, %cond3A_329 : i32
      scf.if %cond3A_330 {
        %mul3A_645 = arith.constant 320 : i32
        %mul3A_646 = arith.muli %add3A_147, %mul3A_645 : i32
        %add3A_647 = arith.constant 160 : i32
        %add3A_648 = arith.addi %mul3A_646, %add3A_647 : i32
        %dma_wait3A_649 = arith.constant 160 : i32
        %dma_wait3A_650 = arith.constant 0 : i32
        %dma_wait3A_651 = tpu.memref_slice %arg16[%dma_wait3A_649, %dma_wait3A_650] : memref<320x64xf32, #tpu.memory_space<vmem>> -> memref<16x64xf32, #tpu.memory_space<vmem>>
        %dma_wait3A_652 = tpu.memref_slice %arg11[%add3A_648] : memref<6416xi32, #tpu.memory_space<vmem>> -> memref<16xi32, #tpu.memory_space<vmem>>
        %dma_wait3A_653 = arith.constant 0 : i32
        %dma_wait3A_654 = arith.constant 0 : i32
        %dma_wait3A_655 = tpu.memref_slice %arg5[%dma_wait3A_653, %dma_wait3A_654] : memref<200000x64xf32, #tpu.memory_space<hbm>> -> memref<200000x64xf32, #tpu.memory_space<hbm>>
        tpu.wait_indirect_dma semaphore(%arg23 : memref<!tpu.dma_semaphore, #tpu.memory_space<semaphore_mem>>) src(%dma_wait3A_655 : memref<200000x64xf32, #tpu.memory_space<hbm>>) dst(%dma_wait3A_651 : memref<16x64xf32, #tpu.memory_space<vmem>>)
      } else {
      }
      %gt3A_331 = arith.constant 176 : i32
      %gt3A_332 = arith.cmpi sgt, %get3A_275, %gt3A_331 : i32
      %convert_element_type3A_333 = arith.extui %gt3A_332 : i1 to i32
      %cond3A_334 = arith.constant 0 : i32
      %cond3A_335 = arith.cmpi ne, %convert_element_type3A_333, %cond3A_334 : i32
      scf.if %cond3A_335 {
        %mul3A_645 = arith.constant 320 : i32
        %mul3A_646 = arith.muli %add3A_147, %mul3A_645 : i32
        %add3A_647 = arith.constant 176 : i32
        %add3A_648 = arith.addi %mul3A_646, %add3A_647 : i32
        %dma_wait3A_649 = arith.constant 176 : i32
        %dma_wait3A_650 = arith.constant 0 : i32
        %dma_wait3A_651 = tpu.memref_slice %arg16[%dma_wait3A_649, %dma_wait3A_650] : memref<320x64xf32, #tpu.memory_space<vmem>> -> memref<16x64xf32, #tpu.memory_space<vmem>>
        %dma_wait3A_652 = tpu.memref_slice %arg11[%add3A_648] : memref<6416xi32, #tpu.memory_space<vmem>> -> memref<16xi32, #tpu.memory_space<vmem>>
        %dma_wait3A_653 = arith.constant 0 : i32
        %dma_wait3A_654 = arith.constant 0 : i32
        %dma_wait3A_655 = tpu.memref_slice %arg5[%dma_wait3A_653, %dma_wait3A_654] : memref<200000x64xf32, #tpu.memory_space<hbm>> -> memref<200000x64xf32, #tpu.memory_space<hbm>>
        tpu.wait_indirect_dma semaphore(%arg23 : memref<!tpu.dma_semaphore, #tpu.memory_space<semaphore_mem>>) src(%dma_wait3A_655 : memref<200000x64xf32, #tpu.memory_space<hbm>>) dst(%dma_wait3A_651 : memref<16x64xf32, #tpu.memory_space<vmem>>)
      } else {
      }
      %gt3A_336 = arith.constant 192 : i32
      %gt3A_337 = arith.cmpi sgt, %get3A_275, %gt3A_336 : i32
      %convert_element_type3A_338 = arith.extui %gt3A_337 : i1 to i32
      %cond3A_339 = arith.constant 0 : i32
      %cond3A_340 = arith.cmpi ne, %convert_element_type3A_338, %cond3A_339 : i32
      scf.if %cond3A_340 {
        %mul3A_645 = arith.constant 320 : i32
        %mul3A_646 = arith.muli %add3A_147, %mul3A_645 : i32
        %add3A_647 = arith.constant 192 : i32
        %add3A_648 = arith.addi %mul3A_646, %add3A_647 : i32
        %dma_wait3A_649 = arith.constant 192 : i32
        %dma_wait3A_650 = arith.constant 0 : i32
        %dma_wait3A_651 = tpu.memref_slice %arg16[%dma_wait3A_649, %dma_wait3A_650] : memref<320x64xf32, #tpu.memory_space<vmem>> -> memref<16x64xf32, #tpu.memory_space<vmem>>
        %dma_wait3A_652 = tpu.memref_slice %arg11[%add3A_648] : memref<6416xi32, #tpu.memory_space<vmem>> -> memref<16xi32, #tpu.memory_space<vmem>>
        %dma_wait3A_653 = arith.constant 0 : i32
        %dma_wait3A_654 = arith.constant 0 : i32
        %dma_wait3A_655 = tpu.memref_slice %arg5[%dma_wait3A_653, %dma_wait3A_654] : memref<200000x64xf32, #tpu.memory_space<hbm>> -> memref<200000x64xf32, #tpu.memory_space<hbm>>
        tpu.wait_indirect_dma semaphore(%arg23 : memref<!tpu.dma_semaphore, #tpu.memory_space<semaphore_mem>>) src(%dma_wait3A_655 : memref<200000x64xf32, #tpu.memory_space<hbm>>) dst(%dma_wait3A_651 : memref<16x64xf32, #tpu.memory_space<vmem>>)
      } else {
      }
      %gt3A_341 = arith.constant 208 : i32
      %gt3A_342 = arith.cmpi sgt, %get3A_275, %gt3A_341 : i32
      %convert_element_type3A_343 = arith.extui %gt3A_342 : i1 to i32
      %cond3A_344 = arith.constant 0 : i32
      %cond3A_345 = arith.cmpi ne, %convert_element_type3A_343, %cond3A_344 : i32
      scf.if %cond3A_345 {
        %mul3A_645 = arith.constant 320 : i32
        %mul3A_646 = arith.muli %add3A_147, %mul3A_645 : i32
        %add3A_647 = arith.constant 208 : i32
        %add3A_648 = arith.addi %mul3A_646, %add3A_647 : i32
        %dma_wait3A_649 = arith.constant 208 : i32
        %dma_wait3A_650 = arith.constant 0 : i32
        %dma_wait3A_651 = tpu.memref_slice %arg16[%dma_wait3A_649, %dma_wait3A_650] : memref<320x64xf32, #tpu.memory_space<vmem>> -> memref<16x64xf32, #tpu.memory_space<vmem>>
        %dma_wait3A_652 = tpu.memref_slice %arg11[%add3A_648] : memref<6416xi32, #tpu.memory_space<vmem>> -> memref<16xi32, #tpu.memory_space<vmem>>
        %dma_wait3A_653 = arith.constant 0 : i32
        %dma_wait3A_654 = arith.constant 0 : i32
        %dma_wait3A_655 = tpu.memref_slice %arg5[%dma_wait3A_653, %dma_wait3A_654] : memref<200000x64xf32, #tpu.memory_space<hbm>> -> memref<200000x64xf32, #tpu.memory_space<hbm>>
        tpu.wait_indirect_dma semaphore(%arg23 : memref<!tpu.dma_semaphore, #tpu.memory_space<semaphore_mem>>) src(%dma_wait3A_655 : memref<200000x64xf32, #tpu.memory_space<hbm>>) dst(%dma_wait3A_651 : memref<16x64xf32, #tpu.memory_space<vmem>>)
      } else {
      }
      %gt3A_346 = arith.constant 224 : i32
      %gt3A_347 = arith.cmpi sgt, %get3A_275, %gt3A_346 : i32
      %convert_element_type3A_348 = arith.extui %gt3A_347 : i1 to i32
      %cond3A_349 = arith.constant 0 : i32
      %cond3A_350 = arith.cmpi ne, %convert_element_type3A_348, %cond3A_349 : i32
      scf.if %cond3A_350 {
        %mul3A_645 = arith.constant 320 : i32
        %mul3A_646 = arith.muli %add3A_147, %mul3A_645 : i32
        %add3A_647 = arith.constant 224 : i32
        %add3A_648 = arith.addi %mul3A_646, %add3A_647 : i32
        %dma_wait3A_649 = arith.constant 224 : i32
        %dma_wait3A_650 = arith.constant 0 : i32
        %dma_wait3A_651 = tpu.memref_slice %arg16[%dma_wait3A_649, %dma_wait3A_650] : memref<320x64xf32, #tpu.memory_space<vmem>> -> memref<16x64xf32, #tpu.memory_space<vmem>>
        %dma_wait3A_652 = tpu.memref_slice %arg11[%add3A_648] : memref<6416xi32, #tpu.memory_space<vmem>> -> memref<16xi32, #tpu.memory_space<vmem>>
        %dma_wait3A_653 = arith.constant 0 : i32
        %dma_wait3A_654 = arith.constant 0 : i32
        %dma_wait3A_655 = tpu.memref_slice %arg5[%dma_wait3A_653, %dma_wait3A_654] : memref<200000x64xf32, #tpu.memory_space<hbm>> -> memref<200000x64xf32, #tpu.memory_space<hbm>>
        tpu.wait_indirect_dma semaphore(%arg23 : memref<!tpu.dma_semaphore, #tpu.memory_space<semaphore_mem>>) src(%dma_wait3A_655 : memref<200000x64xf32, #tpu.memory_space<hbm>>) dst(%dma_wait3A_651 : memref<16x64xf32, #tpu.memory_space<vmem>>)
      } else {
      }
      %gt3A_351 = arith.constant 240 : i32
      %gt3A_352 = arith.cmpi sgt, %get3A_275, %gt3A_351 : i32
      %convert_element_type3A_353 = arith.extui %gt3A_352 : i1 to i32
      %cond3A_354 = arith.constant 0 : i32
      %cond3A_355 = arith.cmpi ne, %convert_element_type3A_353, %cond3A_354 : i32
      scf.if %cond3A_355 {
        %mul3A_645 = arith.constant 320 : i32
        %mul3A_646 = arith.muli %add3A_147, %mul3A_645 : i32
        %add3A_647 = arith.constant 240 : i32
        %add3A_648 = arith.addi %mul3A_646, %add3A_647 : i32
        %dma_wait3A_649 = arith.constant 240 : i32
        %dma_wait3A_650 = arith.constant 0 : i32
        %dma_wait3A_651 = tpu.memref_slice %arg16[%dma_wait3A_649, %dma_wait3A_650] : memref<320x64xf32, #tpu.memory_space<vmem>> -> memref<16x64xf32, #tpu.memory_space<vmem>>
        %dma_wait3A_652 = tpu.memref_slice %arg11[%add3A_648] : memref<6416xi32, #tpu.memory_space<vmem>> -> memref<16xi32, #tpu.memory_space<vmem>>
        %dma_wait3A_653 = arith.constant 0 : i32
        %dma_wait3A_654 = arith.constant 0 : i32
        %dma_wait3A_655 = tpu.memref_slice %arg5[%dma_wait3A_653, %dma_wait3A_654] : memref<200000x64xf32, #tpu.memory_space<hbm>> -> memref<200000x64xf32, #tpu.memory_space<hbm>>
        tpu.wait_indirect_dma semaphore(%arg23 : memref<!tpu.dma_semaphore, #tpu.memory_space<semaphore_mem>>) src(%dma_wait3A_655 : memref<200000x64xf32, #tpu.memory_space<hbm>>) dst(%dma_wait3A_651 : memref<16x64xf32, #tpu.memory_space<vmem>>)
      } else {
      }
      %gt3A_356 = arith.constant 256 : i32
      %gt3A_357 = arith.cmpi sgt, %get3A_275, %gt3A_356 : i32
      %convert_element_type3A_358 = arith.extui %gt3A_357 : i1 to i32
      %cond3A_359 = arith.constant 0 : i32
      %cond3A_360 = arith.cmpi ne, %convert_element_type3A_358, %cond3A_359 : i32
      scf.if %cond3A_360 {
        %mul3A_645 = arith.constant 320 : i32
        %mul3A_646 = arith.muli %add3A_147, %mul3A_645 : i32
        %add3A_647 = arith.constant 256 : i32
        %add3A_648 = arith.addi %mul3A_646, %add3A_647 : i32
        %dma_wait3A_649 = arith.constant 256 : i32
        %dma_wait3A_650 = arith.constant 0 : i32
        %dma_wait3A_651 = tpu.memref_slice %arg16[%dma_wait3A_649, %dma_wait3A_650] : memref<320x64xf32, #tpu.memory_space<vmem>> -> memref<16x64xf32, #tpu.memory_space<vmem>>
        %dma_wait3A_652 = tpu.memref_slice %arg11[%add3A_648] : memref<6416xi32, #tpu.memory_space<vmem>> -> memref<16xi32, #tpu.memory_space<vmem>>
        %dma_wait3A_653 = arith.constant 0 : i32
        %dma_wait3A_654 = arith.constant 0 : i32
        %dma_wait3A_655 = tpu.memref_slice %arg5[%dma_wait3A_653, %dma_wait3A_654] : memref<200000x64xf32, #tpu.memory_space<hbm>> -> memref<200000x64xf32, #tpu.memory_space<hbm>>
        tpu.wait_indirect_dma semaphore(%arg23 : memref<!tpu.dma_semaphore, #tpu.memory_space<semaphore_mem>>) src(%dma_wait3A_655 : memref<200000x64xf32, #tpu.memory_space<hbm>>) dst(%dma_wait3A_651 : memref<16x64xf32, #tpu.memory_space<vmem>>)
      } else {
      }
      %gt3A_361 = arith.constant 272 : i32
      %gt3A_362 = arith.cmpi sgt, %get3A_275, %gt3A_361 : i32
      %convert_element_type3A_363 = arith.extui %gt3A_362 : i1 to i32
      %cond3A_364 = arith.constant 0 : i32
      %cond3A_365 = arith.cmpi ne, %convert_element_type3A_363, %cond3A_364 : i32
      scf.if %cond3A_365 {
        %mul3A_645 = arith.constant 320 : i32
        %mul3A_646 = arith.muli %add3A_147, %mul3A_645 : i32
        %add3A_647 = arith.constant 272 : i32
        %add3A_648 = arith.addi %mul3A_646, %add3A_647 : i32
        %dma_wait3A_649 = arith.constant 272 : i32
        %dma_wait3A_650 = arith.constant 0 : i32
        %dma_wait3A_651 = tpu.memref_slice %arg16[%dma_wait3A_649, %dma_wait3A_650] : memref<320x64xf32, #tpu.memory_space<vmem>> -> memref<16x64xf32, #tpu.memory_space<vmem>>
        %dma_wait3A_652 = tpu.memref_slice %arg11[%add3A_648] : memref<6416xi32, #tpu.memory_space<vmem>> -> memref<16xi32, #tpu.memory_space<vmem>>
        %dma_wait3A_653 = arith.constant 0 : i32
        %dma_wait3A_654 = arith.constant 0 : i32
        %dma_wait3A_655 = tpu.memref_slice %arg5[%dma_wait3A_653, %dma_wait3A_654] : memref<200000x64xf32, #tpu.memory_space<hbm>> -> memref<200000x64xf32, #tpu.memory_space<hbm>>
        tpu.wait_indirect_dma semaphore(%arg23 : memref<!tpu.dma_semaphore, #tpu.memory_space<semaphore_mem>>) src(%dma_wait3A_655 : memref<200000x64xf32, #tpu.memory_space<hbm>>) dst(%dma_wait3A_651 : memref<16x64xf32, #tpu.memory_space<vmem>>)
      } else {
      }
      %gt3A_366 = arith.constant 288 : i32
      %gt3A_367 = arith.cmpi sgt, %get3A_275, %gt3A_366 : i32
      %convert_element_type3A_368 = arith.extui %gt3A_367 : i1 to i32
      %cond3A_369 = arith.constant 0 : i32
      %cond3A_370 = arith.cmpi ne, %convert_element_type3A_368, %cond3A_369 : i32
      scf.if %cond3A_370 {
        %mul3A_645 = arith.constant 320 : i32
        %mul3A_646 = arith.muli %add3A_147, %mul3A_645 : i32
        %add3A_647 = arith.constant 288 : i32
        %add3A_648 = arith.addi %mul3A_646, %add3A_647 : i32
        %dma_wait3A_649 = arith.constant 288 : i32
        %dma_wait3A_650 = arith.constant 0 : i32
        %dma_wait3A_651 = tpu.memref_slice %arg16[%dma_wait3A_649, %dma_wait3A_650] : memref<320x64xf32, #tpu.memory_space<vmem>> -> memref<16x64xf32, #tpu.memory_space<vmem>>
        %dma_wait3A_652 = tpu.memref_slice %arg11[%add3A_648] : memref<6416xi32, #tpu.memory_space<vmem>> -> memref<16xi32, #tpu.memory_space<vmem>>
        %dma_wait3A_653 = arith.constant 0 : i32
        %dma_wait3A_654 = arith.constant 0 : i32
        %dma_wait3A_655 = tpu.memref_slice %arg5[%dma_wait3A_653, %dma_wait3A_654] : memref<200000x64xf32, #tpu.memory_space<hbm>> -> memref<200000x64xf32, #tpu.memory_space<hbm>>
        tpu.wait_indirect_dma semaphore(%arg23 : memref<!tpu.dma_semaphore, #tpu.memory_space<semaphore_mem>>) src(%dma_wait3A_655 : memref<200000x64xf32, #tpu.memory_space<hbm>>) dst(%dma_wait3A_651 : memref<16x64xf32, #tpu.memory_space<vmem>>)
      } else {
      }
      %gt3A_371 = arith.constant 304 : i32
      %gt3A_372 = arith.cmpi sgt, %get3A_275, %gt3A_371 : i32
      %convert_element_type3A_373 = arith.extui %gt3A_372 : i1 to i32
      %cond3A_374 = arith.constant 0 : i32
      %cond3A_375 = arith.cmpi ne, %convert_element_type3A_373, %cond3A_374 : i32
      scf.if %cond3A_375 {
        %mul3A_645 = arith.constant 320 : i32
        %mul3A_646 = arith.muli %add3A_147, %mul3A_645 : i32
        %add3A_647 = arith.constant 304 : i32
        %add3A_648 = arith.addi %mul3A_646, %add3A_647 : i32
        %dma_wait3A_649 = arith.constant 304 : i32
        %dma_wait3A_650 = arith.constant 0 : i32
        %dma_wait3A_651 = tpu.memref_slice %arg16[%dma_wait3A_649, %dma_wait3A_650] : memref<320x64xf32, #tpu.memory_space<vmem>> -> memref<16x64xf32, #tpu.memory_space<vmem>>
        %dma_wait3A_652 = tpu.memref_slice %arg11[%add3A_648] : memref<6416xi32, #tpu.memory_space<vmem>> -> memref<16xi32, #tpu.memory_space<vmem>>
        %dma_wait3A_653 = arith.constant 0 : i32
        %dma_wait3A_654 = arith.constant 0 : i32
        %dma_wait3A_655 = tpu.memref_slice %arg5[%dma_wait3A_653, %dma_wait3A_654] : memref<200000x64xf32, #tpu.memory_space<hbm>> -> memref<200000x64xf32, #tpu.memory_space<hbm>>
        tpu.wait_indirect_dma semaphore(%arg23 : memref<!tpu.dma_semaphore, #tpu.memory_space<semaphore_mem>>) src(%dma_wait3A_655 : memref<200000x64xf32, #tpu.memory_space<hbm>>) dst(%dma_wait3A_651 : memref<16x64xf32, #tpu.memory_space<vmem>>)
      } else {
      }
      %ge3A = arith.constant 2 : i32
      %ge3A_376 = arith.cmpi sge, %add3A_147, %ge3A : i32
      %convert_element_type3A_377 = arith.extui %ge3A_376 : i1 to i32
      %cond3A_378 = arith.constant 0 : i32
      %cond3A_379 = arith.cmpi ne, %convert_element_type3A_377, %cond3A_378 : i32
      scf.if %cond3A_379 {
        %sub3A = arith.constant 2 : i32
        %sub3A_645 = arith.subi %add3A_147, %sub3A : i32
        %mul3A_646 = arith.constant 320 : i32
        %mul3A_647 = arith.muli %sub3A_645, %mul3A_646 : i32
        %add3A_648 = arith.addi %mul3A_2, %mul3A_647 : i32
        %dma_wait3A_649 = arith.constant 0 : i32
        %dma_wait3A_650 = tpu.memref_slice %arg7[%add3A_648, %dma_wait3A_649] : memref<204800x64xf32, #tpu.memory_space<hbm>> -> memref<320x64xf32, #tpu.memory_space<hbm>>
        %dma_wait3A_651 = arith.constant 0 : i32
        %dma_wait3A_652 = tpu.memref_slice %arg7[%add3A_648, %dma_wait3A_651] : memref<204800x64xf32, #tpu.memory_space<hbm>> -> memref<320x64xf32, #tpu.memory_space<hbm>>
        tpu.wait_dma2 semaphore(%arg25 : memref<!tpu.dma_semaphore, #tpu.memory_space<semaphore_mem>>) src(%arg18 : memref<320x64xf32, #tpu.memory_space<vmem>>) dst(%dma_wait3A_652 : memref<320x64xf32, #tpu.memory_space<hbm>>)
      } else {
      }
      %scan3A_380 = arith.constant 0 : i32
      %scan3A_381 = arith.constant 0 : i32
      %scan3A_382 = arith.constant 20 : i32
      %scan3A_383 = arith.addi %scan3A_381, %scan3A_382 : i32
      %scan3A_384 = arith.constant 1 : i32
      scf.for %scan3A_645 = %scan3A_381 to %scan3A_383 step %scan3A_384  : i32 {
        %mul3A_646 = arith.constant 320 : i32
        %mul3A_647 = arith.muli %add3A_147, %mul3A_646 : i32
        %mul3A_648 = arith.constant 16 : i32
        %mul3A_649 = arith.muli %scan3A_645, %mul3A_648 : i32
        %add3A_650 = arith.addi %mul3A_647, %mul3A_649 : i32
        %get3A_651 = arith.index_cast %add3A_650 : i32 to index
        %get3A_652 = tpu.vector_load %arg9[%get3A_651] {strides = array<i32>} : memref<6400xi32, #tpu.memory_space<vmem>>, vector<16xi32>,
        %get3A_653 = arith.index_cast %add3A_650 : i32 to index
        %get3A_654 = tpu.vector_load %arg10[%get3A_653] {strides = array<i32>} : memref<6400xi32, #tpu.memory_space<vmem>>, vector<16xi32>,
        %get3A_655 = arith.index_cast %add3A_650 : i32 to index
        %get3A_656 = tpu.vector_load %arg12[%get3A_655] {strides = array<i32>} : memref<6400xf32, #tpu.memory_space<vmem>>, vector<16xf32>,
        %mul3A_657 = arith.constant 16 : i32
        %mul3A_658 = arith.muli %scan3A_645, %mul3A_657 : i32
        %add3A_659 = vector.broadcast %mul3A_658 : i32 to vector<16xi32>
        %add3A_660 = arith.addi %iota3A, %add3A_659 : vector<16xi32>
        %scan3A_661 = arith.constant 0 : i32
        %scan3A_662 = arith.constant 0 : i32
        %scan3A_663 = arith.constant 8 : i32
        %scan3A_664 = arith.addi %scan3A_662, %scan3A_663 : i32
        %scan3A_665 = arith.constant 1 : i32
        scf.for %scan3A_667 = %scan3A_662 to %scan3A_664 step %scan3A_665  : i32 {
          %mul3A_668 = arith.constant 8 : i32
          %mul3A_669 = arith.muli %scan3A_667, %mul3A_668 : i32
          %add3A_670 = arith.constant 0 : i32
          %add3A_671 = arith.addi %mul3A_669, %add3A_670 : i32
          %add3A_672 = vector.broadcast %add3A_671 : i32 to vector<16xi32>
          %add3A_673 = arith.addi %broadcast_in_dim3A_9, %add3A_672 : vector<16xi32>
          %gather3A = tpu.vector_load_idx %arg16[%get3A_652, %add3A_673] : memref<320x64xf32, #tpu.memory_space<vmem>>[vector<16xi32>, vector<16xi32>], vector<16xf32>,
          %add3A_674 = vector.broadcast %add3A_671 : i32 to vector<16xi32>
          %add3A_675 = arith.addi %get3A_654, %add3A_674 : vector<16xi32>
          %gather3A_676 = tpu.vector_load_idx %arg15[%add3A_675] : memref<128xf32, #tpu.memory_space<vmem>>[vector<16xi32>], vector<16xf32>,
          %add3A_677 = arith.addf %gather3A, %gather3A_676 : vector<16xf32>
          %mul3A_678 = arith.mulf %add3A_677, %get3A_656 : vector<16xf32>
          tpu.vector_store_idx %arg18[%add3A_660, %add3A_673], %mul3A_678 : memref<320x64xf32, #tpu.memory_space<vmem>>[vector<16xi32>, vector<16xi32>], vector<16xf32>,
          %mul3A_679 = arith.constant 8 : i32
          %mul3A_680 = arith.muli %scan3A_667, %mul3A_679 : i32
          %add3A_681 = arith.constant 1 : i32
          %add3A_682 = arith.addi %mul3A_680, %add3A_681 : i32
          %add3A_683 = vector.broadcast %add3A_682 : i32 to vector<16xi32>
          %add3A_684 = arith.addi %broadcast_in_dim3A_9, %add3A_683 : vector<16xi32>
          %gather3A_685 = tpu.vector_load_idx %arg16[%get3A_652, %add3A_684] : memref<320x64xf32, #tpu.memory_space<vmem>>[vector<16xi32>, vector<16xi32>], vector<16xf32>,
          %add3A_686 = vector.broadcast %add3A_682 : i32 to vector<16xi32>
          %add3A_687 = arith.addi %get3A_654, %add3A_686 : vector<16xi32>
          %gather3A_688 = tpu.vector_load_idx %arg15[%add3A_687] : memref<128xf32, #tpu.memory_space<vmem>>[vector<16xi32>], vector<16xf32>,
          %add3A_689 = arith.addf %gather3A_685, %gather3A_688 : vector<16xf32>
          %mul3A_690 = arith.mulf %add3A_689, %get3A_656 : vector<16xf32>
          tpu.vector_store_idx %arg18[%add3A_660, %add3A_684], %mul3A_690 : memref<320x64xf32, #tpu.memory_space<vmem>>[vector<16xi32>, vector<16xi32>], vector<16xf32>,
          %mul3A_691 = arith.constant 8 : i32
          %mul3A_692 = arith.muli %scan3A_667, %mul3A_691 : i32
          %add3A_693 = arith.constant 2 : i32
          %add3A_694 = arith.addi %mul3A_692, %add3A_693 : i32
          %add3A_695 = vector.broadcast %add3A_694 : i32 to vector<16xi32>
          %add3A_696 = arith.addi %broadcast_in_dim3A_9, %add3A_695 : vector<16xi32>
          %gather3A_697 = tpu.vector_load_idx %arg16[%get3A_652, %add3A_696] : memref<320x64xf32, #tpu.memory_space<vmem>>[vector<16xi32>, vector<16xi32>], vector<16xf32>,
          %add3A_698 = vector.broadcast %add3A_694 : i32 to vector<16xi32>
          %add3A_699 = arith.addi %get3A_654, %add3A_698 : vector<16xi32>
          %gather3A_700 = tpu.vector_load_idx %arg15[%add3A_699] : memref<128xf32, #tpu.memory_space<vmem>>[vector<16xi32>], vector<16xf32>,
          %add3A_701 = arith.addf %gather3A_697, %gather3A_700 : vector<16xf32>
          %mul3A_702 = arith.mulf %add3A_701, %get3A_656 : vector<16xf32>
          tpu.vector_store_idx %arg18[%add3A_660, %add3A_696], %mul3A_702 : memref<320x64xf32, #tpu.memory_space<vmem>>[vector<16xi32>, vector<16xi32>], vector<16xf32>,
          %mul3A_703 = arith.constant 8 : i32
          %mul3A_704 = arith.muli %scan3A_667, %mul3A_703 : i32
          %add3A_705 = arith.constant 3 : i32
          %add3A_706 = arith.addi %mul3A_704, %add3A_705 : i32
          %add3A_707 = vector.broadcast %add3A_706 : i32 to vector<16xi32>
          %add3A_708 = arith.addi %broadcast_in_dim3A_9, %add3A_707 : vector<16xi32>
          %gather3A_709 = tpu.vector_load_idx %arg16[%get3A_652, %add3A_708] : memref<320x64xf32, #tpu.memory_space<vmem>>[vector<16xi32>, vector<16xi32>], vector<16xf32>,
          %add3A_710 = vector.broadcast %add3A_706 : i32 to vector<16xi32>
          %add3A_711 = arith.addi %get3A_654, %add3A_710 : vector<16xi32>
          %gather3A_712 = tpu.vector_load_idx %arg15[%add3A_711] : memref<128xf32, #tpu.memory_space<vmem>>[vector<16xi32>], vector<16xf32>,
          %add3A_713 = arith.addf %gather3A_709, %gather3A_712 : vector<16xf32>
          %mul3A_714 = arith.mulf %add3A_713, %get3A_656 : vector<16xf32>
          tpu.vector_store_idx %arg18[%add3A_660, %add3A_708], %mul3A_714 : memref<320x64xf32, #tpu.memory_space<vmem>>[vector<16xi32>, vector<16xi32>], vector<16xf32>,
          %mul3A_715 = arith.constant 8 : i32
          %mul3A_716 = arith.muli %scan3A_667, %mul3A_715 : i32
          %add3A_717 = arith.constant 4 : i32
          %add3A_718 = arith.addi %mul3A_716, %add3A_717 : i32
          %add3A_719 = vector.broadcast %add3A_718 : i32 to vector<16xi32>
          %add3A_720 = arith.addi %broadcast_in_dim3A_9, %add3A_719 : vector<16xi32>
          %gather3A_721 = tpu.vector_load_idx %arg16[%get3A_652, %add3A_720] : memref<320x64xf32, #tpu.memory_space<vmem>>[vector<16xi32>, vector<16xi32>], vector<16xf32>,
          %add3A_722 = vector.broadcast %add3A_718 : i32 to vector<16xi32>
          %add3A_723 = arith.addi %get3A_654, %add3A_722 : vector<16xi32>
          %gather3A_724 = tpu.vector_load_idx %arg15[%add3A_723] : memref<128xf32, #tpu.memory_space<vmem>>[vector<16xi32>], vector<16xf32>,
          %add3A_725 = arith.addf %gather3A_721, %gather3A_724 : vector<16xf32>
          %mul3A_726 = arith.mulf %add3A_725, %get3A_656 : vector<16xf32>
          tpu.vector_store_idx %arg18[%add3A_660, %add3A_720], %mul3A_726 : memref<320x64xf32, #tpu.memory_space<vmem>>[vector<16xi32>, vector<16xi32>], vector<16xf32>,
          %mul3A_727 = arith.constant 8 : i32
          %mul3A_728 = arith.muli %scan3A_667, %mul3A_727 : i32
          %add3A_729 = arith.constant 5 : i32
          %add3A_730 = arith.addi %mul3A_728, %add3A_729 : i32
          %add3A_731 = vector.broadcast %add3A_730 : i32 to vector<16xi32>
          %add3A_732 = arith.addi %broadcast_in_dim3A_9, %add3A_731 : vector<16xi32>
          %gather3A_733 = tpu.vector_load_idx %arg16[%get3A_652, %add3A_732] : memref<320x64xf32, #tpu.memory_space<vmem>>[vector<16xi32>, vector<16xi32>], vector<16xf32>,
          %add3A_734 = vector.broadcast %add3A_730 : i32 to vector<16xi32>
          %add3A_735 = arith.addi %get3A_654, %add3A_734 : vector<16xi32>
          %gather3A_736 = tpu.vector_load_idx %arg15[%add3A_735] : memref<128xf32, #tpu.memory_space<vmem>>[vector<16xi32>], vector<16xf32>,
          %add3A_737 = arith.addf %gather3A_733, %gather3A_736 : vector<16xf32>
          %mul3A_738 = arith.mulf %add3A_737, %get3A_656 : vector<16xf32>
          tpu.vector_store_idx %arg18[%add3A_660, %add3A_732], %mul3A_738 : memref<320x64xf32, #tpu.memory_space<vmem>>[vector<16xi32>, vector<16xi32>], vector<16xf32>,
          %mul3A_739 = arith.constant 8 : i32
          %mul3A_740 = arith.muli %scan3A_667, %mul3A_739 : i32
          %add3A_741 = arith.constant 6 : i32
          %add3A_742 = arith.addi %mul3A_740, %add3A_741 : i32
          %add3A_743 = vector.broadcast %add3A_742 : i32 to vector<16xi32>
          %add3A_744 = arith.addi %broadcast_in_dim3A_9, %add3A_743 : vector<16xi32>
          %gather3A_745 = tpu.vector_load_idx %arg16[%get3A_652, %add3A_744] : memref<320x64xf32, #tpu.memory_space<vmem>>[vector<16xi32>, vector<16xi32>], vector<16xf32>,
          %add3A_746 = vector.broadcast %add3A_742 : i32 to vector<16xi32>
          %add3A_747 = arith.addi %get3A_654, %add3A_746 : vector<16xi32>
          %gather3A_748 = tpu.vector_load_idx %arg15[%add3A_747] : memref<128xf32, #tpu.memory_space<vmem>>[vector<16xi32>], vector<16xf32>,
          %add3A_749 = arith.addf %gather3A_745, %gather3A_748 : vector<16xf32>
          %mul3A_750 = arith.mulf %add3A_749, %get3A_656 : vector<16xf32>
          tpu.vector_store_idx %arg18[%add3A_660, %add3A_744], %mul3A_750 : memref<320x64xf32, #tpu.memory_space<vmem>>[vector<16xi32>, vector<16xi32>], vector<16xf32>,
          %mul3A_751 = arith.constant 8 : i32
          %mul3A_752 = arith.muli %scan3A_667, %mul3A_751 : i32
          %add3A_753 = arith.constant 7 : i32
          %add3A_754 = arith.addi %mul3A_752, %add3A_753 : i32
          %add3A_755 = vector.broadcast %add3A_754 : i32 to vector<16xi32>
          %add3A_756 = arith.addi %broadcast_in_dim3A_9, %add3A_755 : vector<16xi32>
          %gather3A_757 = tpu.vector_load_idx %arg16[%get3A_652, %add3A_756] : memref<320x64xf32, #tpu.memory_space<vmem>>[vector<16xi32>, vector<16xi32>], vector<16xf32>,
          %add3A_758 = vector.broadcast %add3A_754 : i32 to vector<16xi32>
          %add3A_759 = arith.addi %get3A_654, %add3A_758 : vector<16xi32>
          %gather3A_760 = tpu.vector_load_idx %arg15[%add3A_759] : memref<128xf32, #tpu.memory_space<vmem>>[vector<16xi32>], vector<16xf32>,
          %add3A_761 = arith.addf %gather3A_757, %gather3A_760 : vector<16xf32>
          %mul3A_762 = arith.mulf %add3A_761, %get3A_656 : vector<16xf32>
          tpu.vector_store_idx %arg18[%add3A_660, %add3A_756], %mul3A_762 : memref<320x64xf32, #tpu.memory_space<vmem>>[vector<16xi32>, vector<16xi32>], vector<16xf32>,
        }
        %scan3A_666 = arith.constant 8 : i32
      }
      %scan3A_385 = arith.constant 20 : i32
      %mul3A_386 = arith.constant 320 : i32
      %mul3A_387 = arith.muli %add3A_147, %mul3A_386 : i32
      %add3A_388 = arith.addi %mul3A_2, %mul3A_387 : i32
      %dma_start3A_389 = arith.constant 0 : i32
      %dma_start3A_390 = tpu.memref_slice %arg7[%add3A_388, %dma_start3A_389] : memref<204800x64xf32, #tpu.memory_space<hbm>> -> memref<320x64xf32, #tpu.memory_space<hbm>>
      %dma_start3A_391 = arith.constant 0 : i32
      %dma_start3A_392 = tpu.memref_slice %arg7[%add3A_388, %dma_start3A_391] : memref<204800x64xf32, #tpu.memory_space<hbm>> -> memref<320x64xf32, #tpu.memory_space<hbm>>
      tpu.enqueue_dma source(%arg18 : memref<320x64xf32, #tpu.memory_space<vmem>>) target(%dma_start3A_392 : memref<320x64xf32, #tpu.memory_space<hbm>>) target_semaphore(%arg25 : memref<!tpu.dma_semaphore, #tpu.memory_space<semaphore_mem>>)
      %mul3A_393 = arith.constant 2 : i32
      %mul3A_394 = arith.muli %scan3A_143, %mul3A_393 : i32
      %add3A_395 = arith.constant 1 : i32
      %add3A_396 = arith.addi %mul3A_394, %add3A_395 : i32
      %add3A_397 = arith.constant 1 : i32
      %add3A_398 = arith.addi %add3A_396, %add3A_397 : i32
      %add3A_399 = arith.constant 1 : i32
      %add3A_400 = arith.addi %add3A_396, %add3A_399 : i32
      %le3A_401 = arith.constant 19 : i32
      %le3A_402 = arith.cmpi sle, %add3A_400, %le3A_401 : i32
      %get3A_403 = arith.index_cast %add3A_398 : i32 to index
      %get3A_404 = memref.load %arg20[%get3A_403] : memref<21xi32, #tpu.memory_space<smem>>
      %gt3A_405 = arith.constant 0 : i32
      %gt3A_406 = arith.cmpi sgt, %get3A_404, %gt3A_405 : i32
      %and3A_407 = arith.andi %le3A_402, %gt3A_406 : i1
      %convert_element_type3A_408 = arith.extui %and3A_407 : i1 to i32
      %cond3A_409 = arith.constant 0 : i32
      %cond3A_410 = arith.cmpi ne, %convert_element_type3A_408, %cond3A_409 : i32
      scf.if %cond3A_410 {
        %mul3A_645 = arith.constant 320 : i32
        %mul3A_646 = arith.muli %add3A_398, %mul3A_645 : i32
        %add3A_647 = arith.constant 0 : i32
        %add3A_648 = arith.addi %mul3A_646, %add3A_647 : i32
        %dma_start3A_649 = arith.constant 0 : i32
        %dma_start3A_650 = arith.constant 0 : i32
        %dma_start3A_651 = tpu.memref_slice %arg16[%dma_start3A_649, %dma_start3A_650] : memref<320x64xf32, #tpu.memory_space<vmem>> -> memref<16x64xf32, #tpu.memory_space<vmem>>
        %dma_start3A_652 = tpu.memref_slice %arg11[%add3A_648] : memref<6416xi32, #tpu.memory_space<vmem>> -> memref<16xi32, #tpu.memory_space<vmem>>
        %dma_start3A_653 = arith.constant 0 : i32
        %dma_start3A_654 = arith.constant 0 : i32
        %dma_start3A_655 = tpu.memref_slice %arg5[%dma_start3A_653, %dma_start3A_654] : memref<200000x64xf32, #tpu.memory_space<hbm>> -> memref<200000x64xf32, #tpu.memory_space<hbm>>
        tpu.enqueue_indirect_dma source(%dma_start3A_655 : memref<200000x64xf32, #tpu.memory_space<hbm>>) target(%dma_start3A_651 : memref<16x64xf32, #tpu.memory_space<vmem>>) offsets(%dma_start3A_652 : memref<16xi32, #tpu.memory_space<vmem>>) semaphore(%arg23 : memref<!tpu.dma_semaphore, #tpu.memory_space<semaphore_mem>>)
      } else {
      }
      %gt3A_411 = arith.constant 16 : i32
      %gt3A_412 = arith.cmpi sgt, %get3A_404, %gt3A_411 : i32
      %and3A_413 = arith.andi %le3A_402, %gt3A_412 : i1
      %convert_element_type3A_414 = arith.extui %and3A_413 : i1 to i32
      %cond3A_415 = arith.constant 0 : i32
      %cond3A_416 = arith.cmpi ne, %convert_element_type3A_414, %cond3A_415 : i32
      scf.if %cond3A_416 {
        %mul3A_645 = arith.constant 320 : i32
        %mul3A_646 = arith.muli %add3A_398, %mul3A_645 : i32
        %add3A_647 = arith.constant 16 : i32
        %add3A_648 = arith.addi %mul3A_646, %add3A_647 : i32
        %dma_start3A_649 = arith.constant 16 : i32
        %dma_start3A_650 = arith.constant 0 : i32
        %dma_start3A_651 = tpu.memref_slice %arg16[%dma_start3A_649, %dma_start3A_650] : memref<320x64xf32, #tpu.memory_space<vmem>> -> memref<16x64xf32, #tpu.memory_space<vmem>>
        %dma_start3A_652 = tpu.memref_slice %arg11[%add3A_648] : memref<6416xi32, #tpu.memory_space<vmem>> -> memref<16xi32, #tpu.memory_space<vmem>>
        %dma_start3A_653 = arith.constant 0 : i32
        %dma_start3A_654 = arith.constant 0 : i32
        %dma_start3A_655 = tpu.memref_slice %arg5[%dma_start3A_653, %dma_start3A_654] : memref<200000x64xf32, #tpu.memory_space<hbm>> -> memref<200000x64xf32, #tpu.memory_space<hbm>>
        tpu.enqueue_indirect_dma source(%dma_start3A_655 : memref<200000x64xf32, #tpu.memory_space<hbm>>) target(%dma_start3A_651 : memref<16x64xf32, #tpu.memory_space<vmem>>) offsets(%dma_start3A_652 : memref<16xi32, #tpu.memory_space<vmem>>) semaphore(%arg23 : memref<!tpu.dma_semaphore, #tpu.memory_space<semaphore_mem>>)
      } else {
      }
      %gt3A_417 = arith.constant 32 : i32
      %gt3A_418 = arith.cmpi sgt, %get3A_404, %gt3A_417 : i32
      %and3A_419 = arith.andi %le3A_402, %gt3A_418 : i1
      %convert_element_type3A_420 = arith.extui %and3A_419 : i1 to i32
      %cond3A_421 = arith.constant 0 : i32
      %cond3A_422 = arith.cmpi ne, %convert_element_type3A_420, %cond3A_421 : i32
      scf.if %cond3A_422 {
        %mul3A_645 = arith.constant 320 : i32
        %mul3A_646 = arith.muli %add3A_398, %mul3A_645 : i32
        %add3A_647 = arith.constant 32 : i32
        %add3A_648 = arith.addi %mul3A_646, %add3A_647 : i32
        %dma_start3A_649 = arith.constant 32 : i32
        %dma_start3A_650 = arith.constant 0 : i32
        %dma_start3A_651 = tpu.memref_slice %arg16[%dma_start3A_649, %dma_start3A_650] : memref<320x64xf32, #tpu.memory_space<vmem>> -> memref<16x64xf32, #tpu.memory_space<vmem>>
        %dma_start3A_652 = tpu.memref_slice %arg11[%add3A_648] : memref<6416xi32, #tpu.memory_space<vmem>> -> memref<16xi32, #tpu.memory_space<vmem>>
        %dma_start3A_653 = arith.constant 0 : i32
        %dma_start3A_654 = arith.constant 0 : i32
        %dma_start3A_655 = tpu.memref_slice %arg5[%dma_start3A_653, %dma_start3A_654] : memref<200000x64xf32, #tpu.memory_space<hbm>> -> memref<200000x64xf32, #tpu.memory_space<hbm>>
        tpu.enqueue_indirect_dma source(%dma_start3A_655 : memref<200000x64xf32, #tpu.memory_space<hbm>>) target(%dma_start3A_651 : memref<16x64xf32, #tpu.memory_space<vmem>>) offsets(%dma_start3A_652 : memref<16xi32, #tpu.memory_space<vmem>>) semaphore(%arg23 : memref<!tpu.dma_semaphore, #tpu.memory_space<semaphore_mem>>)
      } else {
      }
      %gt3A_423 = arith.constant 48 : i32
      %gt3A_424 = arith.cmpi sgt, %get3A_404, %gt3A_423 : i32
      %and3A_425 = arith.andi %le3A_402, %gt3A_424 : i1
      %convert_element_type3A_426 = arith.extui %and3A_425 : i1 to i32
      %cond3A_427 = arith.constant 0 : i32
      %cond3A_428 = arith.cmpi ne, %convert_element_type3A_426, %cond3A_427 : i32
      scf.if %cond3A_428 {
        %mul3A_645 = arith.constant 320 : i32
        %mul3A_646 = arith.muli %add3A_398, %mul3A_645 : i32
        %add3A_647 = arith.constant 48 : i32
        %add3A_648 = arith.addi %mul3A_646, %add3A_647 : i32
        %dma_start3A_649 = arith.constant 48 : i32
        %dma_start3A_650 = arith.constant 0 : i32
        %dma_start3A_651 = tpu.memref_slice %arg16[%dma_start3A_649, %dma_start3A_650] : memref<320x64xf32, #tpu.memory_space<vmem>> -> memref<16x64xf32, #tpu.memory_space<vmem>>
        %dma_start3A_652 = tpu.memref_slice %arg11[%add3A_648] : memref<6416xi32, #tpu.memory_space<vmem>> -> memref<16xi32, #tpu.memory_space<vmem>>
        %dma_start3A_653 = arith.constant 0 : i32
        %dma_start3A_654 = arith.constant 0 : i32
        %dma_start3A_655 = tpu.memref_slice %arg5[%dma_start3A_653, %dma_start3A_654] : memref<200000x64xf32, #tpu.memory_space<hbm>> -> memref<200000x64xf32, #tpu.memory_space<hbm>>
        tpu.enqueue_indirect_dma source(%dma_start3A_655 : memref<200000x64xf32, #tpu.memory_space<hbm>>) target(%dma_start3A_651 : memref<16x64xf32, #tpu.memory_space<vmem>>) offsets(%dma_start3A_652 : memref<16xi32, #tpu.memory_space<vmem>>) semaphore(%arg23 : memref<!tpu.dma_semaphore, #tpu.memory_space<semaphore_mem>>)
      } else {
      }
      %gt3A_429 = arith.constant 64 : i32
      %gt3A_430 = arith.cmpi sgt, %get3A_404, %gt3A_429 : i32
      %and3A_431 = arith.andi %le3A_402, %gt3A_430 : i1
      %convert_element_type3A_432 = arith.extui %and3A_431 : i1 to i32
      %cond3A_433 = arith.constant 0 : i32
      %cond3A_434 = arith.cmpi ne, %convert_element_type3A_432, %cond3A_433 : i32
      scf.if %cond3A_434 {
        %mul3A_645 = arith.constant 320 : i32
        %mul3A_646 = arith.muli %add3A_398, %mul3A_645 : i32
        %add3A_647 = arith.constant 64 : i32
        %add3A_648 = arith.addi %mul3A_646, %add3A_647 : i32
        %dma_start3A_649 = arith.constant 64 : i32
        %dma_start3A_650 = arith.constant 0 : i32
        %dma_start3A_651 = tpu.memref_slice %arg16[%dma_start3A_649, %dma_start3A_650] : memref<320x64xf32, #tpu.memory_space<vmem>> -> memref<16x64xf32, #tpu.memory_space<vmem>>
        %dma_start3A_652 = tpu.memref_slice %arg11[%add3A_648] : memref<6416xi32, #tpu.memory_space<vmem>> -> memref<16xi32, #tpu.memory_space<vmem>>
        %dma_start3A_653 = arith.constant 0 : i32
        %dma_start3A_654 = arith.constant 0 : i32
        %dma_start3A_655 = tpu.memref_slice %arg5[%dma_start3A_653, %dma_start3A_654] : memref<200000x64xf32, #tpu.memory_space<hbm>> -> memref<200000x64xf32, #tpu.memory_space<hbm>>
        tpu.enqueue_indirect_dma source(%dma_start3A_655 : memref<200000x64xf32, #tpu.memory_space<hbm>>) target(%dma_start3A_651 : memref<16x64xf32, #tpu.memory_space<vmem>>) offsets(%dma_start3A_652 : memref<16xi32, #tpu.memory_space<vmem>>) semaphore(%arg23 : memref<!tpu.dma_semaphore, #tpu.memory_space<semaphore_mem>>)
      } else {
      }
      %gt3A_435 = arith.constant 80 : i32
      %gt3A_436 = arith.cmpi sgt, %get3A_404, %gt3A_435 : i32
      %and3A_437 = arith.andi %le3A_402, %gt3A_436 : i1
      %convert_element_type3A_438 = arith.extui %and3A_437 : i1 to i32
      %cond3A_439 = arith.constant 0 : i32
      %cond3A_440 = arith.cmpi ne, %convert_element_type3A_438, %cond3A_439 : i32
      scf.if %cond3A_440 {
        %mul3A_645 = arith.constant 320 : i32
        %mul3A_646 = arith.muli %add3A_398, %mul3A_645 : i32
        %add3A_647 = arith.constant 80 : i32
        %add3A_648 = arith.addi %mul3A_646, %add3A_647 : i32
        %dma_start3A_649 = arith.constant 80 : i32
        %dma_start3A_650 = arith.constant 0 : i32
        %dma_start3A_651 = tpu.memref_slice %arg16[%dma_start3A_649, %dma_start3A_650] : memref<320x64xf32, #tpu.memory_space<vmem>> -> memref<16x64xf32, #tpu.memory_space<vmem>>
        %dma_start3A_652 = tpu.memref_slice %arg11[%add3A_648] : memref<6416xi32, #tpu.memory_space<vmem>> -> memref<16xi32, #tpu.memory_space<vmem>>
        %dma_start3A_653 = arith.constant 0 : i32
        %dma_start3A_654 = arith.constant 0 : i32
        %dma_start3A_655 = tpu.memref_slice %arg5[%dma_start3A_653, %dma_start3A_654] : memref<200000x64xf32, #tpu.memory_space<hbm>> -> memref<200000x64xf32, #tpu.memory_space<hbm>>
        tpu.enqueue_indirect_dma source(%dma_start3A_655 : memref<200000x64xf32, #tpu.memory_space<hbm>>) target(%dma_start3A_651 : memref<16x64xf32, #tpu.memory_space<vmem>>) offsets(%dma_start3A_652 : memref<16xi32, #tpu.memory_space<vmem>>) semaphore(%arg23 : memref<!tpu.dma_semaphore, #tpu.memory_space<semaphore_mem>>)
      } else {
      }
      %gt3A_441 = arith.constant 96 : i32
      %gt3A_442 = arith.cmpi sgt, %get3A_404, %gt3A_441 : i32
      %and3A_443 = arith.andi %le3A_402, %gt3A_442 : i1
      %convert_element_type3A_444 = arith.extui %and3A_443 : i1 to i32
      %cond3A_445 = arith.constant 0 : i32
      %cond3A_446 = arith.cmpi ne, %convert_element_type3A_444, %cond3A_445 : i32
      scf.if %cond3A_446 {
        %mul3A_645 = arith.constant 320 : i32
        %mul3A_646 = arith.muli %add3A_398, %mul3A_645 : i32
        %add3A_647 = arith.constant 96 : i32
        %add3A_648 = arith.addi %mul3A_646, %add3A_647 : i32
        %dma_start3A_649 = arith.constant 96 : i32
        %dma_start3A_650 = arith.constant 0 : i32
        %dma_start3A_651 = tpu.memref_slice %arg16[%dma_start3A_649, %dma_start3A_650] : memref<320x64xf32, #tpu.memory_space<vmem>> -> memref<16x64xf32, #tpu.memory_space<vmem>>
        %dma_start3A_652 = tpu.memref_slice %arg11[%add3A_648] : memref<6416xi32, #tpu.memory_space<vmem>> -> memref<16xi32, #tpu.memory_space<vmem>>
        %dma_start3A_653 = arith.constant 0 : i32
        %dma_start3A_654 = arith.constant 0 : i32
        %dma_start3A_655 = tpu.memref_slice %arg5[%dma_start3A_653, %dma_start3A_654] : memref<200000x64xf32, #tpu.memory_space<hbm>> -> memref<200000x64xf32, #tpu.memory_space<hbm>>
        tpu.enqueue_indirect_dma source(%dma_start3A_655 : memref<200000x64xf32, #tpu.memory_space<hbm>>) target(%dma_start3A_651 : memref<16x64xf32, #tpu.memory_space<vmem>>) offsets(%dma_start3A_652 : memref<16xi32, #tpu.memory_space<vmem>>) semaphore(%arg23 : memref<!tpu.dma_semaphore, #tpu.memory_space<semaphore_mem>>)
      } else {
      }
      %gt3A_447 = arith.constant 112 : i32
      %gt3A_448 = arith.cmpi sgt, %get3A_404, %gt3A_447 : i32
      %and3A_449 = arith.andi %le3A_402, %gt3A_448 : i1
      %convert_element_type3A_450 = arith.extui %and3A_449 : i1 to i32
      %cond3A_451 = arith.constant 0 : i32
      %cond3A_452 = arith.cmpi ne, %convert_element_type3A_450, %cond3A_451 : i32
      scf.if %cond3A_452 {
        %mul3A_645 = arith.constant 320 : i32
        %mul3A_646 = arith.muli %add3A_398, %mul3A_645 : i32
        %add3A_647 = arith.constant 112 : i32
        %add3A_648 = arith.addi %mul3A_646, %add3A_647 : i32
        %dma_start3A_649 = arith.constant 112 : i32
        %dma_start3A_650 = arith.constant 0 : i32
        %dma_start3A_651 = tpu.memref_slice %arg16[%dma_start3A_649, %dma_start3A_650] : memref<320x64xf32, #tpu.memory_space<vmem>> -> memref<16x64xf32, #tpu.memory_space<vmem>>
        %dma_start3A_652 = tpu.memref_slice %arg11[%add3A_648] : memref<6416xi32, #tpu.memory_space<vmem>> -> memref<16xi32, #tpu.memory_space<vmem>>
        %dma_start3A_653 = arith.constant 0 : i32
        %dma_start3A_654 = arith.constant 0 : i32
        %dma_start3A_655 = tpu.memref_slice %arg5[%dma_start3A_653, %dma_start3A_654] : memref<200000x64xf32, #tpu.memory_space<hbm>> -> memref<200000x64xf32, #tpu.memory_space<hbm>>
        tpu.enqueue_indirect_dma source(%dma_start3A_655 : memref<200000x64xf32, #tpu.memory_space<hbm>>) target(%dma_start3A_651 : memref<16x64xf32, #tpu.memory_space<vmem>>) offsets(%dma_start3A_652 : memref<16xi32, #tpu.memory_space<vmem>>) semaphore(%arg23 : memref<!tpu.dma_semaphore, #tpu.memory_space<semaphore_mem>>)
      } else {
      }
      %gt3A_453 = arith.constant 128 : i32
      %gt3A_454 = arith.cmpi sgt, %get3A_404, %gt3A_453 : i32
      %and3A_455 = arith.andi %le3A_402, %gt3A_454 : i1
      %convert_element_type3A_456 = arith.extui %and3A_455 : i1 to i32
      %cond3A_457 = arith.constant 0 : i32
      %cond3A_458 = arith.cmpi ne, %convert_element_type3A_456, %cond3A_457 : i32
      scf.if %cond3A_458 {
        %mul3A_645 = arith.constant 320 : i32
        %mul3A_646 = arith.muli %add3A_398, %mul3A_645 : i32
        %add3A_647 = arith.constant 128 : i32
        %add3A_648 = arith.addi %mul3A_646, %add3A_647 : i32
        %dma_start3A_649 = arith.constant 128 : i32
        %dma_start3A_650 = arith.constant 0 : i32
        %dma_start3A_651 = tpu.memref_slice %arg16[%dma_start3A_649, %dma_start3A_650] : memref<320x64xf32, #tpu.memory_space<vmem>> -> memref<16x64xf32, #tpu.memory_space<vmem>>
        %dma_start3A_652 = tpu.memref_slice %arg11[%add3A_648] : memref<6416xi32, #tpu.memory_space<vmem>> -> memref<16xi32, #tpu.memory_space<vmem>>
        %dma_start3A_653 = arith.constant 0 : i32
        %dma_start3A_654 = arith.constant 0 : i32
        %dma_start3A_655 = tpu.memref_slice %arg5[%dma_start3A_653, %dma_start3A_654] : memref<200000x64xf32, #tpu.memory_space<hbm>> -> memref<200000x64xf32, #tpu.memory_space<hbm>>
        tpu.enqueue_indirect_dma source(%dma_start3A_655 : memref<200000x64xf32, #tpu.memory_space<hbm>>) target(%dma_start3A_651 : memref<16x64xf32, #tpu.memory_space<vmem>>) offsets(%dma_start3A_652 : memref<16xi32, #tpu.memory_space<vmem>>) semaphore(%arg23 : memref<!tpu.dma_semaphore, #tpu.memory_space<semaphore_mem>>)
      } else {
      }
      %gt3A_459 = arith.constant 144 : i32
      %gt3A_460 = arith.cmpi sgt, %get3A_404, %gt3A_459 : i32
      %and3A_461 = arith.andi %le3A_402, %gt3A_460 : i1
      %convert_element_type3A_462 = arith.extui %and3A_461 : i1 to i32
      %cond3A_463 = arith.constant 0 : i32
      %cond3A_464 = arith.cmpi ne, %convert_element_type3A_462, %cond3A_463 : i32
      scf.if %cond3A_464 {
        %mul3A_645 = arith.constant 320 : i32
        %mul3A_646 = arith.muli %add3A_398, %mul3A_645 : i32
        %add3A_647 = arith.constant 144 : i32
        %add3A_648 = arith.addi %mul3A_646, %add3A_647 : i32
        %dma_start3A_649 = arith.constant 144 : i32
        %dma_start3A_650 = arith.constant 0 : i32
        %dma_start3A_651 = tpu.memref_slice %arg16[%dma_start3A_649, %dma_start3A_650] : memref<320x64xf32, #tpu.memory_space<vmem>> -> memref<16x64xf32, #tpu.memory_space<vmem>>
        %dma_start3A_652 = tpu.memref_slice %arg11[%add3A_648] : memref<6416xi32, #tpu.memory_space<vmem>> -> memref<16xi32, #tpu.memory_space<vmem>>
        %dma_start3A_653 = arith.constant 0 : i32
        %dma_start3A_654 = arith.constant 0 : i32
        %dma_start3A_655 = tpu.memref_slice %arg5[%dma_start3A_653, %dma_start3A_654] : memref<200000x64xf32, #tpu.memory_space<hbm>> -> memref<200000x64xf32, #tpu.memory_space<hbm>>
        tpu.enqueue_indirect_dma source(%dma_start3A_655 : memref<200000x64xf32, #tpu.memory_space<hbm>>) target(%dma_start3A_651 : memref<16x64xf32, #tpu.memory_space<vmem>>) offsets(%dma_start3A_652 : memref<16xi32, #tpu.memory_space<vmem>>) semaphore(%arg23 : memref<!tpu.dma_semaphore, #tpu.memory_space<semaphore_mem>>)
      } else {
      }
      %gt3A_465 = arith.constant 160 : i32
      %gt3A_466 = arith.cmpi sgt, %get3A_404, %gt3A_465 : i32
      %and3A_467 = arith.andi %le3A_402, %gt3A_466 : i1
      %convert_element_type3A_468 = arith.extui %and3A_467 : i1 to i32
      %cond3A_469 = arith.constant 0 : i32
      %cond3A_470 = arith.cmpi ne, %convert_element_type3A_468, %cond3A_469 : i32
      scf.if %cond3A_470 {
        %mul3A_645 = arith.constant 320 : i32
        %mul3A_646 = arith.muli %add3A_398, %mul3A_645 : i32
        %add3A_647 = arith.constant 160 : i32
        %add3A_648 = arith.addi %mul3A_646, %add3A_647 : i32
        %dma_start3A_649 = arith.constant 160 : i32
        %dma_start3A_650 = arith.constant 0 : i32
        %dma_start3A_651 = tpu.memref_slice %arg16[%dma_start3A_649, %dma_start3A_650] : memref<320x64xf32, #tpu.memory_space<vmem>> -> memref<16x64xf32, #tpu.memory_space<vmem>>
        %dma_start3A_652 = tpu.memref_slice %arg11[%add3A_648] : memref<6416xi32, #tpu.memory_space<vmem>> -> memref<16xi32, #tpu.memory_space<vmem>>
        %dma_start3A_653 = arith.constant 0 : i32
        %dma_start3A_654 = arith.constant 0 : i32
        %dma_start3A_655 = tpu.memref_slice %arg5[%dma_start3A_653, %dma_start3A_654] : memref<200000x64xf32, #tpu.memory_space<hbm>> -> memref<200000x64xf32, #tpu.memory_space<hbm>>
        tpu.enqueue_indirect_dma source(%dma_start3A_655 : memref<200000x64xf32, #tpu.memory_space<hbm>>) target(%dma_start3A_651 : memref<16x64xf32, #tpu.memory_space<vmem>>) offsets(%dma_start3A_652 : memref<16xi32, #tpu.memory_space<vmem>>) semaphore(%arg23 : memref<!tpu.dma_semaphore, #tpu.memory_space<semaphore_mem>>)
      } else {
      }
      %gt3A_471 = arith.constant 176 : i32
      %gt3A_472 = arith.cmpi sgt, %get3A_404, %gt3A_471 : i32
      %and3A_473 = arith.andi %le3A_402, %gt3A_472 : i1
      %convert_element_type3A_474 = arith.extui %and3A_473 : i1 to i32
      %cond3A_475 = arith.constant 0 : i32
      %cond3A_476 = arith.cmpi ne, %convert_element_type3A_474, %cond3A_475 : i32
      scf.if %cond3A_476 {
        %mul3A_645 = arith.constant 320 : i32
        %mul3A_646 = arith.muli %add3A_398, %mul3A_645 : i32
        %add3A_647 = arith.constant 176 : i32
        %add3A_648 = arith.addi %mul3A_646, %add3A_647 : i32
        %dma_start3A_649 = arith.constant 176 : i32
        %dma_start3A_650 = arith.constant 0 : i32
        %dma_start3A_651 = tpu.memref_slice %arg16[%dma_start3A_649, %dma_start3A_650] : memref<320x64xf32, #tpu.memory_space<vmem>> -> memref<16x64xf32, #tpu.memory_space<vmem>>
        %dma_start3A_652 = tpu.memref_slice %arg11[%add3A_648] : memref<6416xi32, #tpu.memory_space<vmem>> -> memref<16xi32, #tpu.memory_space<vmem>>
        %dma_start3A_653 = arith.constant 0 : i32
        %dma_start3A_654 = arith.constant 0 : i32
        %dma_start3A_655 = tpu.memref_slice %arg5[%dma_start3A_653, %dma_start3A_654] : memref<200000x64xf32, #tpu.memory_space<hbm>> -> memref<200000x64xf32, #tpu.memory_space<hbm>>
        tpu.enqueue_indirect_dma source(%dma_start3A_655 : memref<200000x64xf32, #tpu.memory_space<hbm>>) target(%dma_start3A_651 : memref<16x64xf32, #tpu.memory_space<vmem>>) offsets(%dma_start3A_652 : memref<16xi32, #tpu.memory_space<vmem>>) semaphore(%arg23 : memref<!tpu.dma_semaphore, #tpu.memory_space<semaphore_mem>>)
      } else {
      }
      %gt3A_477 = arith.constant 192 : i32
      %gt3A_478 = arith.cmpi sgt, %get3A_404, %gt3A_477 : i32
      %and3A_479 = arith.andi %le3A_402, %gt3A_478 : i1
      %convert_element_type3A_480 = arith.extui %and3A_479 : i1 to i32
      %cond3A_481 = arith.constant 0 : i32
      %cond3A_482 = arith.cmpi ne, %convert_element_type3A_480, %cond3A_481 : i32
      scf.if %cond3A_482 {
        %mul3A_645 = arith.constant 320 : i32
        %mul3A_646 = arith.muli %add3A_398, %mul3A_645 : i32
        %add3A_647 = arith.constant 192 : i32
        %add3A_648 = arith.addi %mul3A_646, %add3A_647 : i32
        %dma_start3A_649 = arith.constant 192 : i32
        %dma_start3A_650 = arith.constant 0 : i32
        %dma_start3A_651 = tpu.memref_slice %arg16[%dma_start3A_649, %dma_start3A_650] : memref<320x64xf32, #tpu.memory_space<vmem>> -> memref<16x64xf32, #tpu.memory_space<vmem>>
        %dma_start3A_652 = tpu.memref_slice %arg11[%add3A_648] : memref<6416xi32, #tpu.memory_space<vmem>> -> memref<16xi32, #tpu.memory_space<vmem>>
        %dma_start3A_653 = arith.constant 0 : i32
        %dma_start3A_654 = arith.constant 0 : i32
        %dma_start3A_655 = tpu.memref_slice %arg5[%dma_start3A_653, %dma_start3A_654] : memref<200000x64xf32, #tpu.memory_space<hbm>> -> memref<200000x64xf32, #tpu.memory_space<hbm>>
        tpu.enqueue_indirect_dma source(%dma_start3A_655 : memref<200000x64xf32, #tpu.memory_space<hbm>>) target(%dma_start3A_651 : memref<16x64xf32, #tpu.memory_space<vmem>>) offsets(%dma_start3A_652 : memref<16xi32, #tpu.memory_space<vmem>>) semaphore(%arg23 : memref<!tpu.dma_semaphore, #tpu.memory_space<semaphore_mem>>)
      } else {
      }
      %gt3A_483 = arith.constant 208 : i32
      %gt3A_484 = arith.cmpi sgt, %get3A_404, %gt3A_483 : i32
      %and3A_485 = arith.andi %le3A_402, %gt3A_484 : i1
      %convert_element_type3A_486 = arith.extui %and3A_485 : i1 to i32
      %cond3A_487 = arith.constant 0 : i32
      %cond3A_488 = arith.cmpi ne, %convert_element_type3A_486, %cond3A_487 : i32
      scf.if %cond3A_488 {
        %mul3A_645 = arith.constant 320 : i32
        %mul3A_646 = arith.muli %add3A_398, %mul3A_645 : i32
        %add3A_647 = arith.constant 208 : i32
        %add3A_648 = arith.addi %mul3A_646, %add3A_647 : i32
        %dma_start3A_649 = arith.constant 208 : i32
        %dma_start3A_650 = arith.constant 0 : i32
        %dma_start3A_651 = tpu.memref_slice %arg16[%dma_start3A_649, %dma_start3A_650] : memref<320x64xf32, #tpu.memory_space<vmem>> -> memref<16x64xf32, #tpu.memory_space<vmem>>
        %dma_start3A_652 = tpu.memref_slice %arg11[%add3A_648] : memref<6416xi32, #tpu.memory_space<vmem>> -> memref<16xi32, #tpu.memory_space<vmem>>
        %dma_start3A_653 = arith.constant 0 : i32
        %dma_start3A_654 = arith.constant 0 : i32
        %dma_start3A_655 = tpu.memref_slice %arg5[%dma_start3A_653, %dma_start3A_654] : memref<200000x64xf32, #tpu.memory_space<hbm>> -> memref<200000x64xf32, #tpu.memory_space<hbm>>
        tpu.enqueue_indirect_dma source(%dma_start3A_655 : memref<200000x64xf32, #tpu.memory_space<hbm>>) target(%dma_start3A_651 : memref<16x64xf32, #tpu.memory_space<vmem>>) offsets(%dma_start3A_652 : memref<16xi32, #tpu.memory_space<vmem>>) semaphore(%arg23 : memref<!tpu.dma_semaphore, #tpu.memory_space<semaphore_mem>>)
      } else {
      }
      %gt3A_489 = arith.constant 224 : i32
      %gt3A_490 = arith.cmpi sgt, %get3A_404, %gt3A_489 : i32
      %and3A_491 = arith.andi %le3A_402, %gt3A_490 : i1
      %convert_element_type3A_492 = arith.extui %and3A_491 : i1 to i32
      %cond3A_493 = arith.constant 0 : i32
      %cond3A_494 = arith.cmpi ne, %convert_element_type3A_492, %cond3A_493 : i32
      scf.if %cond3A_494 {
        %mul3A_645 = arith.constant 320 : i32
        %mul3A_646 = arith.muli %add3A_398, %mul3A_645 : i32
        %add3A_647 = arith.constant 224 : i32
        %add3A_648 = arith.addi %mul3A_646, %add3A_647 : i32
        %dma_start3A_649 = arith.constant 224 : i32
        %dma_start3A_650 = arith.constant 0 : i32
        %dma_start3A_651 = tpu.memref_slice %arg16[%dma_start3A_649, %dma_start3A_650] : memref<320x64xf32, #tpu.memory_space<vmem>> -> memref<16x64xf32, #tpu.memory_space<vmem>>
        %dma_start3A_652 = tpu.memref_slice %arg11[%add3A_648] : memref<6416xi32, #tpu.memory_space<vmem>> -> memref<16xi32, #tpu.memory_space<vmem>>
        %dma_start3A_653 = arith.constant 0 : i32
        %dma_start3A_654 = arith.constant 0 : i32
        %dma_start3A_655 = tpu.memref_slice %arg5[%dma_start3A_653, %dma_start3A_654] : memref<200000x64xf32, #tpu.memory_space<hbm>> -> memref<200000x64xf32, #tpu.memory_space<hbm>>
        tpu.enqueue_indirect_dma source(%dma_start3A_655 : memref<200000x64xf32, #tpu.memory_space<hbm>>) target(%dma_start3A_651 : memref<16x64xf32, #tpu.memory_space<vmem>>) offsets(%dma_start3A_652 : memref<16xi32, #tpu.memory_space<vmem>>) semaphore(%arg23 : memref<!tpu.dma_semaphore, #tpu.memory_space<semaphore_mem>>)
      } else {
      }
      %gt3A_495 = arith.constant 240 : i32
      %gt3A_496 = arith.cmpi sgt, %get3A_404, %gt3A_495 : i32
      %and3A_497 = arith.andi %le3A_402, %gt3A_496 : i1
      %convert_element_type3A_498 = arith.extui %and3A_497 : i1 to i32
      %cond3A_499 = arith.constant 0 : i32
      %cond3A_500 = arith.cmpi ne, %convert_element_type3A_498, %cond3A_499 : i32
      scf.if %cond3A_500 {
        %mul3A_645 = arith.constant 320 : i32
        %mul3A_646 = arith.muli %add3A_398, %mul3A_645 : i32
        %add3A_647 = arith.constant 240 : i32
        %add3A_648 = arith.addi %mul3A_646, %add3A_647 : i32
        %dma_start3A_649 = arith.constant 240 : i32
        %dma_start3A_650 = arith.constant 0 : i32
        %dma_start3A_651 = tpu.memref_slice %arg16[%dma_start3A_649, %dma_start3A_650] : memref<320x64xf32, #tpu.memory_space<vmem>> -> memref<16x64xf32, #tpu.memory_space<vmem>>
        %dma_start3A_652 = tpu.memref_slice %arg11[%add3A_648] : memref<6416xi32, #tpu.memory_space<vmem>> -> memref<16xi32, #tpu.memory_space<vmem>>
        %dma_start3A_653 = arith.constant 0 : i32
        %dma_start3A_654 = arith.constant 0 : i32
        %dma_start3A_655 = tpu.memref_slice %arg5[%dma_start3A_653, %dma_start3A_654] : memref<200000x64xf32, #tpu.memory_space<hbm>> -> memref<200000x64xf32, #tpu.memory_space<hbm>>
        tpu.enqueue_indirect_dma source(%dma_start3A_655 : memref<200000x64xf32, #tpu.memory_space<hbm>>) target(%dma_start3A_651 : memref<16x64xf32, #tpu.memory_space<vmem>>) offsets(%dma_start3A_652 : memref<16xi32, #tpu.memory_space<vmem>>) semaphore(%arg23 : memref<!tpu.dma_semaphore, #tpu.memory_space<semaphore_mem>>)
      } else {
      }
      %gt3A_501 = arith.constant 256 : i32
      %gt3A_502 = arith.cmpi sgt, %get3A_404, %gt3A_501 : i32
      %and3A_503 = arith.andi %le3A_402, %gt3A_502 : i1
      %convert_element_type3A_504 = arith.extui %and3A_503 : i1 to i32
      %cond3A_505 = arith.constant 0 : i32
      %cond3A_506 = arith.cmpi ne, %convert_element_type3A_504, %cond3A_505 : i32
      scf.if %cond3A_506 {
        %mul3A_645 = arith.constant 320 : i32
        %mul3A_646 = arith.muli %add3A_398, %mul3A_645 : i32
        %add3A_647 = arith.constant 256 : i32
        %add3A_648 = arith.addi %mul3A_646, %add3A_647 : i32
        %dma_start3A_649 = arith.constant 256 : i32
        %dma_start3A_650 = arith.constant 0 : i32
        %dma_start3A_651 = tpu.memref_slice %arg16[%dma_start3A_649, %dma_start3A_650] : memref<320x64xf32, #tpu.memory_space<vmem>> -> memref<16x64xf32, #tpu.memory_space<vmem>>
        %dma_start3A_652 = tpu.memref_slice %arg11[%add3A_648] : memref<6416xi32, #tpu.memory_space<vmem>> -> memref<16xi32, #tpu.memory_space<vmem>>
        %dma_start3A_653 = arith.constant 0 : i32
        %dma_start3A_654 = arith.constant 0 : i32
        %dma_start3A_655 = tpu.memref_slice %arg5[%dma_start3A_653, %dma_start3A_654] : memref<200000x64xf32, #tpu.memory_space<hbm>> -> memref<200000x64xf32, #tpu.memory_space<hbm>>
        tpu.enqueue_indirect_dma source(%dma_start3A_655 : memref<200000x64xf32, #tpu.memory_space<hbm>>) target(%dma_start3A_651 : memref<16x64xf32, #tpu.memory_space<vmem>>) offsets(%dma_start3A_652 : memref<16xi32, #tpu.memory_space<vmem>>) semaphore(%arg23 : memref<!tpu.dma_semaphore, #tpu.memory_space<semaphore_mem>>)
      } else {
      }
      %gt3A_507 = arith.constant 272 : i32
      %gt3A_508 = arith.cmpi sgt, %get3A_404, %gt3A_507 : i32
      %and3A_509 = arith.andi %le3A_402, %gt3A_508 : i1
      %convert_element_type3A_510 = arith.extui %and3A_509 : i1 to i32
      %cond3A_511 = arith.constant 0 : i32
      %cond3A_512 = arith.cmpi ne, %convert_element_type3A_510, %cond3A_511 : i32
      scf.if %cond3A_512 {
        %mul3A_645 = arith.constant 320 : i32
        %mul3A_646 = arith.muli %add3A_398, %mul3A_645 : i32
        %add3A_647 = arith.constant 272 : i32
        %add3A_648 = arith.addi %mul3A_646, %add3A_647 : i32
        %dma_start3A_649 = arith.constant 272 : i32
        %dma_start3A_650 = arith.constant 0 : i32
        %dma_start3A_651 = tpu.memref_slice %arg16[%dma_start3A_649, %dma_start3A_650] : memref<320x64xf32, #tpu.memory_space<vmem>> -> memref<16x64xf32, #tpu.memory_space<vmem>>
        %dma_start3A_652 = tpu.memref_slice %arg11[%add3A_648] : memref<6416xi32, #tpu.memory_space<vmem>> -> memref<16xi32, #tpu.memory_space<vmem>>
        %dma_start3A_653 = arith.constant 0 : i32
        %dma_start3A_654 = arith.constant 0 : i32
        %dma_start3A_655 = tpu.memref_slice %arg5[%dma_start3A_653, %dma_start3A_654] : memref<200000x64xf32, #tpu.memory_space<hbm>> -> memref<200000x64xf32, #tpu.memory_space<hbm>>
        tpu.enqueue_indirect_dma source(%dma_start3A_655 : memref<200000x64xf32, #tpu.memory_space<hbm>>) target(%dma_start3A_651 : memref<16x64xf32, #tpu.memory_space<vmem>>) offsets(%dma_start3A_652 : memref<16xi32, #tpu.memory_space<vmem>>) semaphore(%arg23 : memref<!tpu.dma_semaphore, #tpu.memory_space<semaphore_mem>>)
      } else {
      }
      %gt3A_513 = arith.constant 288 : i32
      %gt3A_514 = arith.cmpi sgt, %get3A_404, %gt3A_513 : i32
      %and3A_515 = arith.andi %le3A_402, %gt3A_514 : i1
      %convert_element_type3A_516 = arith.extui %and3A_515 : i1 to i32
      %cond3A_517 = arith.constant 0 : i32
      %cond3A_518 = arith.cmpi ne, %convert_element_type3A_516, %cond3A_517 : i32
      scf.if %cond3A_518 {
        %mul3A_645 = arith.constant 320 : i32
        %mul3A_646 = arith.muli %add3A_398, %mul3A_645 : i32
        %add3A_647 = arith.constant 288 : i32
        %add3A_648 = arith.addi %mul3A_646, %add3A_647 : i32
        %dma_start3A_649 = arith.constant 288 : i32
        %dma_start3A_650 = arith.constant 0 : i32
        %dma_start3A_651 = tpu.memref_slice %arg16[%dma_start3A_649, %dma_start3A_650] : memref<320x64xf32, #tpu.memory_space<vmem>> -> memref<16x64xf32, #tpu.memory_space<vmem>>
        %dma_start3A_652 = tpu.memref_slice %arg11[%add3A_648] : memref<6416xi32, #tpu.memory_space<vmem>> -> memref<16xi32, #tpu.memory_space<vmem>>
        %dma_start3A_653 = arith.constant 0 : i32
        %dma_start3A_654 = arith.constant 0 : i32
        %dma_start3A_655 = tpu.memref_slice %arg5[%dma_start3A_653, %dma_start3A_654] : memref<200000x64xf32, #tpu.memory_space<hbm>> -> memref<200000x64xf32, #tpu.memory_space<hbm>>
        tpu.enqueue_indirect_dma source(%dma_start3A_655 : memref<200000x64xf32, #tpu.memory_space<hbm>>) target(%dma_start3A_651 : memref<16x64xf32, #tpu.memory_space<vmem>>) offsets(%dma_start3A_652 : memref<16xi32, #tpu.memory_space<vmem>>) semaphore(%arg23 : memref<!tpu.dma_semaphore, #tpu.memory_space<semaphore_mem>>)
      } else {
      }
      %gt3A_519 = arith.constant 304 : i32
      %gt3A_520 = arith.cmpi sgt, %get3A_404, %gt3A_519 : i32
      %and3A_521 = arith.andi %le3A_402, %gt3A_520 : i1
      %convert_element_type3A_522 = arith.extui %and3A_521 : i1 to i32
      %cond3A_523 = arith.constant 0 : i32
      %cond3A_524 = arith.cmpi ne, %convert_element_type3A_522, %cond3A_523 : i32
      scf.if %cond3A_524 {
        %mul3A_645 = arith.constant 320 : i32
        %mul3A_646 = arith.muli %add3A_398, %mul3A_645 : i32
        %add3A_647 = arith.constant 304 : i32
        %add3A_648 = arith.addi %mul3A_646, %add3A_647 : i32
        %dma_start3A_649 = arith.constant 304 : i32
        %dma_start3A_650 = arith.constant 0 : i32
        %dma_start3A_651 = tpu.memref_slice %arg16[%dma_start3A_649, %dma_start3A_650] : memref<320x64xf32, #tpu.memory_space<vmem>> -> memref<16x64xf32, #tpu.memory_space<vmem>>
        %dma_start3A_652 = tpu.memref_slice %arg11[%add3A_648] : memref<6416xi32, #tpu.memory_space<vmem>> -> memref<16xi32, #tpu.memory_space<vmem>>
        %dma_start3A_653 = arith.constant 0 : i32
        %dma_start3A_654 = arith.constant 0 : i32
        %dma_start3A_655 = tpu.memref_slice %arg5[%dma_start3A_653, %dma_start3A_654] : memref<200000x64xf32, #tpu.memory_space<hbm>> -> memref<200000x64xf32, #tpu.memory_space<hbm>>
        tpu.enqueue_indirect_dma source(%dma_start3A_655 : memref<200000x64xf32, #tpu.memory_space<hbm>>) target(%dma_start3A_651 : memref<16x64xf32, #tpu.memory_space<vmem>>) offsets(%dma_start3A_652 : memref<16xi32, #tpu.memory_space<vmem>>) semaphore(%arg23 : memref<!tpu.dma_semaphore, #tpu.memory_space<semaphore_mem>>)
      } else {
      }
      %get3A_525 = arith.index_cast %add3A_396 : i32 to index
      %get3A_526 = memref.load %arg20[%get3A_525] : memref<21xi32, #tpu.memory_space<smem>>
      %gt3A_527 = arith.constant 0 : i32
      %gt3A_528 = arith.cmpi sgt, %get3A_526, %gt3A_527 : i32
      %convert_element_type3A_529 = arith.extui %gt3A_528 : i1 to i32
      %cond3A_530 = arith.constant 0 : i32
      %cond3A_531 = arith.cmpi ne, %convert_element_type3A_529, %cond3A_530 : i32
      scf.if %cond3A_531 {
        %mul3A_645 = arith.constant 320 : i32
        %mul3A_646 = arith.muli %add3A_396, %mul3A_645 : i32
        %add3A_647 = arith.constant 0 : i32
        %add3A_648 = arith.addi %mul3A_646, %add3A_647 : i32
        %dma_wait3A_649 = arith.constant 0 : i32
        %dma_wait3A_650 = arith.constant 0 : i32
        %dma_wait3A_651 = tpu.memref_slice %arg17[%dma_wait3A_649, %dma_wait3A_650] : memref<320x64xf32, #tpu.memory_space<vmem>> -> memref<16x64xf32, #tpu.memory_space<vmem>>
        %dma_wait3A_652 = tpu.memref_slice %arg11[%add3A_648] : memref<6416xi32, #tpu.memory_space<vmem>> -> memref<16xi32, #tpu.memory_space<vmem>>
        %dma_wait3A_653 = arith.constant 0 : i32
        %dma_wait3A_654 = arith.constant 0 : i32
        %dma_wait3A_655 = tpu.memref_slice %arg5[%dma_wait3A_653, %dma_wait3A_654] : memref<200000x64xf32, #tpu.memory_space<hbm>> -> memref<200000x64xf32, #tpu.memory_space<hbm>>
        tpu.wait_indirect_dma semaphore(%arg24 : memref<!tpu.dma_semaphore, #tpu.memory_space<semaphore_mem>>) src(%dma_wait3A_655 : memref<200000x64xf32, #tpu.memory_space<hbm>>) dst(%dma_wait3A_651 : memref<16x64xf32, #tpu.memory_space<vmem>>)
      } else {
      }
      %gt3A_532 = arith.constant 16 : i32
      %gt3A_533 = arith.cmpi sgt, %get3A_526, %gt3A_532 : i32
      %convert_element_type3A_534 = arith.extui %gt3A_533 : i1 to i32
      %cond3A_535 = arith.constant 0 : i32
      %cond3A_536 = arith.cmpi ne, %convert_element_type3A_534, %cond3A_535 : i32
      scf.if %cond3A_536 {
        %mul3A_645 = arith.constant 320 : i32
        %mul3A_646 = arith.muli %add3A_396, %mul3A_645 : i32
        %add3A_647 = arith.constant 16 : i32
        %add3A_648 = arith.addi %mul3A_646, %add3A_647 : i32
        %dma_wait3A_649 = arith.constant 16 : i32
        %dma_wait3A_650 = arith.constant 0 : i32
        %dma_wait3A_651 = tpu.memref_slice %arg17[%dma_wait3A_649, %dma_wait3A_650] : memref<320x64xf32, #tpu.memory_space<vmem>> -> memref<16x64xf32, #tpu.memory_space<vmem>>
        %dma_wait3A_652 = tpu.memref_slice %arg11[%add3A_648] : memref<6416xi32, #tpu.memory_space<vmem>> -> memref<16xi32, #tpu.memory_space<vmem>>
        %dma_wait3A_653 = arith.constant 0 : i32
        %dma_wait3A_654 = arith.constant 0 : i32
        %dma_wait3A_655 = tpu.memref_slice %arg5[%dma_wait3A_653, %dma_wait3A_654] : memref<200000x64xf32, #tpu.memory_space<hbm>> -> memref<200000x64xf32, #tpu.memory_space<hbm>>
        tpu.wait_indirect_dma semaphore(%arg24 : memref<!tpu.dma_semaphore, #tpu.memory_space<semaphore_mem>>) src(%dma_wait3A_655 : memref<200000x64xf32, #tpu.memory_space<hbm>>) dst(%dma_wait3A_651 : memref<16x64xf32, #tpu.memory_space<vmem>>)
      } else {
      }
      %gt3A_537 = arith.constant 32 : i32
      %gt3A_538 = arith.cmpi sgt, %get3A_526, %gt3A_537 : i32
      %convert_element_type3A_539 = arith.extui %gt3A_538 : i1 to i32
      %cond3A_540 = arith.constant 0 : i32
      %cond3A_541 = arith.cmpi ne, %convert_element_type3A_539, %cond3A_540 : i32
      scf.if %cond3A_541 {
        %mul3A_645 = arith.constant 320 : i32
        %mul3A_646 = arith.muli %add3A_396, %mul3A_645 : i32
        %add3A_647 = arith.constant 32 : i32
        %add3A_648 = arith.addi %mul3A_646, %add3A_647 : i32
        %dma_wait3A_649 = arith.constant 32 : i32
        %dma_wait3A_650 = arith.constant 0 : i32
        %dma_wait3A_651 = tpu.memref_slice %arg17[%dma_wait3A_649, %dma_wait3A_650] : memref<320x64xf32, #tpu.memory_space<vmem>> -> memref<16x64xf32, #tpu.memory_space<vmem>>
        %dma_wait3A_652 = tpu.memref_slice %arg11[%add3A_648] : memref<6416xi32, #tpu.memory_space<vmem>> -> memref<16xi32, #tpu.memory_space<vmem>>
        %dma_wait3A_653 = arith.constant 0 : i32
        %dma_wait3A_654 = arith.constant 0 : i32
        %dma_wait3A_655 = tpu.memref_slice %arg5[%dma_wait3A_653, %dma_wait3A_654] : memref<200000x64xf32, #tpu.memory_space<hbm>> -> memref<200000x64xf32, #tpu.memory_space<hbm>>
        tpu.wait_indirect_dma semaphore(%arg24 : memref<!tpu.dma_semaphore, #tpu.memory_space<semaphore_mem>>) src(%dma_wait3A_655 : memref<200000x64xf32, #tpu.memory_space<hbm>>) dst(%dma_wait3A_651 : memref<16x64xf32, #tpu.memory_space<vmem>>)
      } else {
      }
      %gt3A_542 = arith.constant 48 : i32
      %gt3A_543 = arith.cmpi sgt, %get3A_526, %gt3A_542 : i32
      %convert_element_type3A_544 = arith.extui %gt3A_543 : i1 to i32
      %cond3A_545 = arith.constant 0 : i32
      %cond3A_546 = arith.cmpi ne, %convert_element_type3A_544, %cond3A_545 : i32
      scf.if %cond3A_546 {
        %mul3A_645 = arith.constant 320 : i32
        %mul3A_646 = arith.muli %add3A_396, %mul3A_645 : i32
        %add3A_647 = arith.constant 48 : i32
        %add3A_648 = arith.addi %mul3A_646, %add3A_647 : i32
        %dma_wait3A_649 = arith.constant 48 : i32
        %dma_wait3A_650 = arith.constant 0 : i32
        %dma_wait3A_651 = tpu.memref_slice %arg17[%dma_wait3A_649, %dma_wait3A_650] : memref<320x64xf32, #tpu.memory_space<vmem>> -> memref<16x64xf32, #tpu.memory_space<vmem>>
        %dma_wait3A_652 = tpu.memref_slice %arg11[%add3A_648] : memref<6416xi32, #tpu.memory_space<vmem>> -> memref<16xi32, #tpu.memory_space<vmem>>
        %dma_wait3A_653 = arith.constant 0 : i32
        %dma_wait3A_654 = arith.constant 0 : i32
        %dma_wait3A_655 = tpu.memref_slice %arg5[%dma_wait3A_653, %dma_wait3A_654] : memref<200000x64xf32, #tpu.memory_space<hbm>> -> memref<200000x64xf32, #tpu.memory_space<hbm>>
        tpu.wait_indirect_dma semaphore(%arg24 : memref<!tpu.dma_semaphore, #tpu.memory_space<semaphore_mem>>) src(%dma_wait3A_655 : memref<200000x64xf32, #tpu.memory_space<hbm>>) dst(%dma_wait3A_651 : memref<16x64xf32, #tpu.memory_space<vmem>>)
      } else {
      }
      %gt3A_547 = arith.constant 64 : i32
      %gt3A_548 = arith.cmpi sgt, %get3A_526, %gt3A_547 : i32
      %convert_element_type3A_549 = arith.extui %gt3A_548 : i1 to i32
      %cond3A_550 = arith.constant 0 : i32
      %cond3A_551 = arith.cmpi ne, %convert_element_type3A_549, %cond3A_550 : i32
      scf.if %cond3A_551 {
        %mul3A_645 = arith.constant 320 : i32
        %mul3A_646 = arith.muli %add3A_396, %mul3A_645 : i32
        %add3A_647 = arith.constant 64 : i32
        %add3A_648 = arith.addi %mul3A_646, %add3A_647 : i32
        %dma_wait3A_649 = arith.constant 64 : i32
        %dma_wait3A_650 = arith.constant 0 : i32
        %dma_wait3A_651 = tpu.memref_slice %arg17[%dma_wait3A_649, %dma_wait3A_650] : memref<320x64xf32, #tpu.memory_space<vmem>> -> memref<16x64xf32, #tpu.memory_space<vmem>>
        %dma_wait3A_652 = tpu.memref_slice %arg11[%add3A_648] : memref<6416xi32, #tpu.memory_space<vmem>> -> memref<16xi32, #tpu.memory_space<vmem>>
        %dma_wait3A_653 = arith.constant 0 : i32
        %dma_wait3A_654 = arith.constant 0 : i32
        %dma_wait3A_655 = tpu.memref_slice %arg5[%dma_wait3A_653, %dma_wait3A_654] : memref<200000x64xf32, #tpu.memory_space<hbm>> -> memref<200000x64xf32, #tpu.memory_space<hbm>>
        tpu.wait_indirect_dma semaphore(%arg24 : memref<!tpu.dma_semaphore, #tpu.memory_space<semaphore_mem>>) src(%dma_wait3A_655 : memref<200000x64xf32, #tpu.memory_space<hbm>>) dst(%dma_wait3A_651 : memref<16x64xf32, #tpu.memory_space<vmem>>)
      } else {
      }
      %gt3A_552 = arith.constant 80 : i32
      %gt3A_553 = arith.cmpi sgt, %get3A_526, %gt3A_552 : i32
      %convert_element_type3A_554 = arith.extui %gt3A_553 : i1 to i32
      %cond3A_555 = arith.constant 0 : i32
      %cond3A_556 = arith.cmpi ne, %convert_element_type3A_554, %cond3A_555 : i32
      scf.if %cond3A_556 {
        %mul3A_645 = arith.constant 320 : i32
        %mul3A_646 = arith.muli %add3A_396, %mul3A_645 : i32
        %add3A_647 = arith.constant 80 : i32
        %add3A_648 = arith.addi %mul3A_646, %add3A_647 : i32
        %dma_wait3A_649 = arith.constant 80 : i32
        %dma_wait3A_650 = arith.constant 0 : i32
        %dma_wait3A_651 = tpu.memref_slice %arg17[%dma_wait3A_649, %dma_wait3A_650] : memref<320x64xf32, #tpu.memory_space<vmem>> -> memref<16x64xf32, #tpu.memory_space<vmem>>
        %dma_wait3A_652 = tpu.memref_slice %arg11[%add3A_648] : memref<6416xi32, #tpu.memory_space<vmem>> -> memref<16xi32, #tpu.memory_space<vmem>>
        %dma_wait3A_653 = arith.constant 0 : i32
        %dma_wait3A_654 = arith.constant 0 : i32
        %dma_wait3A_655 = tpu.memref_slice %arg5[%dma_wait3A_653, %dma_wait3A_654] : memref<200000x64xf32, #tpu.memory_space<hbm>> -> memref<200000x64xf32, #tpu.memory_space<hbm>>
        tpu.wait_indirect_dma semaphore(%arg24 : memref<!tpu.dma_semaphore, #tpu.memory_space<semaphore_mem>>) src(%dma_wait3A_655 : memref<200000x64xf32, #tpu.memory_space<hbm>>) dst(%dma_wait3A_651 : memref<16x64xf32, #tpu.memory_space<vmem>>)
      } else {
      }
      %gt3A_557 = arith.constant 96 : i32
      %gt3A_558 = arith.cmpi sgt, %get3A_526, %gt3A_557 : i32
      %convert_element_type3A_559 = arith.extui %gt3A_558 : i1 to i32
      %cond3A_560 = arith.constant 0 : i32
      %cond3A_561 = arith.cmpi ne, %convert_element_type3A_559, %cond3A_560 : i32
      scf.if %cond3A_561 {
        %mul3A_645 = arith.constant 320 : i32
        %mul3A_646 = arith.muli %add3A_396, %mul3A_645 : i32
        %add3A_647 = arith.constant 96 : i32
        %add3A_648 = arith.addi %mul3A_646, %add3A_647 : i32
        %dma_wait3A_649 = arith.constant 96 : i32
        %dma_wait3A_650 = arith.constant 0 : i32
        %dma_wait3A_651 = tpu.memref_slice %arg17[%dma_wait3A_649, %dma_wait3A_650] : memref<320x64xf32, #tpu.memory_space<vmem>> -> memref<16x64xf32, #tpu.memory_space<vmem>>
        %dma_wait3A_652 = tpu.memref_slice %arg11[%add3A_648] : memref<6416xi32, #tpu.memory_space<vmem>> -> memref<16xi32, #tpu.memory_space<vmem>>
        %dma_wait3A_653 = arith.constant 0 : i32
        %dma_wait3A_654 = arith.constant 0 : i32
        %dma_wait3A_655 = tpu.memref_slice %arg5[%dma_wait3A_653, %dma_wait3A_654] : memref<200000x64xf32, #tpu.memory_space<hbm>> -> memref<200000x64xf32, #tpu.memory_space<hbm>>
        tpu.wait_indirect_dma semaphore(%arg24 : memref<!tpu.dma_semaphore, #tpu.memory_space<semaphore_mem>>) src(%dma_wait3A_655 : memref<200000x64xf32, #tpu.memory_space<hbm>>) dst(%dma_wait3A_651 : memref<16x64xf32, #tpu.memory_space<vmem>>)
      } else {
      }
      %gt3A_562 = arith.constant 112 : i32
      %gt3A_563 = arith.cmpi sgt, %get3A_526, %gt3A_562 : i32
      %convert_element_type3A_564 = arith.extui %gt3A_563 : i1 to i32
      %cond3A_565 = arith.constant 0 : i32
      %cond3A_566 = arith.cmpi ne, %convert_element_type3A_564, %cond3A_565 : i32
      scf.if %cond3A_566 {
        %mul3A_645 = arith.constant 320 : i32
        %mul3A_646 = arith.muli %add3A_396, %mul3A_645 : i32
        %add3A_647 = arith.constant 112 : i32
        %add3A_648 = arith.addi %mul3A_646, %add3A_647 : i32
        %dma_wait3A_649 = arith.constant 112 : i32
        %dma_wait3A_650 = arith.constant 0 : i32
        %dma_wait3A_651 = tpu.memref_slice %arg17[%dma_wait3A_649, %dma_wait3A_650] : memref<320x64xf32, #tpu.memory_space<vmem>> -> memref<16x64xf32, #tpu.memory_space<vmem>>
        %dma_wait3A_652 = tpu.memref_slice %arg11[%add3A_648] : memref<6416xi32, #tpu.memory_space<vmem>> -> memref<16xi32, #tpu.memory_space<vmem>>
        %dma_wait3A_653 = arith.constant 0 : i32
        %dma_wait3A_654 = arith.constant 0 : i32
        %dma_wait3A_655 = tpu.memref_slice %arg5[%dma_wait3A_653, %dma_wait3A_654] : memref<200000x64xf32, #tpu.memory_space<hbm>> -> memref<200000x64xf32, #tpu.memory_space<hbm>>
        tpu.wait_indirect_dma semaphore(%arg24 : memref<!tpu.dma_semaphore, #tpu.memory_space<semaphore_mem>>) src(%dma_wait3A_655 : memref<200000x64xf32, #tpu.memory_space<hbm>>) dst(%dma_wait3A_651 : memref<16x64xf32, #tpu.memory_space<vmem>>)
      } else {
      }
      %gt3A_567 = arith.constant 128 : i32
      %gt3A_568 = arith.cmpi sgt, %get3A_526, %gt3A_567 : i32
      %convert_element_type3A_569 = arith.extui %gt3A_568 : i1 to i32
      %cond3A_570 = arith.constant 0 : i32
      %cond3A_571 = arith.cmpi ne, %convert_element_type3A_569, %cond3A_570 : i32
      scf.if %cond3A_571 {
        %mul3A_645 = arith.constant 320 : i32
        %mul3A_646 = arith.muli %add3A_396, %mul3A_645 : i32
        %add3A_647 = arith.constant 128 : i32
        %add3A_648 = arith.addi %mul3A_646, %add3A_647 : i32
        %dma_wait3A_649 = arith.constant 128 : i32
        %dma_wait3A_650 = arith.constant 0 : i32
        %dma_wait3A_651 = tpu.memref_slice %arg17[%dma_wait3A_649, %dma_wait3A_650] : memref<320x64xf32, #tpu.memory_space<vmem>> -> memref<16x64xf32, #tpu.memory_space<vmem>>
        %dma_wait3A_652 = tpu.memref_slice %arg11[%add3A_648] : memref<6416xi32, #tpu.memory_space<vmem>> -> memref<16xi32, #tpu.memory_space<vmem>>
        %dma_wait3A_653 = arith.constant 0 : i32
        %dma_wait3A_654 = arith.constant 0 : i32
        %dma_wait3A_655 = tpu.memref_slice %arg5[%dma_wait3A_653, %dma_wait3A_654] : memref<200000x64xf32, #tpu.memory_space<hbm>> -> memref<200000x64xf32, #tpu.memory_space<hbm>>
        tpu.wait_indirect_dma semaphore(%arg24 : memref<!tpu.dma_semaphore, #tpu.memory_space<semaphore_mem>>) src(%dma_wait3A_655 : memref<200000x64xf32, #tpu.memory_space<hbm>>) dst(%dma_wait3A_651 : memref<16x64xf32, #tpu.memory_space<vmem>>)
      } else {
      }
      %gt3A_572 = arith.constant 144 : i32
      %gt3A_573 = arith.cmpi sgt, %get3A_526, %gt3A_572 : i32
      %convert_element_type3A_574 = arith.extui %gt3A_573 : i1 to i32
      %cond3A_575 = arith.constant 0 : i32
      %cond3A_576 = arith.cmpi ne, %convert_element_type3A_574, %cond3A_575 : i32
      scf.if %cond3A_576 {
        %mul3A_645 = arith.constant 320 : i32
        %mul3A_646 = arith.muli %add3A_396, %mul3A_645 : i32
        %add3A_647 = arith.constant 144 : i32
        %add3A_648 = arith.addi %mul3A_646, %add3A_647 : i32
        %dma_wait3A_649 = arith.constant 144 : i32
        %dma_wait3A_650 = arith.constant 0 : i32
        %dma_wait3A_651 = tpu.memref_slice %arg17[%dma_wait3A_649, %dma_wait3A_650] : memref<320x64xf32, #tpu.memory_space<vmem>> -> memref<16x64xf32, #tpu.memory_space<vmem>>
        %dma_wait3A_652 = tpu.memref_slice %arg11[%add3A_648] : memref<6416xi32, #tpu.memory_space<vmem>> -> memref<16xi32, #tpu.memory_space<vmem>>
        %dma_wait3A_653 = arith.constant 0 : i32
        %dma_wait3A_654 = arith.constant 0 : i32
        %dma_wait3A_655 = tpu.memref_slice %arg5[%dma_wait3A_653, %dma_wait3A_654] : memref<200000x64xf32, #tpu.memory_space<hbm>> -> memref<200000x64xf32, #tpu.memory_space<hbm>>
        tpu.wait_indirect_dma semaphore(%arg24 : memref<!tpu.dma_semaphore, #tpu.memory_space<semaphore_mem>>) src(%dma_wait3A_655 : memref<200000x64xf32, #tpu.memory_space<hbm>>) dst(%dma_wait3A_651 : memref<16x64xf32, #tpu.memory_space<vmem>>)
      } else {
      }
      %gt3A_577 = arith.constant 160 : i32
      %gt3A_578 = arith.cmpi sgt, %get3A_526, %gt3A_577 : i32
      %convert_element_type3A_579 = arith.extui %gt3A_578 : i1 to i32
      %cond3A_580 = arith.constant 0 : i32
      %cond3A_581 = arith.cmpi ne, %convert_element_type3A_579, %cond3A_580 : i32
      scf.if %cond3A_581 {
        %mul3A_645 = arith.constant 320 : i32
        %mul3A_646 = arith.muli %add3A_396, %mul3A_645 : i32
        %add3A_647 = arith.constant 160 : i32
        %add3A_648 = arith.addi %mul3A_646, %add3A_647 : i32
        %dma_wait3A_649 = arith.constant 160 : i32
        %dma_wait3A_650 = arith.constant 0 : i32
        %dma_wait3A_651 = tpu.memref_slice %arg17[%dma_wait3A_649, %dma_wait3A_650] : memref<320x64xf32, #tpu.memory_space<vmem>> -> memref<16x64xf32, #tpu.memory_space<vmem>>
        %dma_wait3A_652 = tpu.memref_slice %arg11[%add3A_648] : memref<6416xi32, #tpu.memory_space<vmem>> -> memref<16xi32, #tpu.memory_space<vmem>>
        %dma_wait3A_653 = arith.constant 0 : i32
        %dma_wait3A_654 = arith.constant 0 : i32
        %dma_wait3A_655 = tpu.memref_slice %arg5[%dma_wait3A_653, %dma_wait3A_654] : memref<200000x64xf32, #tpu.memory_space<hbm>> -> memref<200000x64xf32, #tpu.memory_space<hbm>>
        tpu.wait_indirect_dma semaphore(%arg24 : memref<!tpu.dma_semaphore, #tpu.memory_space<semaphore_mem>>) src(%dma_wait3A_655 : memref<200000x64xf32, #tpu.memory_space<hbm>>) dst(%dma_wait3A_651 : memref<16x64xf32, #tpu.memory_space<vmem>>)
      } else {
      }
      %gt3A_582 = arith.constant 176 : i32
      %gt3A_583 = arith.cmpi sgt, %get3A_526, %gt3A_582 : i32
      %convert_element_type3A_584 = arith.extui %gt3A_583 : i1 to i32
      %cond3A_585 = arith.constant 0 : i32
      %cond3A_586 = arith.cmpi ne, %convert_element_type3A_584, %cond3A_585 : i32
      scf.if %cond3A_586 {
        %mul3A_645 = arith.constant 320 : i32
        %mul3A_646 = arith.muli %add3A_396, %mul3A_645 : i32
        %add3A_647 = arith.constant 176 : i32
        %add3A_648 = arith.addi %mul3A_646, %add3A_647 : i32
        %dma_wait3A_649 = arith.constant 176 : i32
        %dma_wait3A_650 = arith.constant 0 : i32
        %dma_wait3A_651 = tpu.memref_slice %arg17[%dma_wait3A_649, %dma_wait3A_650] : memref<320x64xf32, #tpu.memory_space<vmem>> -> memref<16x64xf32, #tpu.memory_space<vmem>>
        %dma_wait3A_652 = tpu.memref_slice %arg11[%add3A_648] : memref<6416xi32, #tpu.memory_space<vmem>> -> memref<16xi32, #tpu.memory_space<vmem>>
        %dma_wait3A_653 = arith.constant 0 : i32
        %dma_wait3A_654 = arith.constant 0 : i32
        %dma_wait3A_655 = tpu.memref_slice %arg5[%dma_wait3A_653, %dma_wait3A_654] : memref<200000x64xf32, #tpu.memory_space<hbm>> -> memref<200000x64xf32, #tpu.memory_space<hbm>>
        tpu.wait_indirect_dma semaphore(%arg24 : memref<!tpu.dma_semaphore, #tpu.memory_space<semaphore_mem>>) src(%dma_wait3A_655 : memref<200000x64xf32, #tpu.memory_space<hbm>>) dst(%dma_wait3A_651 : memref<16x64xf32, #tpu.memory_space<vmem>>)
      } else {
      }
      %gt3A_587 = arith.constant 192 : i32
      %gt3A_588 = arith.cmpi sgt, %get3A_526, %gt3A_587 : i32
      %convert_element_type3A_589 = arith.extui %gt3A_588 : i1 to i32
      %cond3A_590 = arith.constant 0 : i32
      %cond3A_591 = arith.cmpi ne, %convert_element_type3A_589, %cond3A_590 : i32
      scf.if %cond3A_591 {
        %mul3A_645 = arith.constant 320 : i32
        %mul3A_646 = arith.muli %add3A_396, %mul3A_645 : i32
        %add3A_647 = arith.constant 192 : i32
        %add3A_648 = arith.addi %mul3A_646, %add3A_647 : i32
        %dma_wait3A_649 = arith.constant 192 : i32
        %dma_wait3A_650 = arith.constant 0 : i32
        %dma_wait3A_651 = tpu.memref_slice %arg17[%dma_wait3A_649, %dma_wait3A_650] : memref<320x64xf32, #tpu.memory_space<vmem>> -> memref<16x64xf32, #tpu.memory_space<vmem>>
        %dma_wait3A_652 = tpu.memref_slice %arg11[%add3A_648] : memref<6416xi32, #tpu.memory_space<vmem>> -> memref<16xi32, #tpu.memory_space<vmem>>
        %dma_wait3A_653 = arith.constant 0 : i32
        %dma_wait3A_654 = arith.constant 0 : i32
        %dma_wait3A_655 = tpu.memref_slice %arg5[%dma_wait3A_653, %dma_wait3A_654] : memref<200000x64xf32, #tpu.memory_space<hbm>> -> memref<200000x64xf32, #tpu.memory_space<hbm>>
        tpu.wait_indirect_dma semaphore(%arg24 : memref<!tpu.dma_semaphore, #tpu.memory_space<semaphore_mem>>) src(%dma_wait3A_655 : memref<200000x64xf32, #tpu.memory_space<hbm>>) dst(%dma_wait3A_651 : memref<16x64xf32, #tpu.memory_space<vmem>>)
      } else {
      }
      %gt3A_592 = arith.constant 208 : i32
      %gt3A_593 = arith.cmpi sgt, %get3A_526, %gt3A_592 : i32
      %convert_element_type3A_594 = arith.extui %gt3A_593 : i1 to i32
      %cond3A_595 = arith.constant 0 : i32
      %cond3A_596 = arith.cmpi ne, %convert_element_type3A_594, %cond3A_595 : i32
      scf.if %cond3A_596 {
        %mul3A_645 = arith.constant 320 : i32
        %mul3A_646 = arith.muli %add3A_396, %mul3A_645 : i32
        %add3A_647 = arith.constant 208 : i32
        %add3A_648 = arith.addi %mul3A_646, %add3A_647 : i32
        %dma_wait3A_649 = arith.constant 208 : i32
        %dma_wait3A_650 = arith.constant 0 : i32
        %dma_wait3A_651 = tpu.memref_slice %arg17[%dma_wait3A_649, %dma_wait3A_650] : memref<320x64xf32, #tpu.memory_space<vmem>> -> memref<16x64xf32, #tpu.memory_space<vmem>>
        %dma_wait3A_652 = tpu.memref_slice %arg11[%add3A_648] : memref<6416xi32, #tpu.memory_space<vmem>> -> memref<16xi32, #tpu.memory_space<vmem>>
        %dma_wait3A_653 = arith.constant 0 : i32
        %dma_wait3A_654 = arith.constant 0 : i32
        %dma_wait3A_655 = tpu.memref_slice %arg5[%dma_wait3A_653, %dma_wait3A_654] : memref<200000x64xf32, #tpu.memory_space<hbm>> -> memref<200000x64xf32, #tpu.memory_space<hbm>>
        tpu.wait_indirect_dma semaphore(%arg24 : memref<!tpu.dma_semaphore, #tpu.memory_space<semaphore_mem>>) src(%dma_wait3A_655 : memref<200000x64xf32, #tpu.memory_space<hbm>>) dst(%dma_wait3A_651 : memref<16x64xf32, #tpu.memory_space<vmem>>)
      } else {
      }
      %gt3A_597 = arith.constant 224 : i32
      %gt3A_598 = arith.cmpi sgt, %get3A_526, %gt3A_597 : i32
      %convert_element_type3A_599 = arith.extui %gt3A_598 : i1 to i32
      %cond3A_600 = arith.constant 0 : i32
      %cond3A_601 = arith.cmpi ne, %convert_element_type3A_599, %cond3A_600 : i32
      scf.if %cond3A_601 {
        %mul3A_645 = arith.constant 320 : i32
        %mul3A_646 = arith.muli %add3A_396, %mul3A_645 : i32
        %add3A_647 = arith.constant 224 : i32
        %add3A_648 = arith.addi %mul3A_646, %add3A_647 : i32
        %dma_wait3A_649 = arith.constant 224 : i32
        %dma_wait3A_650 = arith.constant 0 : i32
        %dma_wait3A_651 = tpu.memref_slice %arg17[%dma_wait3A_649, %dma_wait3A_650] : memref<320x64xf32, #tpu.memory_space<vmem>> -> memref<16x64xf32, #tpu.memory_space<vmem>>
        %dma_wait3A_652 = tpu.memref_slice %arg11[%add3A_648] : memref<6416xi32, #tpu.memory_space<vmem>> -> memref<16xi32, #tpu.memory_space<vmem>>
        %dma_wait3A_653 = arith.constant 0 : i32
        %dma_wait3A_654 = arith.constant 0 : i32
        %dma_wait3A_655 = tpu.memref_slice %arg5[%dma_wait3A_653, %dma_wait3A_654] : memref<200000x64xf32, #tpu.memory_space<hbm>> -> memref<200000x64xf32, #tpu.memory_space<hbm>>
        tpu.wait_indirect_dma semaphore(%arg24 : memref<!tpu.dma_semaphore, #tpu.memory_space<semaphore_mem>>) src(%dma_wait3A_655 : memref<200000x64xf32, #tpu.memory_space<hbm>>) dst(%dma_wait3A_651 : memref<16x64xf32, #tpu.memory_space<vmem>>)
      } else {
      }
      %gt3A_602 = arith.constant 240 : i32
      %gt3A_603 = arith.cmpi sgt, %get3A_526, %gt3A_602 : i32
      %convert_element_type3A_604 = arith.extui %gt3A_603 : i1 to i32
      %cond3A_605 = arith.constant 0 : i32
      %cond3A_606 = arith.cmpi ne, %convert_element_type3A_604, %cond3A_605 : i32
      scf.if %cond3A_606 {
        %mul3A_645 = arith.constant 320 : i32
        %mul3A_646 = arith.muli %add3A_396, %mul3A_645 : i32
        %add3A_647 = arith.constant 240 : i32
        %add3A_648 = arith.addi %mul3A_646, %add3A_647 : i32
        %dma_wait3A_649 = arith.constant 240 : i32
        %dma_wait3A_650 = arith.constant 0 : i32
        %dma_wait3A_651 = tpu.memref_slice %arg17[%dma_wait3A_649, %dma_wait3A_650] : memref<320x64xf32, #tpu.memory_space<vmem>> -> memref<16x64xf32, #tpu.memory_space<vmem>>
        %dma_wait3A_652 = tpu.memref_slice %arg11[%add3A_648] : memref<6416xi32, #tpu.memory_space<vmem>> -> memref<16xi32, #tpu.memory_space<vmem>>
        %dma_wait3A_653 = arith.constant 0 : i32
        %dma_wait3A_654 = arith.constant 0 : i32
        %dma_wait3A_655 = tpu.memref_slice %arg5[%dma_wait3A_653, %dma_wait3A_654] : memref<200000x64xf32, #tpu.memory_space<hbm>> -> memref<200000x64xf32, #tpu.memory_space<hbm>>
        tpu.wait_indirect_dma semaphore(%arg24 : memref<!tpu.dma_semaphore, #tpu.memory_space<semaphore_mem>>) src(%dma_wait3A_655 : memref<200000x64xf32, #tpu.memory_space<hbm>>) dst(%dma_wait3A_651 : memref<16x64xf32, #tpu.memory_space<vmem>>)
      } else {
      }
      %gt3A_607 = arith.constant 256 : i32
      %gt3A_608 = arith.cmpi sgt, %get3A_526, %gt3A_607 : i32
      %convert_element_type3A_609 = arith.extui %gt3A_608 : i1 to i32
      %cond3A_610 = arith.constant 0 : i32
      %cond3A_611 = arith.cmpi ne, %convert_element_type3A_609, %cond3A_610 : i32
      scf.if %cond3A_611 {
        %mul3A_645 = arith.constant 320 : i32
        %mul3A_646 = arith.muli %add3A_396, %mul3A_645 : i32
        %add3A_647 = arith.constant 256 : i32
        %add3A_648 = arith.addi %mul3A_646, %add3A_647 : i32
        %dma_wait3A_649 = arith.constant 256 : i32
        %dma_wait3A_650 = arith.constant 0 : i32
        %dma_wait3A_651 = tpu.memref_slice %arg17[%dma_wait3A_649, %dma_wait3A_650] : memref<320x64xf32, #tpu.memory_space<vmem>> -> memref<16x64xf32, #tpu.memory_space<vmem>>
        %dma_wait3A_652 = tpu.memref_slice %arg11[%add3A_648] : memref<6416xi32, #tpu.memory_space<vmem>> -> memref<16xi32, #tpu.memory_space<vmem>>
        %dma_wait3A_653 = arith.constant 0 : i32
        %dma_wait3A_654 = arith.constant 0 : i32
        %dma_wait3A_655 = tpu.memref_slice %arg5[%dma_wait3A_653, %dma_wait3A_654] : memref<200000x64xf32, #tpu.memory_space<hbm>> -> memref<200000x64xf32, #tpu.memory_space<hbm>>
        tpu.wait_indirect_dma semaphore(%arg24 : memref<!tpu.dma_semaphore, #tpu.memory_space<semaphore_mem>>) src(%dma_wait3A_655 : memref<200000x64xf32, #tpu.memory_space<hbm>>) dst(%dma_wait3A_651 : memref<16x64xf32, #tpu.memory_space<vmem>>)
      } else {
      }
      %gt3A_612 = arith.constant 272 : i32
      %gt3A_613 = arith.cmpi sgt, %get3A_526, %gt3A_612 : i32
      %convert_element_type3A_614 = arith.extui %gt3A_613 : i1 to i32
      %cond3A_615 = arith.constant 0 : i32
      %cond3A_616 = arith.cmpi ne, %convert_element_type3A_614, %cond3A_615 : i32
      scf.if %cond3A_616 {
        %mul3A_645 = arith.constant 320 : i32
        %mul3A_646 = arith.muli %add3A_396, %mul3A_645 : i32
        %add3A_647 = arith.constant 272 : i32
        %add3A_648 = arith.addi %mul3A_646, %add3A_647 : i32
        %dma_wait3A_649 = arith.constant 272 : i32
        %dma_wait3A_650 = arith.constant 0 : i32
        %dma_wait3A_651 = tpu.memref_slice %arg17[%dma_wait3A_649, %dma_wait3A_650] : memref<320x64xf32, #tpu.memory_space<vmem>> -> memref<16x64xf32, #tpu.memory_space<vmem>>
        %dma_wait3A_652 = tpu.memref_slice %arg11[%add3A_648] : memref<6416xi32, #tpu.memory_space<vmem>> -> memref<16xi32, #tpu.memory_space<vmem>>
        %dma_wait3A_653 = arith.constant 0 : i32
        %dma_wait3A_654 = arith.constant 0 : i32
        %dma_wait3A_655 = tpu.memref_slice %arg5[%dma_wait3A_653, %dma_wait3A_654] : memref<200000x64xf32, #tpu.memory_space<hbm>> -> memref<200000x64xf32, #tpu.memory_space<hbm>>
        tpu.wait_indirect_dma semaphore(%arg24 : memref<!tpu.dma_semaphore, #tpu.memory_space<semaphore_mem>>) src(%dma_wait3A_655 : memref<200000x64xf32, #tpu.memory_space<hbm>>) dst(%dma_wait3A_651 : memref<16x64xf32, #tpu.memory_space<vmem>>)
      } else {
      }
      %gt3A_617 = arith.constant 288 : i32
      %gt3A_618 = arith.cmpi sgt, %get3A_526, %gt3A_617 : i32
      %convert_element_type3A_619 = arith.extui %gt3A_618 : i1 to i32
      %cond3A_620 = arith.constant 0 : i32
      %cond3A_621 = arith.cmpi ne, %convert_element_type3A_619, %cond3A_620 : i32
      scf.if %cond3A_621 {
        %mul3A_645 = arith.constant 320 : i32
        %mul3A_646 = arith.muli %add3A_396, %mul3A_645 : i32
        %add3A_647 = arith.constant 288 : i32
        %add3A_648 = arith.addi %mul3A_646, %add3A_647 : i32
        %dma_wait3A_649 = arith.constant 288 : i32
        %dma_wait3A_650 = arith.constant 0 : i32
        %dma_wait3A_651 = tpu.memref_slice %arg17[%dma_wait3A_649, %dma_wait3A_650] : memref<320x64xf32, #tpu.memory_space<vmem>> -> memref<16x64xf32, #tpu.memory_space<vmem>>
        %dma_wait3A_652 = tpu.memref_slice %arg11[%add3A_648] : memref<6416xi32, #tpu.memory_space<vmem>> -> memref<16xi32, #tpu.memory_space<vmem>>
        %dma_wait3A_653 = arith.constant 0 : i32
        %dma_wait3A_654 = arith.constant 0 : i32
        %dma_wait3A_655 = tpu.memref_slice %arg5[%dma_wait3A_653, %dma_wait3A_654] : memref<200000x64xf32, #tpu.memory_space<hbm>> -> memref<200000x64xf32, #tpu.memory_space<hbm>>
        tpu.wait_indirect_dma semaphore(%arg24 : memref<!tpu.dma_semaphore, #tpu.memory_space<semaphore_mem>>) src(%dma_wait3A_655 : memref<200000x64xf32, #tpu.memory_space<hbm>>) dst(%dma_wait3A_651 : memref<16x64xf32, #tpu.memory_space<vmem>>)
      } else {
      }
      %gt3A_622 = arith.constant 304 : i32
      %gt3A_623 = arith.cmpi sgt, %get3A_526, %gt3A_622 : i32
      %convert_element_type3A_624 = arith.extui %gt3A_623 : i1 to i32
      %cond3A_625 = arith.constant 0 : i32
      %cond3A_626 = arith.cmpi ne, %convert_element_type3A_624, %cond3A_625 : i32
      scf.if %cond3A_626 {
        %mul3A_645 = arith.constant 320 : i32
        %mul3A_646 = arith.muli %add3A_396, %mul3A_645 : i32
        %add3A_647 = arith.constant 304 : i32
        %add3A_648 = arith.addi %mul3A_646, %add3A_647 : i32
        %dma_wait3A_649 = arith.constant 304 : i32
        %dma_wait3A_650 = arith.constant 0 : i32
        %dma_wait3A_651 = tpu.memref_slice %arg17[%dma_wait3A_649, %dma_wait3A_650] : memref<320x64xf32, #tpu.memory_space<vmem>> -> memref<16x64xf32, #tpu.memory_space<vmem>>
        %dma_wait3A_652 = tpu.memref_slice %arg11[%add3A_648] : memref<6416xi32, #tpu.memory_space<vmem>> -> memref<16xi32, #tpu.memory_space<vmem>>
        %dma_wait3A_653 = arith.constant 0 : i32
        %dma_wait3A_654 = arith.constant 0 : i32
        %dma_wait3A_655 = tpu.memref_slice %arg5[%dma_wait3A_653, %dma_wait3A_654] : memref<200000x64xf32, #tpu.memory_space<hbm>> -> memref<200000x64xf32, #tpu.memory_space<hbm>>
        tpu.wait_indirect_dma semaphore(%arg24 : memref<!tpu.dma_semaphore, #tpu.memory_space<semaphore_mem>>) src(%dma_wait3A_655 : memref<200000x64xf32, #tpu.memory_space<hbm>>) dst(%dma_wait3A_651 : memref<16x64xf32, #tpu.memory_space<vmem>>)
      } else {
      }
      %ge3A_627 = arith.constant 2 : i32
      %ge3A_628 = arith.cmpi sge, %add3A_396, %ge3A_627 : i32
      %convert_element_type3A_629 = arith.extui %ge3A_628 : i1 to i32
      %cond3A_630 = arith.constant 0 : i32
      %cond3A_631 = arith.cmpi ne, %convert_element_type3A_629, %cond3A_630 : i32
      scf.if %cond3A_631 {
        %sub3A = arith.constant 2 : i32
        %sub3A_645 = arith.subi %add3A_396, %sub3A : i32
        %mul3A_646 = arith.constant 320 : i32
        %mul3A_647 = arith.muli %sub3A_645, %mul3A_646 : i32
        %add3A_648 = arith.addi %mul3A_2, %mul3A_647 : i32
        %dma_wait3A_649 = arith.constant 0 : i32
        %dma_wait3A_650 = tpu.memref_slice %arg7[%add3A_648, %dma_wait3A_649] : memref<204800x64xf32, #tpu.memory_space<hbm>> -> memref<320x64xf32, #tpu.memory_space<hbm>>
        %dma_wait3A_651 = arith.constant 0 : i32
        %dma_wait3A_652 = tpu.memref_slice %arg7[%add3A_648, %dma_wait3A_651] : memref<204800x64xf32, #tpu.memory_space<hbm>> -> memref<320x64xf32, #tpu.memory_space<hbm>>
        tpu.wait_dma2 semaphore(%arg26 : memref<!tpu.dma_semaphore, #tpu.memory_space<semaphore_mem>>) src(%arg19 : memref<320x64xf32, #tpu.memory_space<vmem>>) dst(%dma_wait3A_652 : memref<320x64xf32, #tpu.memory_space<hbm>>)
      } else {
      }
      %scan3A_632 = arith.constant 0 : i32
      %scan3A_633 = arith.constant 0 : i32
      %scan3A_634 = arith.constant 20 : i32
      %scan3A_635 = arith.addi %scan3A_633, %scan3A_634 : i32
      %scan3A_636 = arith.constant 1 : i32
      scf.for %scan3A_645 = %scan3A_633 to %scan3A_635 step %scan3A_636  : i32 {
        %mul3A_646 = arith.constant 320 : i32
        %mul3A_647 = arith.muli %add3A_396, %mul3A_646 : i32
        %mul3A_648 = arith.constant 16 : i32
        %mul3A_649 = arith.muli %scan3A_645, %mul3A_648 : i32
        %add3A_650 = arith.addi %mul3A_647, %mul3A_649 : i32
        %get3A_651 = arith.index_cast %add3A_650 : i32 to index
        %get3A_652 = tpu.vector_load %arg9[%get3A_651] {strides = array<i32>} : memref<6400xi32, #tpu.memory_space<vmem>>, vector<16xi32>,
        %get3A_653 = arith.index_cast %add3A_650 : i32 to index
        %get3A_654 = tpu.vector_load %arg10[%get3A_653] {strides = array<i32>} : memref<6400xi32, #tpu.memory_space<vmem>>, vector<16xi32>,
        %get3A_655 = arith.index_cast %add3A_650 : i32 to index
        %get3A_656 = tpu.vector_load %arg12[%get3A_655] {strides = array<i32>} : memref<6400xf32, #tpu.memory_space<vmem>>, vector<16xf32>,
        %mul3A_657 = arith.constant 16 : i32
        %mul3A_658 = arith.muli %scan3A_645, %mul3A_657 : i32
        %add3A_659 = vector.broadcast %mul3A_658 : i32 to vector<16xi32>
        %add3A_660 = arith.addi %iota3A, %add3A_659 : vector<16xi32>
        %scan3A_661 = arith.constant 0 : i32
        %scan3A_662 = arith.constant 0 : i32
        %scan3A_663 = arith.constant 8 : i32
        %scan3A_664 = arith.addi %scan3A_662, %scan3A_663 : i32
        %scan3A_665 = arith.constant 1 : i32
        scf.for %scan3A_667 = %scan3A_662 to %scan3A_664 step %scan3A_665  : i32 {
          %mul3A_668 = arith.constant 8 : i32
          %mul3A_669 = arith.muli %scan3A_667, %mul3A_668 : i32
          %add3A_670 = arith.constant 0 : i32
          %add3A_671 = arith.addi %mul3A_669, %add3A_670 : i32
          %add3A_672 = vector.broadcast %add3A_671 : i32 to vector<16xi32>
          %add3A_673 = arith.addi %broadcast_in_dim3A_9, %add3A_672 : vector<16xi32>
          %gather3A = tpu.vector_load_idx %arg17[%get3A_652, %add3A_673] : memref<320x64xf32, #tpu.memory_space<vmem>>[vector<16xi32>, vector<16xi32>], vector<16xf32>,
          %add3A_674 = vector.broadcast %add3A_671 : i32 to vector<16xi32>
          %add3A_675 = arith.addi %get3A_654, %add3A_674 : vector<16xi32>
          %gather3A_676 = tpu.vector_load_idx %arg15[%add3A_675] : memref<128xf32, #tpu.memory_space<vmem>>[vector<16xi32>], vector<16xf32>,
          %add3A_677 = arith.addf %gather3A, %gather3A_676 : vector<16xf32>
          %mul3A_678 = arith.mulf %add3A_677, %get3A_656 : vector<16xf32>
          tpu.vector_store_idx %arg19[%add3A_660, %add3A_673], %mul3A_678 : memref<320x64xf32, #tpu.memory_space<vmem>>[vector<16xi32>, vector<16xi32>], vector<16xf32>,
          %mul3A_679 = arith.constant 8 : i32
          %mul3A_680 = arith.muli %scan3A_667, %mul3A_679 : i32
          %add3A_681 = arith.constant 1 : i32
          %add3A_682 = arith.addi %mul3A_680, %add3A_681 : i32
          %add3A_683 = vector.broadcast %add3A_682 : i32 to vector<16xi32>
          %add3A_684 = arith.addi %broadcast_in_dim3A_9, %add3A_683 : vector<16xi32>
          %gather3A_685 = tpu.vector_load_idx %arg17[%get3A_652, %add3A_684] : memref<320x64xf32, #tpu.memory_space<vmem>>[vector<16xi32>, vector<16xi32>], vector<16xf32>,
          %add3A_686 = vector.broadcast %add3A_682 : i32 to vector<16xi32>
          %add3A_687 = arith.addi %get3A_654, %add3A_686 : vector<16xi32>
          %gather3A_688 = tpu.vector_load_idx %arg15[%add3A_687] : memref<128xf32, #tpu.memory_space<vmem>>[vector<16xi32>], vector<16xf32>,
          %add3A_689 = arith.addf %gather3A_685, %gather3A_688 : vector<16xf32>
          %mul3A_690 = arith.mulf %add3A_689, %get3A_656 : vector<16xf32>
          tpu.vector_store_idx %arg19[%add3A_660, %add3A_684], %mul3A_690 : memref<320x64xf32, #tpu.memory_space<vmem>>[vector<16xi32>, vector<16xi32>], vector<16xf32>,
          %mul3A_691 = arith.constant 8 : i32
          %mul3A_692 = arith.muli %scan3A_667, %mul3A_691 : i32
          %add3A_693 = arith.constant 2 : i32
          %add3A_694 = arith.addi %mul3A_692, %add3A_693 : i32
          %add3A_695 = vector.broadcast %add3A_694 : i32 to vector<16xi32>
          %add3A_696 = arith.addi %broadcast_in_dim3A_9, %add3A_695 : vector<16xi32>
          %gather3A_697 = tpu.vector_load_idx %arg17[%get3A_652, %add3A_696] : memref<320x64xf32, #tpu.memory_space<vmem>>[vector<16xi32>, vector<16xi32>], vector<16xf32>,
          %add3A_698 = vector.broadcast %add3A_694 : i32 to vector<16xi32>
          %add3A_699 = arith.addi %get3A_654, %add3A_698 : vector<16xi32>
          %gather3A_700 = tpu.vector_load_idx %arg15[%add3A_699] : memref<128xf32, #tpu.memory_space<vmem>>[vector<16xi32>], vector<16xf32>,
          %add3A_701 = arith.addf %gather3A_697, %gather3A_700 : vector<16xf32>
          %mul3A_702 = arith.mulf %add3A_701, %get3A_656 : vector<16xf32>
          tpu.vector_store_idx %arg19[%add3A_660, %add3A_696], %mul3A_702 : memref<320x64xf32, #tpu.memory_space<vmem>>[vector<16xi32>, vector<16xi32>], vector<16xf32>,
          %mul3A_703 = arith.constant 8 : i32
          %mul3A_704 = arith.muli %scan3A_667, %mul3A_703 : i32
          %add3A_705 = arith.constant 3 : i32
          %add3A_706 = arith.addi %mul3A_704, %add3A_705 : i32
          %add3A_707 = vector.broadcast %add3A_706 : i32 to vector<16xi32>
          %add3A_708 = arith.addi %broadcast_in_dim3A_9, %add3A_707 : vector<16xi32>
          %gather3A_709 = tpu.vector_load_idx %arg17[%get3A_652, %add3A_708] : memref<320x64xf32, #tpu.memory_space<vmem>>[vector<16xi32>, vector<16xi32>], vector<16xf32>,
          %add3A_710 = vector.broadcast %add3A_706 : i32 to vector<16xi32>
          %add3A_711 = arith.addi %get3A_654, %add3A_710 : vector<16xi32>
          %gather3A_712 = tpu.vector_load_idx %arg15[%add3A_711] : memref<128xf32, #tpu.memory_space<vmem>>[vector<16xi32>], vector<16xf32>,
          %add3A_713 = arith.addf %gather3A_709, %gather3A_712 : vector<16xf32>
          %mul3A_714 = arith.mulf %add3A_713, %get3A_656 : vector<16xf32>
          tpu.vector_store_idx %arg19[%add3A_660, %add3A_708], %mul3A_714 : memref<320x64xf32, #tpu.memory_space<vmem>>[vector<16xi32>, vector<16xi32>], vector<16xf32>,
          %mul3A_715 = arith.constant 8 : i32
          %mul3A_716 = arith.muli %scan3A_667, %mul3A_715 : i32
          %add3A_717 = arith.constant 4 : i32
          %add3A_718 = arith.addi %mul3A_716, %add3A_717 : i32
          %add3A_719 = vector.broadcast %add3A_718 : i32 to vector<16xi32>
          %add3A_720 = arith.addi %broadcast_in_dim3A_9, %add3A_719 : vector<16xi32>
          %gather3A_721 = tpu.vector_load_idx %arg17[%get3A_652, %add3A_720] : memref<320x64xf32, #tpu.memory_space<vmem>>[vector<16xi32>, vector<16xi32>], vector<16xf32>,
          %add3A_722 = vector.broadcast %add3A_718 : i32 to vector<16xi32>
          %add3A_723 = arith.addi %get3A_654, %add3A_722 : vector<16xi32>
          %gather3A_724 = tpu.vector_load_idx %arg15[%add3A_723] : memref<128xf32, #tpu.memory_space<vmem>>[vector<16xi32>], vector<16xf32>,
          %add3A_725 = arith.addf %gather3A_721, %gather3A_724 : vector<16xf32>
          %mul3A_726 = arith.mulf %add3A_725, %get3A_656 : vector<16xf32>
          tpu.vector_store_idx %arg19[%add3A_660, %add3A_720], %mul3A_726 : memref<320x64xf32, #tpu.memory_space<vmem>>[vector<16xi32>, vector<16xi32>], vector<16xf32>,
          %mul3A_727 = arith.constant 8 : i32
          %mul3A_728 = arith.muli %scan3A_667, %mul3A_727 : i32
          %add3A_729 = arith.constant 5 : i32
          %add3A_730 = arith.addi %mul3A_728, %add3A_729 : i32
          %add3A_731 = vector.broadcast %add3A_730 : i32 to vector<16xi32>
          %add3A_732 = arith.addi %broadcast_in_dim3A_9, %add3A_731 : vector<16xi32>
          %gather3A_733 = tpu.vector_load_idx %arg17[%get3A_652, %add3A_732] : memref<320x64xf32, #tpu.memory_space<vmem>>[vector<16xi32>, vector<16xi32>], vector<16xf32>,
          %add3A_734 = vector.broadcast %add3A_730 : i32 to vector<16xi32>
          %add3A_735 = arith.addi %get3A_654, %add3A_734 : vector<16xi32>
          %gather3A_736 = tpu.vector_load_idx %arg15[%add3A_735] : memref<128xf32, #tpu.memory_space<vmem>>[vector<16xi32>], vector<16xf32>,
          %add3A_737 = arith.addf %gather3A_733, %gather3A_736 : vector<16xf32>
          %mul3A_738 = arith.mulf %add3A_737, %get3A_656 : vector<16xf32>
          tpu.vector_store_idx %arg19[%add3A_660, %add3A_732], %mul3A_738 : memref<320x64xf32, #tpu.memory_space<vmem>>[vector<16xi32>, vector<16xi32>], vector<16xf32>,
          %mul3A_739 = arith.constant 8 : i32
          %mul3A_740 = arith.muli %scan3A_667, %mul3A_739 : i32
          %add3A_741 = arith.constant 6 : i32
          %add3A_742 = arith.addi %mul3A_740, %add3A_741 : i32
          %add3A_743 = vector.broadcast %add3A_742 : i32 to vector<16xi32>
          %add3A_744 = arith.addi %broadcast_in_dim3A_9, %add3A_743 : vector<16xi32>
          %gather3A_745 = tpu.vector_load_idx %arg17[%get3A_652, %add3A_744] : memref<320x64xf32, #tpu.memory_space<vmem>>[vector<16xi32>, vector<16xi32>], vector<16xf32>,
          %add3A_746 = vector.broadcast %add3A_742 : i32 to vector<16xi32>
          %add3A_747 = arith.addi %get3A_654, %add3A_746 : vector<16xi32>
          %gather3A_748 = tpu.vector_load_idx %arg15[%add3A_747] : memref<128xf32, #tpu.memory_space<vmem>>[vector<16xi32>], vector<16xf32>,
          %add3A_749 = arith.addf %gather3A_745, %gather3A_748 : vector<16xf32>
          %mul3A_750 = arith.mulf %add3A_749, %get3A_656 : vector<16xf32>
          tpu.vector_store_idx %arg19[%add3A_660, %add3A_744], %mul3A_750 : memref<320x64xf32, #tpu.memory_space<vmem>>[vector<16xi32>, vector<16xi32>], vector<16xf32>,
          %mul3A_751 = arith.constant 8 : i32
          %mul3A_752 = arith.muli %scan3A_667, %mul3A_751 : i32
          %add3A_753 = arith.constant 7 : i32
          %add3A_754 = arith.addi %mul3A_752, %add3A_753 : i32
          %add3A_755 = vector.broadcast %add3A_754 : i32 to vector<16xi32>
          %add3A_756 = arith.addi %broadcast_in_dim3A_9, %add3A_755 : vector<16xi32>
          %gather3A_757 = tpu.vector_load_idx %arg17[%get3A_652, %add3A_756] : memref<320x64xf32, #tpu.memory_space<vmem>>[vector<16xi32>, vector<16xi32>], vector<16xf32>,
          %add3A_758 = vector.broadcast %add3A_754 : i32 to vector<16xi32>
          %add3A_759 = arith.addi %get3A_654, %add3A_758 : vector<16xi32>
          %gather3A_760 = tpu.vector_load_idx %arg15[%add3A_759] : memref<128xf32, #tpu.memory_space<vmem>>[vector<16xi32>], vector<16xf32>,
          %add3A_761 = arith.addf %gather3A_757, %gather3A_760 : vector<16xf32>
          %mul3A_762 = arith.mulf %add3A_761, %get3A_656 : vector<16xf32>
          tpu.vector_store_idx %arg19[%add3A_660, %add3A_756], %mul3A_762 : memref<320x64xf32, #tpu.memory_space<vmem>>[vector<16xi32>, vector<16xi32>], vector<16xf32>,
        }
        %scan3A_666 = arith.constant 8 : i32
      }
      %scan3A_637 = arith.constant 20 : i32
      %mul3A_638 = arith.constant 320 : i32
      %mul3A_639 = arith.muli %add3A_396, %mul3A_638 : i32
      %add3A_640 = arith.addi %mul3A_2, %mul3A_639 : i32
      %dma_start3A_641 = arith.constant 0 : i32
      %dma_start3A_642 = tpu.memref_slice %arg7[%add3A_640, %dma_start3A_641] : memref<204800x64xf32, #tpu.memory_space<hbm>> -> memref<320x64xf32, #tpu.memory_space<hbm>>
      %dma_start3A_643 = arith.constant 0 : i32
      %dma_start3A_644 = tpu.memref_slice %arg7[%add3A_640, %dma_start3A_643] : memref<204800x64xf32, #tpu.memory_space<hbm>> -> memref<320x64xf32, #tpu.memory_space<hbm>>
      tpu.enqueue_dma source(%arg19 : memref<320x64xf32, #tpu.memory_space<vmem>>) target(%dma_start3A_644 : memref<320x64xf32, #tpu.memory_space<hbm>>) target_semaphore(%arg26 : memref<!tpu.dma_semaphore, #tpu.memory_space<semaphore_mem>>)
    }
    %scan3A_128 = arith.constant 10 : i32
    %add3A_129 = arith.constant 5760 : i32
    %add3A_130 = arith.addi %mul3A_2, %add3A_129 : i32
    %dma_wait3A_131 = arith.constant 0 : i32
    %dma_wait3A_132 = tpu.memref_slice %arg7[%add3A_130, %dma_wait3A_131] : memref<204800x64xf32, #tpu.memory_space<hbm>> -> memref<320x64xf32, #tpu.memory_space<hbm>>
    %dma_wait3A_133 = arith.constant 0 : i32
    %dma_wait3A_134 = tpu.memref_slice %arg7[%add3A_130, %dma_wait3A_133] : memref<204800x64xf32, #tpu.memory_space<hbm>> -> memref<320x64xf32, #tpu.memory_space<hbm>>
    tpu.wait_dma2 semaphore(%arg25 : memref<!tpu.dma_semaphore, #tpu.memory_space<semaphore_mem>>) src(%arg18 : memref<320x64xf32, #tpu.memory_space<vmem>>) dst(%dma_wait3A_134 : memref<320x64xf32, #tpu.memory_space<hbm>>)
    %add3A_135 = arith.constant 6080 : i32
    %add3A_136 = arith.addi %mul3A_2, %add3A_135 : i32
    %dma_wait3A_137 = arith.constant 0 : i32
    %dma_wait3A_138 = tpu.memref_slice %arg7[%add3A_136, %dma_wait3A_137] : memref<204800x64xf32, #tpu.memory_space<hbm>> -> memref<320x64xf32, #tpu.memory_space<hbm>>
    %dma_wait3A_139 = arith.constant 0 : i32
    %dma_wait3A_140 = tpu.memref_slice %arg7[%add3A_136, %dma_wait3A_139] : memref<204800x64xf32, #tpu.memory_space<hbm>> -> memref<320x64xf32, #tpu.memory_space<hbm>>
    tpu.wait_dma2 semaphore(%arg26 : memref<!tpu.dma_semaphore, #tpu.memory_space<semaphore_mem>>) src(%arg19 : memref<320x64xf32, #tpu.memory_space<vmem>>) dst(%dma_wait3A_140 : memref<320x64xf32, #tpu.memory_space<hbm>>)
    %dma_wait3A_141 = tpu.memref_slice %arg8[%mul3A_2] : memref<204800xi32, #tpu.memory_space<hbm>> -> memref<6400xi32, #tpu.memory_space<hbm>>
    %dma_wait3A_142 = tpu.memref_slice %arg8[%mul3A_2] : memref<204800xi32, #tpu.memory_space<hbm>> -> memref<6400xi32, #tpu.memory_space<hbm>>
    tpu.wait_dma2 semaphore(%arg22 : memref<!tpu.dma_semaphore, #tpu.memory_space<semaphore_mem>>) src(%arg13 : memref<6400xi32, #tpu.memory_space<vmem>>) dst(%dma_wait3A_142 : memref<6400xi32, #tpu.memory_space<hbm>>)
    return
  }
}

</mosaic_0001>

<sc_bundles>
// kernel: _sc_embed.3.cloned.1.call-start
scs
__scs_entry_jumppad:
0x0: {  	(pc) =	sbr.rel $0x88, $3  }
0x1: {  	(tag) =	ssettag $0x0;
	lr =	simm.s32 $0x1  }
0x2: {  	[smem:$0x3F9C] =	sst lr;
	_ =	strace $0xD0000000  }
0x3: {  	_ = 	snop  }
0x4: {  	_ = 	snop  }
0x5: {  	_ = 	snop  }
0x6: {  	_ = 	snop  }
0x7: {  	_ = 	snop  }
__scs_overlays_trampoline_lowered:
0x8: {  	[smem:$0x3FAB] =	sst s0  }
0x9: {  	[smem:$0x3FAC] =	sst s1  }
0xa: {  	[smem:$0x3FAD] =	sst s2  }
0xb: {  	[smem:$0x3FAE] =	sst s3  }
0xc: {  	[smem:$0x3FAF] =	sst s4  }
0xd: {  	[smem:$0x3FB0] =	sst s5  }
0xe: {  	[smem:$0x3FB1] =	sst s6  }
0xf: {  	[smem:$0x3FB2] =	sst s7  }
0x10: {  	[smem:$0x3FB3] =	sst s8  }
0x11: {  	[smem:$0x3FB4] =	sst s9;
	s0 =	simm.s32 @!p0 $0x0  }
0x12: {  	s1 =	sld [smem:$0x3F9A];
	s0 =	simm.s32 @p0 $0x1  }
0x13: {  	[smem:$0x3FB5] =	sst s0;
	s0 =	simm.s32 @!p1 $0x0  }
0x14: {  	s2 =	sld [smem:$0x3F99];
	s0 =	simm.s32 @p1 $0x1  }
0x15: {  	[smem:$0x3FB6] =	sst s0;
	s0 =	simm.s32 @!p2 $0x0  }
0x16: {  	s3 =	sld [smem:$0x3FDB];
	s0 =	simm.s32 @p2 $0x1  }
0x17: {  	s4 =	simm.s32 $0x1BF5;
	[smem:$0x3FB8] =	sst s0  }
0x18: {  	s0 =	sld [smem:$0x3F9B];
	_ =	swait.ge [sflag:s4], $0x0  }
0x19: {  	s7 =	sld [smem:$0x3F9C]  }
0x1a: {  	s8 =	sadd.s32 $0xFFFFE003, lr  }
0x1b: {  	s9 =	sadd.s32 $0xFFFFFEF7, lr;
	s5 =	simm.s32 $0xFFFFFFFF;
	p2 =	slt.u32 s8, $0xFFFFF086  }
0x1c: {  	p1 =	slt.u32 s9, $0xF7A;
	s5 =	simm.s32 @!p2 $0x0  }
0x1d: {  	s5 =	simm.s32 @p1 $0x1;
	p0 =	seq.s32 s7, s2  }
0x1e: {  	s7 =	smul.u32 @!p0 $0xF7A, s2;
	p2 =	seq.s32 @!p0 s5, $0x0  }
0x1f: {  	s9 =	smul.u32 $0xF7A, s1;
	s8 =	simm.s32 @!p0 $0x1BF5;
	p2 =	por !p2, p0  }
0x20: {  	[sflag:s8] =	ssyncset.s32 @!p0 $0xFFFFF086;
	s6 =	sadd.s32 @!p0 s3, s7;
	s7 =	simm.s32 @!p0 $0x108  }
0x21: {  	s3 =	sadd.s32 s3, s9;
	s6 =	sadd.s32 @!p0 $0x88, s6;
	s7 =	simm.s32 @p2 $0x1082  }
0x22: {  	[simem:s7], [sflag:s8] =	dma.local @!p0 [hbm:s6], $0xF7A  }
0x23: {  	s9 =	sor.u32 $0xD0000000, s2;
	s6 =	simm.s32 $0x108;
	_ =	swait.ge @!p0 [sflag:s8], $0x0  }
0x24: {  	s3 =	sadd.s32 $0x88, s3;
	s6 =	simm.s32 @!p1 $0x1082;
	[sflag:s4] =	ssyncset.s32 $0xFFFFF086  }
0x25: {  	[simem:s6], [sflag:s4] =	dma.local [hbm:s3], $0xF7A  }
0x26: {  	[smem:$0x3F9C] =	sst s1;
	(tag) =	ssettag s2;
	_ =	strace s9  }
0x27: {  	s1 =	sld [smem:$0x3FAC]  }
0x28: {  	s2 =	sld [smem:$0x3FAD]  }
0x29: {  	s4 =	sld [smem:$0x3FAF]  }
0x2a: {  	p0 =	seq.s32 s5, $0x0;
	s5 =	sld [smem:$0x3FB0]  }
0x2b: {  	s6 =	sld [smem:$0x3FB1]  }
0x2c: {  	s7 =	sld [smem:$0x3FB2]  }
0x2d: {  	s3 =	simm.s32 $0x108;
	s8 =	sld [smem:$0x3FB3]  }
0x2e: {  	s3 =	simm.s32 @!p0 $0x1082;
	s9 =	sld [smem:$0x3FB4]  }
0x2f: {  	lr =	sadd.s32 s0, s3;
	s0 =	sld [smem:$0x3FAB]  }
0x30: {  	s3 =	sld [smem:$0x3FAE]  }
0x31: {  	[smem:$0x3FB7] =	sst s10  }
0x32: {  	s10 =	sld [smem:$0x3FB5];
	_ =	sdelay $0x3  }
0x33: {  	p0 =	seq.s32 s10, $0x1;
	s10 =	sld [smem:$0x3FB7];
	_ =	sdelay $0x3  }
0x34: {  	[smem:$0x3FB7] =	sst s10  }
0x35: {  	s10 =	sld [smem:$0x3FB6];
	_ =	sdelay $0x3  }
0x36: {  	p1 =	seq.s32 s10, $0x1;
	s10 =	sld [smem:$0x3FB7];
	_ =	sdelay $0x3  }
0x37: {  	[smem:$0x3FB7] =	sst s10  }
0x38: {  	s10 =	sld [smem:$0x3FB8]  }
0x39: {  	_ = 	snop;
	(pc) =	sbr.ind lr, $3  }
0x3a: {  	_ = 	snop  }
0x3b: {  	_ = 	snop  }
0x3c: {  	p2 =	seq.s32 s10, $0x1;
	s10 =	sld [smem:$0x3FB7]  }
0x3d: {  	_ =	shalt  }
0x3e: {  	_ =	shalt  }
0x3f: {  	_ =	shalt  }
0x40: {  	_ =	shalt  }
0x41: {  	_ =	shalt  }
0x42: {  	_ =	shalt  }
0x43: {  	_ =	shalt  }
0x44: {  	_ =	shalt  }
0x45: {  	_ =	shalt  }
0x46: {  	_ =	shalt  }
0x47: {  	_ =	shalt  }
0x48: {  	_ =	shalt  }
0x49: {  	_ =	shalt  }
0x4a: {  	_ =	shalt  }
0x4b: {  	_ =	shalt  }
0x4c: {  	_ =	shalt  }
0x4d: {  	_ =	shalt  }
0x4e: {  	_ =	shalt  }
0x4f: {  	_ =	shalt  }
0x50: {  	_ =	shalt  }
0x51: {  	_ =	shalt  }
0x52: {  	_ =	shalt  }
0x53: {  	_ =	shalt  }
0x54: {  	_ =	shalt  }
0x55: {  	_ =	shalt  }
0x56: {  	_ =	shalt  }
0x57: {  	_ =	shalt  }
0x58: {  	_ =	shalt  }
0x59: {  	_ =	shalt  }
0x5a: {  	_ =	shalt  }
0x5b: {  	_ =	shalt  }
0x5c: {  	_ =	shalt  }
0x5d: {  	_ =	shalt  }
0x5e: {  	_ =	shalt  }
0x5f: {  	_ =	shalt  }
0x60: {  	_ =	shalt  }
0x61: {  	_ =	shalt  }
0x62: {  	_ =	shalt  }
0x63: {  	_ =	shalt  }
0x64: {  	_ =	shalt  }
0x65: {  	_ =	shalt  }
0x66: {  	_ =	shalt  }
0x67: {  	_ =	shalt  }
0x68: {  	_ =	shalt  }
0x69: {  	_ =	shalt  }
0x6a: {  	_ =	shalt  }
0x6b: {  	_ =	shalt  }
0x6c: {  	_ =	shalt  }
0x6d: {  	_ =	shalt  }
0x6e: {  	_ =	shalt  }
0x6f: {  	_ =	shalt  }
0x70: {  	_ =	shalt  }
0x71: {  	_ =	shalt  }
0x72: {  	_ =	shalt  }
0x73: {  	_ =	shalt  }
0x74: {  	_ =	shalt  }
0x75: {  	_ =	shalt  }
0x76: {  	_ =	shalt  }
0x77: {  	_ =	shalt  }
0x78: {  	_ =	shalt  }
0x79: {  	_ =	shalt  }
0x7a: {  	_ =	shalt  }
0x7b: {  	_ =	shalt  }
0x7c: {  	_ =	shalt  }
0x7d: {  	_ =	shalt  }
0x7e: {  	_ =	shalt  }
0x7f: {  	_ =	shalt  }
0x80: {  	_ =	shalt  }
0x81: {  	_ =	shalt  }
0x82: {  	_ =	shalt  }
0x83: {  	_ =	shalt  }
0x84: {  	_ =	shalt  }
0x85: {  	_ =	shalt  }
0x86: {  	_ =	shalt  }
0x87: {  	_ =	shalt  }
.Lfunc_end0:
.L_simem_size_0:
called_computation.1_lowered:
.L_overlay_start_0:
0x88: {  	s2 =	sld [smem:$0x3FD9]  }
0x89: {  	s3 =	sld [smem:$0x3FFE];
	_ =	sdelay $0x1  }
0x8a: {  	s1 =	srdreg.scid  }
0x8b: {  	s0 =	sand.u32 $0x1, s1  }
0x8c: {  	s14 =	sshll.u32 s0, $0xA;
	s2 =	sadd.s32 s3, s2  }
0x8d: {  	s2 =	sadd.s32 s2, s14  }
0x8e: {  	[smem:$0x3FC3] =	sst s2  }
0x8f: {  	_ = 	snop  }
0x90: {  	s2 =	sld [smem:$0x3FC9]  }
0x91: {  	s15 =	sld [smem:$0x3FD0]  }
0x92: {  	s4 =	sld [smem:$0x3FC8]  }
0x93: {  	s5 =	sld [smem:$0x3FC7]  }
0x94: {  	s7 =	simm.s32 $0xA;
	s8 =	simm.s32 $0x10;
	s6 =	sld [smem:$0x3FC5]  }
0x95: {  	[smem:s8], [sflag:s7] =	dma.local [hbm:s15], $0x1  }
0x96: {  	_ =	swait.eq [sflag:s7], $0x1  }
0x97: {  	[sflag:s7] =	ssyncset.done $0x0  }
0x98: {  	s16 =	sld [smem:$0x10];
	[sflag:s7] =	ssyncadd.s32 $0xFFFFFFFF  }
0x99: {  	s17 =	sld [smem:$0x11];
	(tm) =	ssettm $0x1  }
0x9a: {  	s18 =	sld [smem:$0x3FFB];
	_ =	sdelay $0x3  }
0x9b: {  	_ =	strace s18  }
0x9c: {  	s8 =	sld [smem:$0x3FFC];
	_ =	sdelay $0x3  }
0x9d: {  	_ =	strace s8  }
0x9e: {  	s8 =	sld [smem:$0x3FFD];
	_ =	sdelay $0x3  }
0x9f: {  	_ =	strace s8  }
0xa0: {  	_ =	strace $0x8FFFFFFF  }
0xa1: {  	s19 =	sld [smem:$0x3FDB];
	_ =	sdelay $0x1  }
0xa2: {  	s9 =	simm.s32 $_scs_section_size  }
0xa3: {  	s10 =	simm.s32 $_size__tile_overlayer_lowered;
	s11 =	simm.s32 $_tile_overlayer_lowered  }
0xa4: {  	s22 =	simm.s32 $0x1BFF;
	s21 =	sshll.u32 s11, $0x1;
	s8 =	sadd.s32 s9, s19  }
0xa5: {  	s12 =	simm.s32 $0x0;
	s20 =	sshll.u32 s10, $0x1;
	s10 =	sadd.s32 s21, s8  }
0xa6: {  	[timem:s12], [sflag:s22] =	dma.local [hbm:s10], s20  }
0xa7: {  	_ =	swait.ge [sflag:s22], s20  }
0xa8: {  	s9 =	ssub.s32 $0x0, s20;
	[sflag:s22] =	ssyncset.done $0x0  }
0xa9: {  	[sflag:s22] =	ssyncadd.s32 s9;
	_ =	sdelay $0x1  }
0xaa: {  	s23 =	simm.s32 $0x1B8B  }
0xab: {  	_ =	swait.ge [sflag:s23], $0x1  }
0xac: {  	[sflag:s23] =	ssyncset.done $0x0  }
0xad: {  	s25 =	simm.s32 $0x1B8E;
	s24 =	sld [smem:$0x3FFE];
	[sflag:s23] =	ssyncadd.s32 $0xFFFFFFFF  }
0xae: {  	s26 =	simm.s32 $execute0_lowered;
	[smem:$0x3FD2] =	sst s25  }
0xaf: {  	s10 =	sshll.u32 s26, $0x1;
	_ =	strace $0x80000046;
	[dreg:$0x1] =	wrdreg $0xFFFFFFFF  }
0xb0: {  	s28 =	simm.s32 $_size_execute0_lowered;
	s8 =	sadd.s32 s8, s10;
	[dreg:$0x0] =	wrdreg $0x0  }
0xb1: {  	s10 =	sshll.u32 s28, $0x1;
	[dreg:$0x2] =	wrdreg s8  }
0xb2: {  	[dreg:$0x3] =	wrdreg s10  }
0xb3: {  	[dreg:$0x4] =	wrdreg $0xC0  }
0xb4: {  	_ =	task [dreg:s12], $0x5FFFF  }
0xb5: {  	[dreg:$0x1] =	wrdreg $0xFFFFFFFF  }
0xb6: {  	[dreg:$0x0] =	wrdreg $0x60  }
0xb7: {  	[dreg:$0x2] =	wrdreg s2  }
0xb8: {  	[dreg:$0x3] =	wrdreg s4  }
0xb9: {  	[dreg:$0x4] =	wrdreg s5  }
0xba: {  	[dreg:$0x5] =	wrdreg s24  }
0xbb: {  	[dreg:$0x6] =	wrdreg s6  }
0xbc: {  	[dreg:$0x7] =	wrdreg s16  }
0xbd: {  	[dreg:$0x8] =	wrdreg s17  }
0xbe: {  	[dreg:$0x9] =	wrdreg $0x9  }
0xbf: {  	_ =	task.clear_ibuf [dreg:s12], $0xAFFFF;
	_ =	strace $0x90000046  }
0xc0: {  	s29 =	simm.s32 $0x9;
	_ =	strace $0x80000048  }
0xc1: {  	_ =	swait.ge [sflag:s29], $0x1  }
0xc2: {  	[sflag:s29] =	ssyncadd.s32 $0xFFFFFFFF  }
0xc3: {  	_ =	strace $0x90000048  }
0xc4: {  	_ =	sfence  }
0xc5: {  	s30 =	sld [smem:$0x0];
	_ =	sdelay $0x2  }
0xc6: {  	s31 =	sshll.u32 s1, $0xD;
	s1 =	sshrl.u32 s1, $0x2  }
0xc7: {  	s3 =	sand.u32 $0x4000, s31;
	s1 =	sadd.s32 s1, s30  }
0xc8: {  	s0 =	sor.u32 s3, s0;
	s1 =	sshll.u32 s1, $0x11  }
0xc9: {  	s0 =	sor.u32 s1, s0  }
0xca: {  	s0 =	sadd.s32 $0x8F2B, s0  }
0xcb: {  	[sflag:s0] =	ssyncadd.remote.s32 $0x1  }
0xcc: {  	_ =	sfence.sel $0xFFFF  }
0xcd: {  	[dreg:$0x0] =	wrdreg $0xFFFFFFFF;
	(pc) =	sbr.abs _section_cstart, $3  }
0xce: {  	[dreg:$0x1] =	wrdreg $0xFFFFFFFF  }
0xcf: {  	_ =	task.clear_ibuf [dreg:s12], $0x2FFFF;
	_ =	strace $0x9FFFFFFF  }
0xd0: {  	(tm) =	ssettm $0x7FFFFFFF  }
0xd1: {  	_ =	shalt  }
tec
execute0_lowered:
.L_overlay_start_1:
0x0: {  	(tag) =	ssettag $0x1  }
0x1: {  	s0 =	rddreg [dreg:$0x0]  }
0x2: {  	s1 =	rddreg [dreg:$0x1]  }
0x3: {  	s2 =	rddreg [dreg:$0x3]  }
0x4: {  	s4 =	rddreg [dreg:$0x5]  }
0x5: {  	s3 =	srdreg.scid;
	s11 =	stileid.u32  }
0x6: {  	s8 =	rddreg [dreg:$0x6];
	s5 =	simm.s32 $0x0;
	s14 =	simm.s32 $0x7D10  }
0x7: {  	s15 =	simm.s32 $0x8110;
	s16 =	simm.s32 $0x1;
	s17 =	simm.s32 $0x3200  }
0x8: {  	s19 =	simm.s32 $0x10;
	s22 =	simm.s32 $0x10990;
	s23 =	simm.s32 $0x3  }
0x9: {  	s28 =	simm.s32 $0xD190;
	s29 =	simm.s32 $0x17190;
	s31 =	simm.s32 $0x6  }
0xa: {  	s3 =	sand.u32 $0x1, s3;
	s6 =	sshll.u32 s11, $0x1;
	[smem:$0x7FF] =	sst s5  }
0xb: {  	s12 =	smul.u32 $0x3200, s11;
	s6 =	sor.u32 s3, s6;
	s24 =	ssub.s32 $0x2, s3  }
0xc: {  	s7 =	sadd.s32 $0x30E000, s2;
	s6 =	smul.u32 $0x1900, s6;
	s9 =	sshrl.u32 s24, $0x1  }
0xd: {  	_ =	strace $0x80000047;
	s25 =	smul.u32 $0x1900, s3;
	s2 =	ssub.s32 s24, s9  }
0xe: {  	s3 =	simm.s32 $0x2;
	s10 =	sshrl.u32 s6, $0x3;
	s30 =	smax.u32 s2, $0x1  }
0xf: {  	s12 =	sadd.s32 s25, s12;
	s0 =	sadd.s32 s0, s10;
	[dreg:$0xb] =	wrdreg s30  }
0x10: {  	s24 =	simm.s32 $0x8190;
	s1 =	sadd.s32 s1, s10;
	[dreg:$0x8] =	wrdreg s0  }
0x11: {  	v0 =	vlaneseq.u32;
	s25 =	simm.s32 $0x12190;
	s26 =	sadd.s32 s8, s10;
	[dreg:$0x9] =	wrdreg s1  }
0x12: {  	v1 =	vimm.s32 $0x0;
	v2 =	vmul.u32 $0x40, v0;
	[dreg:$0xa] =	wrdreg s26;
	s26 =	simm.s32 $0x4;
	s1 =	simm.s32 $0x0  }
.LBB2_1:
0x13: {  	s0 =	rddreg [dreg:$0x8]  }
0x14: {  	[tilespmem:s5], [sflag:$0x1] =	stream.linear.gather [hbm4b:s0+s5], $0x1900, $0x38;
	[tilespmem:$0x1C190] =	vst v63  }
0x15: {  	s20 =	rddreg [dreg:$0x9];
	s2 =	simm.s32 $0x1900  }
0x16: {  	[tilespmem:s2], [sflag:$0x1] =	stream.linear.gather [hbm4b:s20+s5], $0x1900, $0x38;
	[tilespmem:$0x1C190] =	vst v63  }
0x17: {  	s21 =	rddreg [dreg:$0x2]  }
0x18: {  	[tilespmem:s14], [sflag:$0x1] =	stream.linear.gather [hbm4b:s21+s5], $0x400, $0x38;
	[tilespmem:$0x1C190] =	vst v63  }
0x19: {  	s30 =	rddreg [dreg:$0x4]  }
0x1a: {  	[tilespmem:s15], [sflag:$0x1] =	stream.linear.gather [hbm4b:s30+s5], $0x80, $0x38;
	[tilespmem:$0x1C190] =	vst v63  }
0x1b: {  	_ =	swait.ge [sflag:s16], $0x1900  }
0x1c: {  	[sflag:s16] =	ssyncset.done $0x0  }
0x1d: {  	[sflag:s16] =	ssyncadd.s32 $0xFFFFE700  }
0x1e: {  	_ =	swait.ge [sflag:s16], $0x1900  }
0x1f: {  	[sflag:s16] =	ssyncset.done $0x0  }
0x20: {  	[sflag:s16] =	ssyncadd.s32 $0xFFFFE700  }
0x21: {  	_ =	swait.ge [sflag:s16], $0x400  }
0x22: {  	[sflag:s16] =	ssyncset.done $0x0  }
0x23: {  	[sflag:s16] =	ssyncadd.s32 $0xFFFFFC00  }
0x24: {  	_ =	swait.ge [sflag:s16], $0x80  }
0x25: {  	[sflag:s16] =	ssyncset.done $0x0  }
0x26: {  	s0 =	simm.s32 $0x0;
	[sflag:s16] =	ssyncadd.s32 $0xFFFFFF80  }
.LBB2_2:
0x27: {  	p0 =	sne.s32 s0, $0x6400  }
.Ltmp0:
0x28: {  	_ = 	snop;
	(pc) =	sbr.rel @p0 .LBB2_2-.Ltmp0, $3  }
0x29: {  	_ =	sdelay $0x1  }
0x2a: {  	s2 =	sshra.s32 s0, $0x2  }
0x2b: {  	s0 =	sadd.s32 $0x40, s0;
	[tilespmem:s2+$0x3200] =	vst v1  }
0x2c: {  	v3 =	vor.u32 s12, v0  }
0x2d: {  	v4 =	vshrl.u32 v3, $0x3  }
0x2e: {  	v4 =	vmul.u32 $0xA3D8, v4;
	_ =	sdelay $0x1  }
0x2f: {  	v4 =	vshrl.u32 v4, $0x14;
	_ =	sdelay $0x4  }
0x30: {  	v5 =	vld.idx.msk [tilespmem:v4+s14+$0x0], $0xffff;
	_ =	sdelay $0x1  }
0x31: {  	v4 =	vmul.u32 $0xFFFFFF38, v4;
	_ =	sdelay $0x1  }
0x32: {  	v3 =	vadd.s32 v3, v4  }
0x33: {  	s0 =	simm.s32 $0x0;
	v3 =	vsub.s32 v3, v5  }
0x34: {  	s2 =	smul.u32 $0xCCCD, s0;
	v4 =	vshrl.u32 v3, $0x1F  }
0x35: {  	(xrf0) =	vadd.scan.msk.s32 $0xffff, v4  }
0x36: {  	s2 =	sshrl.u32 s2, $0x14  }
0x37: {  	s8 =	smul.u32 $0x14, s2;
	_ =	sdelay $0x1  }
0x38: {  	s8 =	ssub.s32 $0x0, s8  }
0x39: {  	s18 =	sand.u32 $0xFFFF, s8  }
0x3a: {  	s13 =	simm.s32 $0x0;
	p0 =	seq.s32 s18, $0x0;
	v5, _, _ =	vpop (xrf0)  }
0x3b: {  	s10 =	simm.s32 $0x1900;
	s13 =	simm.s32 @p0 $0x0;
	v6 =	vshra.s32 v3, $0x1F;
	(v2sf) =	vpush v5, $0xF  }
0x3c: {  	v7 =	vld [tilespmem:s10+$0x0];
	s9 =	smul.u32 $0x140, s2;
	v6 =	vadd.s32 s13, v6  }
0x3d: {  	v8 =	vxor.u32 $0x1, v4;
	v5 =	vadd.s32 v5, v6  }
0x3e: {  	vm0 =	vlt.s32 v3, $0x0;
	v8 =	vmul.u32 $0x1900, v8;
	v6 =	vld [tilespmem:s0+$0x0];
	v3 =	vadd.s32 s9, v5  }
0x3f: {  	v3 =	vnsel vm0, $0x0, v3  }
0x40: {  	s20 =	sadd.s32 $0x10, s12;
	v3 =	vadd.s32 v8, v3  }
0x41: {  	v62 =	vor.u32 s20, v0;
	v9 =	vmul.u32 $0x186A0, v7  }
0x42: {  	v10 =	vshrl.u32 v62, $0x3  }
0x43: {  	v10 =	vmul.u32 $0xA3D8, v10;
	v6 =	vadd.s32 v6, v9  }
0x44: {  	v6 =	vnsel vm0, $0x0, v6  }
0x45: {  	v63 =	vshrl.u32 v10, $0x14;
	[tilespmem:v3+s17+$0x0] =	vst.idx.msk $0xffff, v6  }
0x46: {  	v3 =	vshll.u32 v7, $0x6;
	[tilespmem:s0+$0x0] =	vst v5;
	v5 =	vcvt.s32.f32 v4  }
0x47: {  	s11 =	simm.s32 $0x4B10;
	[tilespmem:s10+$0x0] =	vst v3  }
0x48: {  	s30 =	simm.s32 $0x6410;
	[tilespmem:s11+$0x0] =	vst v5  }
0x49: {  	s21 =	simm.s32 $0x1;
	s8 =	simm.s32 $0x6420;
	v3 =	vmul.u32 $0xFFFFFF38, v63;
	[tilespmem:s30+$0x0] =	vst v4  }
0x4a: {  	p1 =	sne.s32 s18, $0x13;
	s18 =	simm.s32 $0x1910;
	v4 =	vld.idx.msk [tilespmem:v63+s14+$0x0], $0xffff;
	s11 =	spop (v2sf)  }
0x4b: {  	s9 =	simm.s32 $0x4B20;
	s10 =	simm.s32 $0x2;
	v3 =	vadd.s32 v62, v3;
	s13 =	sadd.s32 s13, s11  }
.LBB2_4:
0x4c: {  	[smem:s2] =	sst @!p1 s13  }
0x4d: {  	s0 =	sadd.s32 $0x10, s0;
	s11 =	smov.u32 s10;
	s10 =	sadd.s32 $0x1, s10  }
0x4e: {  	s2 =	smul.u32 $0xCCCD, s21;
	p0 =	sne.s32 s10, $0x190  }
0x4f: {  	v3 =	vsub.s32 v3, v4  }
0x50: {  	v4 =	vshra.s32 v3, $0x1F;
	v5 =	vshrl.u32 v3, $0x1F;
	s2 =	sshrl.u32 s2, $0x14  }
0x51: {  	s30 =	smul.u32 $0x14, s2;
	v6 =	vxor.u32 $0x1, v5;
	(xrf0) =	vadd.scan.msk.s32 $0xffff, v5;
	_ =	sdelay $0x1  }
0x52: {  	s30 =	ssub.s32 s21, s30;
	s21 =	smov.u32 s11  }
0x53: {  	s11 =	sand.u32 $0xFFFF, s30  }
0x54: {  	p1 =	seq.s32 s11, $0x0  }
0x55: {  	s13 =	simm.s32 @p1 $0x0  }
0x56: {  	s30 =	smul.u32 $0x140, s2;
	v4 =	vadd.s32 s13, v4;
	v7 =	vld [tilespmem:s18+$0x0];
	v8, _, _ =	vpop (xrf0)  }
0x57: {  	v4 =	vadd.s32 v8, v4;
	(v2sf) =	vpush v8, $0xF  }
0x58: {  	vm0 =	vlt.s32 v3, $0x0;
	v6 =	vmul.u32 $0x1900, v6;
	v8 =	vld [tilespmem:s0+$0x0];
	v3 =	vadd.s32 s30, v4  }
0x59: {  	v3 =	vnsel vm0, $0x0, v3  }
0x5a: {  	s20 =	sadd.s32 $0x10, s20;
	v3 =	vadd.s32 v6, v3  }
0x5b: {  	v6 =	vor.u32 s20, v0;
	v9 =	vmul.u32 $0x186A0, v7  }
0x5c: {  	v10 =	vshrl.u32 v6, $0x3  }
0x5d: {  	v10 =	vmul.u32 $0xA3D8, v10;
	v8 =	vadd.s32 v8, v9  }
0x5e: {  	v8 =	vnsel vm0, $0x0, v8  }
0x5f: {  	v9 =	vshrl.u32 v10, $0x14;
	[tilespmem:v3+s17+$0x0] =	vst.idx.msk $0xffff, v8  }
0x60: {  	v3 =	vmul.u32 $0xFFFFFF38, v9;
	[tilespmem:s0+$0x0] =	vst v4;
	v4 =	vshll.u32 v7, $0x6;
	v7 =	vcvt.s32.f32 v5  }
0x61: {  	[tilespmem:s18+$0x0] =	vst v4  }
0x62: {  	v3 =	vadd.s32 v6, v3;
	[tilespmem:s9+$0x0] =	vst v7  }
.Ltmp1:
0x63: {  	[tilespmem:s8+$0x0] =	vst v5;
	(pc) =	sbr.rel @p0 .LBB2_4-.Ltmp1, $3  }
0x64: {  	v4 =	vld.idx.msk [tilespmem:v9+s14+$0x0], $0xffff;
	_ =	sdelay $0x1  }
0x65: {  	s9 =	sadd.s32 $0x10, s9;
	s8 =	sadd.s32 $0x10, s8;
	s30 =	spop (v2sf)  }
0x66: {  	p1 =	sne.s32 s11, $0x13;
	s18 =	sadd.s32 $0x10, s18;
	s13 =	sadd.s32 s13, s30  }
0x67: {  	_ = 	snop  }
0x68: {  	v3 =	vsub.s32 v3, v4  }
0x69: {  	v4 =	vshrl.u32 v3, $0x1F  }
0x6a: {  	(xrf0) =	vadd.scan.msk.s32 $0xffff, v4;
	_ =	sdelay $0x3  }
0x6b: {  	s10 =	smul.u32 $0xCCCD, s21;
	_ =	sdelay $0x1  }
0x6c: {  	s10 =	sshrl.u32 s10, $0x14;
	v5, _, _ =	vpop (xrf0)  }
0x6d: {  	s11 =	smul.u32 $0x14, s10;
	(v2sf) =	vpush v5, $0xF;
	_ =	sdelay $0x1  }
0x6e: {  	s11 =	ssub.s32 s21, s11  }
0x6f: {  	s11 =	sand.u32 $0xFFFF, s11  }
0x70: {  	p0 =	seq.s32 s11, $0x0  }
0x71: {  	[smem:s2] =	sst @!p1 s13;
	v6 =	vshra.s32 v3, $0x1F;
	s13 =	simm.s32 @p0 $0x0  }
0x72: {  	v7 =	vld [tilespmem:s18+$0x0];
	s30 =	smul.u32 $0x140, s10;
	v6 =	vadd.s32 s13, v6  }
0x73: {  	s0 =	sadd.s32 $0x10, s0;
	v8 =	vxor.u32 $0x1, v4;
	v5 =	vadd.s32 v5, v6  }
0x74: {  	v61 =	vld [tilespmem:s0+$0x0];
	vm0 =	vlt.s32 v3, $0x0;
	v8 =	vmul.u32 $0x1900, v8;
	v3 =	vadd.s32 s30, v5  }
0x75: {  	v3 =	vnsel vm0, $0x0, v3  }
0x76: {  	v3 =	vadd.s32 v8, v3  }
0x77: {  	v62 =	vmul.u32 $0x186A0, v7;
	_ =	sdelay $0x1  }
0x78: {  	v6 =	vadd.s32 v61, v62  }
0x79: {  	v6 =	vnsel vm0, $0x0, v6  }
0x7a: {  	[tilespmem:v3+s17+$0x0] =	vst.idx.msk $0xffff, v6;
	s20 =	spop (v2sf)  }
0x7b: {  	v63 =	vcvt.s32.f32 v4;
	p0 =	sne.s32 s11, $0x13;
	v3 =	vshll.u32 v7, $0x6;
	[tilespmem:s0+$0x0] =	vst v5;
	s0 =	sadd.s32 s13, s20  }
0x7c: {  	[tilespmem:s18+$0x0] =	vst v3;
	[smem:s10] =	sst @!p0 s0  }
0x7d: {  	[tilespmem:s9+$0x0] =	vst v63;
	s0 =	sld [smem:$0x0]  }
0x7e: {  	s21 =	rddreg [dreg:$0xa];
	s30 =	simm.s32 $0x6410;
	[tilespmem:s8+$0x0] =	vst v4  }
0x7f: {  	[hbm4b:s21+s5] =	stream.linear.scatter [tilespmem:s30], [sflag:$0x2], $0x1900, $0x38;
	[tilespmem:$0x1C190] =	vst v63  }
0x80: {  	p0 =	slt.s32 s0, $0x1  }
0x81: {  	s2 =	simm.s32 @!p0 $0x10  }
0x82: {  	s8 =	simm.s32 @!p0 $0x3200;
	s9 =	simm.s32 @!p0 $0x8190;
	p1 =	slt.u32 @!p0 s0, $0x11  }
0x83: {  	[tilespmem:s9], [sflag:$0x3] =	stream.indirect.gather @!p0 [hbm4b:s7+s2], $0x40, s8, s2, $0xb8;
	[tilespmem:$0x1C190] =	vst v63  }
0x84: {  	p0 =	por p0, p1  }
0x85: {  	s2 =	simm.s32 @!p0 $0x10  }
0x86: {  	s8 =	simm.s32 @!p0 $0x3210;
	s9 =	simm.s32 @!p0 $0x8590;
	p1 =	slt.u32 @!p0 s0, $0x21  }
0x87: {  	[tilespmem:s9], [sflag:$0x3] =	stream.indirect.gather @!p0 [hbm4b:s7+s2], $0x40, s8, s2, $0xb8;
	[tilespmem:$0x1C190] =	vst v63  }
0x88: {  	p0 =	por p0, p1  }
0x89: {  	s2 =	simm.s32 @!p0 $0x10  }
0x8a: {  	s8 =	simm.s32 @!p0 $0x3220;
	s9 =	simm.s32 @!p0 $0x8990;
	p1 =	slt.u32 @!p0 s0, $0x31  }
0x8b: {  	[tilespmem:s9], [sflag:$0x3] =	stream.indirect.gather @!p0 [hbm4b:s7+s2], $0x40, s8, s2, $0xb8;
	[tilespmem:$0x1C190] =	vst v63  }
0x8c: {  	p0 =	por p0, p1  }
0x8d: {  	s2 =	simm.s32 @!p0 $0x10  }
0x8e: {  	s8 =	simm.s32 @!p0 $0x3230;
	s9 =	simm.s32 @!p0 $0x8D90;
	p1 =	slt.u32 @!p0 s0, $0x41  }
0x8f: {  	[tilespmem:s9], [sflag:$0x3] =	stream.indirect.gather @!p0 [hbm4b:s7+s2], $0x40, s8, s2, $0xb8;
	[tilespmem:$0x1C190] =	vst v63  }
0x90: {  	p0 =	por p0, p1  }
0x91: {  	s2 =	simm.s32 @!p0 $0x10  }
0x92: {  	s8 =	simm.s32 @!p0 $0x3240;
	s9 =	simm.s32 @!p0 $0x9190;
	p1 =	slt.u32 @!p0 s0, $0x51  }
0x93: {  	[tilespmem:s9], [sflag:$0x3] =	stream.indirect.gather @!p0 [hbm4b:s7+s2], $0x40, s8, s2, $0xb8;
	[tilespmem:$0x1C190] =	vst v63  }
0x94: {  	p0 =	por p0, p1  }
0x95: {  	s2 =	simm.s32 @!p0 $0x10  }
0x96: {  	s8 =	simm.s32 @!p0 $0x3250;
	s9 =	simm.s32 @!p0 $0x9590;
	p1 =	slt.u32 @!p0 s0, $0x61  }
0x97: {  	[tilespmem:s9], [sflag:$0x3] =	stream.indirect.gather @!p0 [hbm4b:s7+s2], $0x40, s8, s2, $0xb8;
	[tilespmem:$0x1C190] =	vst v63  }
0x98: {  	p0 =	por p0, p1  }
0x99: {  	s2 =	simm.s32 @!p0 $0x10  }
0x9a: {  	s8 =	simm.s32 @!p0 $0x3260;
	s9 =	simm.s32 @!p0 $0x9990;
	p1 =	slt.u32 @!p0 s0, $0x71  }
0x9b: {  	[tilespmem:s9], [sflag:$0x3] =	stream.indirect.gather @!p0 [hbm4b:s7+s2], $0x40, s8, s2, $0xb8;
	[tilespmem:$0x1C190] =	vst v63  }
0x9c: {  	p0 =	por p0, p1  }
0x9d: {  	s2 =	simm.s32 @!p0 $0x10  }
0x9e: {  	s8 =	simm.s32 @!p0 $0x3270;
	s9 =	simm.s32 @!p0 $0x9D90;
	p1 =	slt.u32 @!p0 s0, $0x81  }
0x9f: {  	[tilespmem:s9], [sflag:$0x3] =	stream.indirect.gather @!p0 [hbm4b:s7+s2], $0x40, s8, s2, $0xb8;
	[tilespmem:$0x1C190] =	vst v63  }
0xa0: {  	p0 =	por p0, p1  }
0xa1: {  	s2 =	simm.s32 @!p0 $0x10  }
0xa2: {  	s8 =	simm.s32 @!p0 $0x3280;
	s9 =	simm.s32 @!p0 $0xA190;
	p1 =	slt.u32 @!p0 s0, $0x91  }
0xa3: {  	[tilespmem:s9], [sflag:$0x3] =	stream.indirect.gather @!p0 [hbm4b:s7+s2], $0x40, s8, s2, $0xb8;
	[tilespmem:$0x1C190] =	vst v63  }
0xa4: {  	p0 =	por p0, p1  }
0xa5: {  	s2 =	simm.s32 @!p0 $0x10  }
0xa6: {  	s8 =	simm.s32 @!p0 $0x3290;
	s9 =	simm.s32 @!p0 $0xA590;
	p1 =	slt.u32 @!p0 s0, $0xA1  }
0xa7: {  	[tilespmem:s9], [sflag:$0x3] =	stream.indirect.gather @!p0 [hbm4b:s7+s2], $0x40, s8, s2, $0xb8;
	[tilespmem:$0x1C190] =	vst v63  }
0xa8: {  	p0 =	por p0, p1  }
0xa9: {  	s2 =	simm.s32 @!p0 $0x10  }
0xaa: {  	s8 =	simm.s32 @!p0 $0x32A0;
	s9 =	simm.s32 @!p0 $0xA990;
	p1 =	slt.u32 @!p0 s0, $0xB1  }
0xab: {  	[tilespmem:s9], [sflag:$0x3] =	stream.indirect.gather @!p0 [hbm4b:s7+s2], $0x40, s8, s2, $0xb8;
	[tilespmem:$0x1C190] =	vst v63  }
0xac: {  	p0 =	por p0, p1  }
0xad: {  	s2 =	simm.s32 @!p0 $0x10  }
0xae: {  	s8 =	simm.s32 @!p0 $0x32B0;
	s9 =	simm.s32 @!p0 $0xAD90;
	p1 =	slt.u32 @!p0 s0, $0xC1  }
0xaf: {  	[tilespmem:s9], [sflag:$0x3] =	stream.indirect.gather @!p0 [hbm4b:s7+s2], $0x40, s8, s2, $0xb8;
	[tilespmem:$0x1C190] =	vst v63  }
0xb0: {  	p0 =	por p0, p1  }
0xb1: {  	s2 =	simm.s32 @!p0 $0x10  }
0xb2: {  	s8 =	simm.s32 @!p0 $0x32C0;
	s9 =	simm.s32 @!p0 $0xB190;
	p1 =	slt.u32 @!p0 s0, $0xD1  }
0xb3: {  	[tilespmem:s9], [sflag:$0x3] =	stream.indirect.gather @!p0 [hbm4b:s7+s2], $0x40, s8, s2, $0xb8;
	[tilespmem:$0x1C190] =	vst v63  }
0xb4: {  	p0 =	por p0, p1  }
0xb5: {  	s2 =	simm.s32 @!p0 $0x10  }
0xb6: {  	s8 =	simm.s32 @!p0 $0x32D0;
	s9 =	simm.s32 @!p0 $0xB590;
	p1 =	slt.u32 @!p0 s0, $0xE1  }
0xb7: {  	[tilespmem:s9], [sflag:$0x3] =	stream.indirect.gather @!p0 [hbm4b:s7+s2], $0x40, s8, s2, $0xb8;
	[tilespmem:$0x1C190] =	vst v63  }
0xb8: {  	p0 =	por p0, p1  }
.Ltmp2:
0xb9: {  	_ = 	snop;
	(pc) =	sbr.rel @p0 .LBB2_7-.Ltmp2, $1  }
0xba: {  	_ =	sdelay $0x3  }
0xbb: {  	s2 =	simm.s32 $0x32E0;
	s8 =	simm.s32 $0xB990;
	p0 =	slt.u32 s0, $0xF1  }
0xbc: {  	[tilespmem:s8], [sflag:$0x3] =	stream.indirect.gather [hbm4b:s7+s19], $0x40, s2, s19, $0xb8;
	[tilespmem:$0x1C190] =	vst v63  }
0xbd: {  	s2 =	simm.s32 @!p0 $0x10;
	p1 =	slt.u32 @!p0 s0, $0x101  }
0xbe: {  	s8 =	simm.s32 @!p0 $0x32F0;
	s9 =	simm.s32 @!p0 $0xBD90;
	p2 =	por p1, p0  }
0xbf: {  	[tilespmem:s9], [sflag:$0x3] =	stream.indirect.gather @!p0 [hbm4b:s7+s2], $0x40, s8, s2, $0xb8;
	[tilespmem:$0x1C190] =	vst v63  }
0xc0: {  	s2 =	simm.s32 @!p2 $0x10;
	p3 =	slt.u32 @!p2 s0, $0x111  }
0xc1: {  	s8 =	simm.s32 @!p2 $0x3300;
	s9 =	simm.s32 @!p2 $0xC190;
	p4 =	por @!p0 p3, p1  }
0xc2: {  	[tilespmem:s9], [sflag:$0x3] =	stream.indirect.gather @!p2 [hbm4b:s7+s2], $0x40, s8, s2, $0xb8;
	[tilespmem:$0x1C190] =	vst v63  }
0xc3: {  	p4 =	por p4, p0  }
0xc4: {  	s2 =	simm.s32 @!p4 $0x10  }
0xc5: {  	s8 =	simm.s32 @!p4 $0x3310;
	s9 =	simm.s32 @!p4 $0xC590;
	p5 =	slt.u32 @!p4 s0, $0x121  }
0xc6: {  	[tilespmem:s9], [sflag:$0x3] =	stream.indirect.gather @!p4 [hbm4b:s7+s2], $0x40, s8, s2, $0xb8;
	[tilespmem:$0x1C190] =	vst v63  }
0xc7: {  	p6 =	por @!p2 p5, p3  }
0xc8: {  	p6 =	por @!p0 p6, p1  }
0xc9: {  	p6 =	por p6, p0  }
0xca: {  	s2 =	simm.s32 @!p6 $0x10;
	s8 =	simm.s32 @!p6 $0x3320;
	s9 =	simm.s32 @!p6 $0xC990  }
0xcb: {  	[tilespmem:s9], [sflag:$0x3] =	stream.indirect.gather @!p6 [hbm4b:s7+s2], $0x40, s8, s2, $0xb8;
	[tilespmem:$0x1C190] =	vst v63  }
0xcc: {  	p6 =	slt.u32 @!p6 s0, $0x131  }
0xcd: {  	p4 =	por @!p4 p6, p5  }
0xce: {  	p2 =	por @!p2 p4, p3  }
0xcf: {  	p1 =	por @!p0 p2, p1  }
0xd0: {  	p0 =	por p1, p0  }
0xd1: {  	s0 =	simm.s32 @!p0 $0x10;
	s2 =	simm.s32 @!p0 $0x3330;
	s8 =	simm.s32 @!p0 $0xCD90  }
0xd2: {  	[tilespmem:s8], [sflag:$0x3] =	stream.indirect.gather @!p0 [hbm4b:s7+s0], $0x40, s2, s0, $0xb8;
	[tilespmem:$0x1C190] =	vst v63  }
.LBB2_7:
0xd3: {  	s20 =	simm.s32 $0x0  }
.LBB2_8:
0xd4: {  	s21 =	sshllo.u32 s20, $0x1  }
0xd5: {  	s0 =	sld [smem:s21+$0x0];
	_ =	sdelay $0x2  }
0xd6: {  	p0 =	slt.s32 s0, $0x1  }
0xd7: {  	s2 =	smul.u32 @!p0 $0x500, s21;
	_ =	sdelay $0x1  }
0xd8: {  	s2 =	sshra.s32 @!p0 s2, $0x2  }
0xd9: {  	s9 =	simm.s32 @!p0 $0x10;
	s10 =	simm.s32 @!p0 $0xD190;
	s8 =	sadd.s32 @!p0 $0x3200, s2  }
0xda: {  	[tilespmem:s10], [sflag:$0x4] =	stream.indirect.gather @!p0 [hbm4b:s7+s9], $0x40, s8, s9, $0xb8;
	[tilespmem:$0x1C190] =	vst v63  }
0xdb: {  	s8 =	simm.s32 @!p0 $0x0  }
0xdc: {  	p1 =	slt.u32 @!p0 s0, $0x11;
	s8 =	simm.s32 @p0 $0x1  }
0xdd: {  	p0 =	por p0, p1;
	[smem:$0x7ED] =	sst s8  }
0xde: {  	s8 =	sadd.s32 @!p0 $0x3210, s2;
	s9 =	simm.s32 @!p0 $0x10;
	s10 =	simm.s32 @!p0 $0xD590  }
0xdf: {  	[tilespmem:s10], [sflag:$0x4] =	stream.indirect.gather @!p0 [hbm4b:s7+s9], $0x40, s8, s9, $0xb8;
	[tilespmem:$0x1C190] =	vst v63  }
0xe0: {  	s8 =	simm.s32 @!p0 $0x0  }
0xe1: {  	p1 =	slt.u32 @!p0 s0, $0x21;
	s8 =	simm.s32 @p0 $0x1  }
0xe2: {  	p0 =	por p0, p1;
	[smem:$0x7EE] =	sst s8  }
0xe3: {  	s8 =	sadd.s32 @!p0 $0x3220, s2;
	s9 =	simm.s32 @!p0 $0x10;
	s10 =	simm.s32 @!p0 $0xD990  }
0xe4: {  	[tilespmem:s10], [sflag:$0x4] =	stream.indirect.gather @!p0 [hbm4b:s7+s9], $0x40, s8, s9, $0xb8;
	[tilespmem:$0x1C190] =	vst v63  }
0xe5: {  	s8 =	simm.s32 @!p0 $0x0  }
0xe6: {  	p1 =	slt.u32 @!p0 s0, $0x31;
	s8 =	simm.s32 @p0 $0x1  }
0xe7: {  	p0 =	por p0, p1;
	[smem:$0x7EF] =	sst s8  }
0xe8: {  	s8 =	sadd.s32 @!p0 $0x3230, s2;
	s9 =	simm.s32 @!p0 $0x10;
	s10 =	simm.s32 @!p0 $0xDD90  }
0xe9: {  	[tilespmem:s10], [sflag:$0x4] =	stream.indirect.gather @!p0 [hbm4b:s7+s9], $0x40, s8, s9, $0xb8;
	[tilespmem:$0x1C190] =	vst v63  }
0xea: {  	s8 =	simm.s32 @!p0 $0x0  }
0xeb: {  	p1 =	slt.u32 @!p0 s0, $0x41;
	s8 =	simm.s32 @p0 $0x1  }
0xec: {  	p0 =	por p0, p1;
	[smem:$0x7F0] =	sst s8  }
0xed: {  	s8 =	sadd.s32 @!p0 $0x3240, s2;
	s9 =	simm.s32 @!p0 $0x10;
	s10 =	simm.s32 @!p0 $0xE190  }
0xee: {  	[tilespmem:s10], [sflag:$0x4] =	stream.indirect.gather @!p0 [hbm4b:s7+s9], $0x40, s8, s9, $0xb8;
	[tilespmem:$0x1C190] =	vst v63  }
0xef: {  	s8 =	simm.s32 @!p0 $0x0  }
0xf0: {  	p1 =	slt.u32 @!p0 s0, $0x51;
	s8 =	simm.s32 @p0 $0x1  }
0xf1: {  	p0 =	por p0, p1;
	[smem:$0x7F1] =	sst s8  }
0xf2: {  	s8 =	sadd.s32 @!p0 $0x3250, s2;
	s9 =	simm.s32 @!p0 $0x10;
	s10 =	simm.s32 @!p0 $0xE590  }
0xf3: {  	[tilespmem:s10], [sflag:$0x4] =	stream.indirect.gather @!p0 [hbm4b:s7+s9], $0x40, s8, s9, $0xb8;
	[tilespmem:$0x1C190] =	vst v63  }
0xf4: {  	s8 =	simm.s32 @!p0 $0x0  }
0xf5: {  	p1 =	slt.u32 @!p0 s0, $0x61;
	s8 =	simm.s32 @p0 $0x1  }
0xf6: {  	p0 =	por p0, p1;
	[smem:$0x7F2] =	sst s8  }
0xf7: {  	s8 =	sadd.s32 @!p0 $0x3260, s2;
	s9 =	simm.s32 @!p0 $0x10;
	s10 =	simm.s32 @!p0 $0xE990  }
0xf8: {  	[tilespmem:s10], [sflag:$0x4] =	stream.indirect.gather @!p0 [hbm4b:s7+s9], $0x40, s8, s9, $0xb8;
	[tilespmem:$0x1C190] =	vst v63  }
0xf9: {  	s8 =	simm.s32 @!p0 $0x0  }
0xfa: {  	p1 =	slt.u32 @!p0 s0, $0x71;
	s8 =	simm.s32 @p0 $0x1  }
0xfb: {  	p0 =	por p0, p1;
	[smem:$0x7F3] =	sst s8  }
0xfc: {  	s8 =	sadd.s32 @!p0 $0x3270, s2;
	s9 =	simm.s32 @!p0 $0x10;
	s10 =	simm.s32 @!p0 $0xED90  }
0xfd: {  	[tilespmem:s10], [sflag:$0x4] =	stream.indirect.gather @!p0 [hbm4b:s7+s9], $0x40, s8, s9, $0xb8;
	[tilespmem:$0x1C190] =	vst v63  }
0xfe: {  	s8 =	simm.s32 @!p0 $0x0  }
0xff: {  	p1 =	slt.u32 @!p0 s0, $0x81;
	s8 =	simm.s32 @p0 $0x1  }
0x100: {  	p0 =	por p0, p1;
	[smem:$0x7F4] =	sst s8  }
0x101: {  	s8 =	sadd.s32 @!p0 $0x3280, s2;
	s9 =	simm.s32 @!p0 $0x10;
	s10 =	simm.s32 @!p0 $0xF190  }
0x102: {  	[tilespmem:s10], [sflag:$0x4] =	stream.indirect.gather @!p0 [hbm4b:s7+s9], $0x40, s8, s9, $0xb8;
	[tilespmem:$0x1C190] =	vst v63  }
0x103: {  	s8 =	simm.s32 @!p0 $0x0  }
0x104: {  	p1 =	slt.u32 @!p0 s0, $0x91;
	s8 =	simm.s32 @p0 $0x1  }
0x105: {  	p0 =	por p0, p1;
	[smem:$0x7F5] =	sst s8  }
0x106: {  	s8 =	sadd.s32 @!p0 $0x3290, s2;
	s9 =	simm.s32 @!p0 $0x10;
	s10 =	simm.s32 @!p0 $0xF590  }
0x107: {  	[tilespmem:s10], [sflag:$0x4] =	stream.indirect.gather @!p0 [hbm4b:s7+s9], $0x40, s8, s9, $0xb8;
	[tilespmem:$0x1C190] =	vst v63  }
0x108: {  	s8 =	simm.s32 @!p0 $0x0  }
0x109: {  	p1 =	slt.u32 @!p0 s0, $0xA1;
	s8 =	simm.s32 @p0 $0x1  }
0x10a: {  	p0 =	por p0, p1;
	[smem:$0x7F6] =	sst s8  }
0x10b: {  	s8 =	sadd.s32 @!p0 $0x32A0, s2;
	s9 =	simm.s32 @!p0 $0x10;
	s10 =	simm.s32 @!p0 $0xF990  }
0x10c: {  	[tilespmem:s10], [sflag:$0x4] =	stream.indirect.gather @!p0 [hbm4b:s7+s9], $0x40, s8, s9, $0xb8;
	[tilespmem:$0x1C190] =	vst v63  }
0x10d: {  	s8 =	simm.s32 @!p0 $0x0  }
0x10e: {  	p1 =	slt.u32 @!p0 s0, $0xB1;
	s8 =	simm.s32 @p0 $0x1  }
0x10f: {  	p0 =	por p0, p1;
	[smem:$0x7F7] =	sst s8  }
0x110: {  	s8 =	sadd.s32 @!p0 $0x32B0, s2;
	s9 =	simm.s32 @!p0 $0x10;
	s10 =	simm.s32 @!p0 $0xFD90  }
0x111: {  	[tilespmem:s10], [sflag:$0x4] =	stream.indirect.gather @!p0 [hbm4b:s7+s9], $0x40, s8, s9, $0xb8;
	[tilespmem:$0x1C190] =	vst v63  }
0x112: {  	s8 =	simm.s32 @!p0 $0x0  }
0x113: {  	p1 =	slt.u32 @!p0 s0, $0xC1;
	s8 =	simm.s32 @p0 $0x1  }
0x114: {  	p0 =	por p0, p1;
	[smem:$0x7F8] =	sst s8  }
0x115: {  	s8 =	sadd.s32 @!p0 $0x32C0, s2;
	s9 =	simm.s32 @!p0 $0x10;
	s10 =	simm.s32 @!p0 $0x10190  }
0x116: {  	[tilespmem:s10], [sflag:$0x4] =	stream.indirect.gather @!p0 [hbm4b:s7+s9], $0x40, s8, s9, $0xb8;
	[tilespmem:$0x1C190] =	vst v63  }
0x117: {  	s8 =	simm.s32 @!p0 $0x0  }
0x118: {  	p1 =	slt.u32 @!p0 s0, $0xD1;
	s8 =	simm.s32 @p0 $0x1  }
0x119: {  	p0 =	por p0, p1;
	[smem:$0x7F9] =	sst s8  }
0x11a: {  	s8 =	sadd.s32 @!p0 $0x32D0, s2;
	s9 =	simm.s32 @!p0 $0x10;
	s10 =	simm.s32 @!p0 $0x10590  }
0x11b: {  	[tilespmem:s10], [sflag:$0x4] =	stream.indirect.gather @!p0 [hbm4b:s7+s9], $0x40, s8, s9, $0xb8;
	[tilespmem:$0x1C190] =	vst v63  }
0x11c: {  	p1 =	slt.u32 @!p0 s0, $0xE1;
	s8 =	simm.s32 @!p0 $0x0  }
0x11d: {  	p1 =	por p0, p1;
	s8 =	simm.s32 @p0 $0x1;
	p0 =	slt.u32 s0, $0xF1  }
0x11e: {  	[smem:$0x7FA] =	sst s8;
	s8 =	simm.s32 @!p0 $0x0  }
0x11f: {  	s8 =	simm.s32 @p0 $0x1;
	p0 =	slt.u32 @!p0 s0, $0x101  }
.Ltmp3:
0x120: {  	[smem:$0x7FB] =	sst s8;
	s8 =	simm.s32 @!p0 $0x0;
	(pc) =	sbr.rel @p1 .LBB2_10-.Ltmp3, $4  }
0x121: {  	s8 =	simm.s32 @p0 $0x1  }
0x122: {  	[smem:$0x7FC] =	sst s8;
	s8 =	simm.s32 @!p1 $0x0  }
0x123: {  	s8 =	simm.s32 @p1 $0x1  }
0x124: {  	[smem:$0x7FD] =	sst s8  }
0x125: {  	s18 =	sld [smem:$0x7FB]  }
0x126: {  	s8 =	sadd.s32 $0x32E0, s2;
	s30 =	sld [smem:$0x7FC]  }
0x127: {  	[tilespmem:s22], [sflag:$0x4] =	stream.indirect.gather [hbm4b:s7+s19], $0x40, s8, s19, $0xb8;
	[tilespmem:$0x1C190] =	vst v63  }
0x128: {  	p0 =	seq.s32 s18, $0x1  }
0x129: {  	p1 =	seq.s32 s30, $0x1;
	s8 =	sadd.s32 @!p0 $0x32F0, s2  }
0x12a: {  	s9 =	simm.s32 @!p0 $0x10;
	s10 =	simm.s32 @!p0 $0x10D90;
	p2 =	por p1, p0  }
0x12b: {  	[tilespmem:s10], [sflag:$0x4] =	stream.indirect.gather @!p0 [hbm4b:s7+s9], $0x40, s8, s9, $0xb8;
	[tilespmem:$0x1C190] =	vst v63  }
0x12c: {  	s8 =	sadd.s32 @!p2 $0x3300, s2;
	p3 =	slt.u32 @!p2 s0, $0x111  }
0x12d: {  	s9 =	simm.s32 @!p2 $0x10;
	s10 =	simm.s32 @!p2 $0x11190;
	p4 =	por @!p0 p3, p1  }
0x12e: {  	[tilespmem:s10], [sflag:$0x4] =	stream.indirect.gather @!p2 [hbm4b:s7+s9], $0x40, s8, s9, $0xb8;
	[tilespmem:$0x1C190] =	vst v63  }
0x12f: {  	p4 =	por p4, p0  }
0x130: {  	s8 =	sadd.s32 @!p4 $0x3310, s2  }
0x131: {  	s9 =	simm.s32 @!p4 $0x10;
	s10 =	simm.s32 @!p4 $0x11590;
	p5 =	slt.u32 @!p4 s0, $0x121  }
0x132: {  	[tilespmem:s10], [sflag:$0x4] =	stream.indirect.gather @!p4 [hbm4b:s7+s9], $0x40, s8, s9, $0xb8;
	[tilespmem:$0x1C190] =	vst v63  }
0x133: {  	p6 =	por @!p2 p5, p3  }
0x134: {  	p6 =	por @!p0 p6, p1  }
0x135: {  	p6 =	por p6, p0  }
0x136: {  	s8 =	sadd.s32 @!p6 $0x3320, s2;
	s9 =	simm.s32 @!p6 $0x10;
	s10 =	simm.s32 @!p6 $0x11990  }
0x137: {  	[tilespmem:s10], [sflag:$0x4] =	stream.indirect.gather @!p6 [hbm4b:s7+s9], $0x40, s8, s9, $0xb8;
	[tilespmem:$0x1C190] =	vst v63  }
0x138: {  	p6 =	slt.u32 @!p6 s0, $0x131  }
0x139: {  	p4 =	por @!p4 p6, p5  }
0x13a: {  	p2 =	por @!p2 p4, p3  }
0x13b: {  	p2 =	por @!p0 p2, p1  }
0x13c: {  	p2 =	por p2, p0  }
0x13d: {  	s2 =	sadd.s32 @!p2 $0x3330, s2;
	s8 =	simm.s32 @!p2 $0x10;
	s9 =	simm.s32 @!p2 $0x11D90  }
0x13e: {  	[tilespmem:s9], [sflag:$0x4] =	stream.indirect.gather @!p2 [hbm4b:s7+s8], $0x40, s2, s8, $0xb8;
	[tilespmem:$0x1C190] =	vst v63  }
.LBB2_10:
0x13f: {  	s2 =	sshll.u32 s20, $0x1  }
0x140: {  	s8 =	sld [smem:s2+$0x0];
	_ =	sdelay $0x2  }
0x141: {  	p2 =	slt.s32 s8, $0x1  }
0x142: {  	s9 =	simm.s32 @!p2 $0x3  }
0x143: {  	p3 =	slt.u32 @!p2 s8, $0x11;
	_ =	swait.ge @!p2 [sflag:s9], $0x400  }
0x144: {  	p3 =	por p2, p3;
	[sflag:s9] =	ssyncset.done @!p2 $0x0  }
0x145: {  	[sflag:s9] =	ssyncadd.s32 @!p2 $0xFFFFFC00;
	s9 =	simm.s32 @!p3 $0x3  }
0x146: {  	p2 =	slt.u32 @!p3 s8, $0x21;
	_ =	swait.ge @!p3 [sflag:s9], $0x400  }
0x147: {  	p2 =	por p3, p2;
	[sflag:s9] =	ssyncset.done @!p3 $0x0  }
0x148: {  	[sflag:s9] =	ssyncadd.s32 @!p3 $0xFFFFFC00;
	s9 =	simm.s32 @!p2 $0x3  }
0x149: {  	p3 =	slt.u32 @!p2 s8, $0x31;
	_ =	swait.ge @!p2 [sflag:s9], $0x400  }
0x14a: {  	p3 =	por p2, p3;
	[sflag:s9] =	ssyncset.done @!p2 $0x0  }
0x14b: {  	[sflag:s9] =	ssyncadd.s32 @!p2 $0xFFFFFC00;
	s9 =	simm.s32 @!p3 $0x3  }
0x14c: {  	p2 =	slt.u32 @!p3 s8, $0x41;
	_ =	swait.ge @!p3 [sflag:s9], $0x400  }
0x14d: {  	p2 =	por p3, p2;
	[sflag:s9] =	ssyncset.done @!p3 $0x0  }
0x14e: {  	[sflag:s9] =	ssyncadd.s32 @!p3 $0xFFFFFC00;
	s9 =	simm.s32 @!p2 $0x3  }
0x14f: {  	p3 =	slt.u32 @!p2 s8, $0x51;
	_ =	swait.ge @!p2 [sflag:s9], $0x400  }
0x150: {  	p3 =	por p2, p3;
	[sflag:s9] =	ssyncset.done @!p2 $0x0  }
0x151: {  	[sflag:s9] =	ssyncadd.s32 @!p2 $0xFFFFFC00;
	s9 =	simm.s32 @!p3 $0x3  }
0x152: {  	p2 =	slt.u32 @!p3 s8, $0x61;
	_ =	swait.ge @!p3 [sflag:s9], $0x400  }
0x153: {  	p2 =	por p3, p2;
	[sflag:s9] =	ssyncset.done @!p3 $0x0  }
0x154: {  	[sflag:s9] =	ssyncadd.s32 @!p3 $0xFFFFFC00;
	s9 =	simm.s32 @!p2 $0x3  }
0x155: {  	p3 =	slt.u32 @!p2 s8, $0x71;
	_ =	swait.ge @!p2 [sflag:s9], $0x400  }
0x156: {  	p3 =	por p2, p3;
	[sflag:s9] =	ssyncset.done @!p2 $0x0  }
0x157: {  	[sflag:s9] =	ssyncadd.s32 @!p2 $0xFFFFFC00;
	s9 =	simm.s32 @!p3 $0x3  }
0x158: {  	p2 =	slt.u32 @!p3 s8, $0x81;
	_ =	swait.ge @!p3 [sflag:s9], $0x400  }
0x159: {  	p2 =	por p3, p2;
	[sflag:s9] =	ssyncset.done @!p3 $0x0  }
0x15a: {  	[sflag:s9] =	ssyncadd.s32 @!p3 $0xFFFFFC00;
	s9 =	simm.s32 @!p2 $0x3  }
0x15b: {  	p3 =	slt.u32 @!p2 s8, $0x91;
	_ =	swait.ge @!p2 [sflag:s9], $0x400  }
0x15c: {  	p3 =	por p2, p3;
	[sflag:s9] =	ssyncset.done @!p2 $0x0  }
0x15d: {  	[sflag:s9] =	ssyncadd.s32 @!p2 $0xFFFFFC00;
	s9 =	simm.s32 @!p3 $0x3  }
0x15e: {  	p2 =	slt.u32 @!p3 s8, $0xA1;
	_ =	swait.ge @!p3 [sflag:s9], $0x400  }
0x15f: {  	p2 =	por p3, p2;
	[sflag:s9] =	ssyncset.done @!p3 $0x0  }
0x160: {  	[sflag:s9] =	ssyncadd.s32 @!p3 $0xFFFFFC00;
	s9 =	simm.s32 @!p2 $0x3  }
0x161: {  	p3 =	slt.u32 @!p2 s8, $0xB1;
	_ =	swait.ge @!p2 [sflag:s9], $0x400  }
0x162: {  	p3 =	por p2, p3;
	[sflag:s9] =	ssyncset.done @!p2 $0x0  }
0x163: {  	[sflag:s9] =	ssyncadd.s32 @!p2 $0xFFFFFC00;
	s9 =	simm.s32 @!p3 $0x3  }
0x164: {  	p2 =	slt.u32 @!p3 s8, $0xC1;
	_ =	swait.ge @!p3 [sflag:s9], $0x400  }
0x165: {  	p2 =	por p3, p2;
	[sflag:s9] =	ssyncset.done @!p3 $0x0  }
0x166: {  	[sflag:s9] =	ssyncadd.s32 @!p3 $0xFFFFFC00;
	s9 =	simm.s32 @!p2 $0x3  }
0x167: {  	p3 =	slt.u32 @!p2 s8, $0xD1;
	_ =	swait.ge @!p2 [sflag:s9], $0x400  }
0x168: {  	p3 =	por p2, p3;
	[sflag:s9] =	ssyncset.done @!p2 $0x0  }
0x169: {  	[sflag:s9] =	ssyncadd.s32 @!p2 $0xFFFFFC00;
	p2 =	slt.u32 @!p3 s8, $0xE1  }
0x16a: {  	p2 =	por p3, p2  }
.Ltmp4:
0x16b: {  	_ = 	snop;
	(pc) =	sbr.rel @p2 .LBB2_12-.Ltmp4, $4  }
0x16c: {  	s9 =	simm.s32 @!p3 $0x3  }
0x16d: {  	_ =	swait.ge @!p3 [sflag:s9], $0x400  }
0x16e: {  	[sflag:s9] =	ssyncset.done @!p3 $0x0  }
0x16f: {  	[sflag:s9] =	ssyncadd.s32 @!p3 $0xFFFFFC00  }
0x170: {  	p3 =	slt.u32 s8, $0xF1  }
0x171: {  	p6 =	slt.u32 @!p3 s8, $0x101  }
0x172: {  	p2 =	por p6, p3  }
0x173: {  	_ =	swait.ge [sflag:s23], $0x400;
	p1 =	slt.u32 @!p2 s8, $0x111  }
0x174: {  	[sflag:s23] =	ssyncset.done $0x0;
	s10 =	simm.s32 @!p1 $0x0;
	p5 =	por @!p3 p1, p6  }
0x175: {  	s9 =	simm.s32 @!p3 $0x3;
	s10 =	simm.s32 @p1 $0x1;
	p5 =	por p5, p3  }
0x176: {  	[sflag:s23] =	ssyncadd.s32 $0xFFFFFC00;
	[smem:$0x7EC] =	sst s10;
	p0 =	slt.u32 @!p5 s8, $0x121  }
0x177: {  	_ =	swait.ge @!p3 [sflag:s9], $0x400;
	s10 =	simm.s32 @!p0 $0x0  }
0x178: {  	[sflag:s9] =	ssyncset.done @!p3 $0x0;
	s10 =	simm.s32 @p0 $0x1  }
0x179: {  	[sflag:s9] =	ssyncadd.s32 @!p3 $0xFFFFFC00;
	s9 =	simm.s32 @!p2 $0x3;
	[smem:$0x7EB] =	sst s10  }
0x17a: {  	_ =	swait.ge @!p2 [sflag:s9], $0x400  }
0x17b: {  	[sflag:s9] =	ssyncset.done @!p2 $0x0  }
0x17c: {  	[sflag:s9] =	ssyncadd.s32 @!p2 $0xFFFFFC00;
	s9 =	simm.s32 @!p5 $0x3  }
0x17d: {  	_ =	swait.ge @!p5 [sflag:s9], $0x400  }
0x17e: {  	p1 =	por @!p2 p0, p1;
	s18 =	sld [smem:$0x7EB]  }
0x17f: {  	p1 =	por @!p3 p1, p6;
	s30 =	sld [smem:$0x7EC]  }
0x180: {  	p1 =	por p1, p3  }
0x181: {  	p0 =	slt.u32 @!p1 s8, $0x131;
	p4 =	seq.s32 s18, $0x1  }
0x182: {  	[sflag:s9] =	ssyncset.done @!p5 $0x0;
	p0 =	por @!p5 p0, p4;
	p4 =	seq.s32 s30, $0x1  }
0x183: {  	s8 =	simm.s32 @!p1 $0x3;
	[sflag:s9] =	ssyncadd.s32 @!p5 $0xFFFFFC00;
	p0 =	por @!p2 p0, p4  }
0x184: {  	_ =	swait.ge @!p1 [sflag:s8], $0x400;
	p0 =	por @!p3 p0, p6  }
0x185: {  	[sflag:s8] =	ssyncset.done @!p1 $0x0;
	p0 =	por p0, p3  }
0x186: {  	[sflag:s8] =	ssyncadd.s32 @!p1 $0xFFFFFC00;
	s8 =	simm.s32 @!p0 $0x3  }
0x187: {  	_ =	swait.ge @!p0 [sflag:s8], $0x400  }
0x188: {  	[sflag:s8] =	ssyncset.done @!p0 $0x0  }
0x189: {  	[sflag:s8] =	ssyncadd.s32 @!p0 $0xFFFFFC00  }
.LBB2_12:
0x18a: {  	p2 =	seq.s32 s20, $0x0  }
0x18b: {  	s8 =	simm.s32 @!p2 $0x5  }
0x18c: {  	s13 =	smul.u32 $0x280, s20;
	_ =	swait.ge @!p2 [sflag:s8], $0x5000  }
0x18d: {  	[sflag:s8] =	ssyncset.done @!p2 $0x0  }
0x18e: {  	s18 =	simm.s32 $0x0;
	v3 =	vmov s13;
	[sflag:s8] =	ssyncadd.s32 @!p2 $0xFFFFB000  }
.LBB2_13:
0x18f: {  	_ =	sdelay $0x2  }
0x190: {  	s8 =	sshll.u32 s18, $0x4  }
0x191: {  	v5 =	vld.idx.msk [tilespmem:v3+s8+$0x0 ss:$0x1], $0xffff  }
0x192: {  	v4 =	vld.idx.msk [tilespmem:v3+s8+$0x1900 ss:$0x1], $0xffff;
	_ =	sdelay $0x3  }
0x193: {  	s9 =	simm.s32 $0x0  }
0x194: {  	v5 =	vshll.u32 v5, $0x6;
	v7 =	vadd.s32 s9, v4  }
0x195: {  	v6 =	vor.u32 s9, v5;
	_ =	sdelay $0x3  }
0x196: {  	v10 =	vld.idx.msk [tilespmem:v7+s15+$0x0], $0xffff  }
0x197: {  	v9 =	vld.idx.msk [tilespmem:v6+s24+$0x0], $0xffff  }
0x198: {  	v7 =	vmov s8  }
0x199: {  	s10 =	simm.s32 $0x1;
	v6 =	vld.idx.msk [tilespmem:v3+s8+$0x4B10 ss:$0x1], $0xffff;
	v7 =	vshll.u32 v7, $0x6  }
0x19a: {  	v11 =	vmov s10;
	v7 =	vor.u32 v2, v7  }
0x19b: {  	v11 =	vand.u32 $0x38, v11;
	v8 =	vor.u32 $0x1, v5;
	v12 =	vor.u32 s9, v7  }
0x19c: {  	v9 =	vadd.f32 v10, v9;
	v10 =	vor.u32 v8, v11  }
0x19d: {  	v13 =	vadd.s32 s10, v4  }
0x19e: {  	v9 =	vmul.f32 v9, v6;
	_ =	sdelay $0x1  }
0x19f: {  	[tilespmem:v12+s25+$0x0] =	vst.idx.msk $0xffff, v9  }
0x1a0: {  	v12 =	vld.idx.msk [tilespmem:v10+s24+$0x0], $0xffff  }
0x1a1: {  	v13 =	vld.idx.msk [tilespmem:v13+s15+$0x0], $0xffff;
	_ =	sdelay $0x1  }
0x1a2: {  	s11 =	simm.s32 $0x2  }
0x1a3: {  	v14 =	vmov s11;
	v9 =	vor.u32 $0x1, v7  }
0x1a4: {  	v14 =	vand.u32 $0x38, v14;
	v10 =	vor.u32 $0x2, v5;
	v11 =	vor.u32 v9, v11  }
0x1a5: {  	v12 =	vadd.f32 v13, v12;
	v13 =	vor.u32 v10, v14  }
0x1a6: {  	v15 =	vadd.s32 s11, v4  }
0x1a7: {  	v12 =	vmul.f32 v12, v6;
	_ =	sdelay $0x1  }
0x1a8: {  	[tilespmem:v11+s25+$0x0] =	vst.idx.msk $0xffff, v12  }
0x1a9: {  	v13 =	vld.idx.msk [tilespmem:v13+s24+$0x0], $0xffff  }
0x1aa: {  	v15 =	vld.idx.msk [tilespmem:v15+s15+$0x0], $0xffff;
	_ =	sdelay $0x1  }
0x1ab: {  	s30 =	simm.s32 $0x3  }
0x1ac: {  	v16 =	vmov s30;
	v11 =	vor.u32 $0x2, v7  }
0x1ad: {  	v16 =	vand.u32 $0x38, v16;
	v12 =	vor.u32 $0x3, v5;
	v14 =	vor.u32 v11, v14  }
0x1ae: {  	v13 =	vadd.f32 v15, v13;
	v15 =	vor.u32 v12, v16  }
0x1af: {  	v17 =	vadd.s32 s30, v4  }
0x1b0: {  	v13 =	vmul.f32 v13, v6;
	_ =	sdelay $0x1  }
0x1b1: {  	[tilespmem:v14+s25+$0x0] =	vst.idx.msk $0xffff, v13  }
0x1b2: {  	v15 =	vld.idx.msk [tilespmem:v15+s24+$0x0], $0xffff  }
0x1b3: {  	v17 =	vld.idx.msk [tilespmem:v17+s15+$0x0], $0xffff;
	_ =	sdelay $0x1  }
0x1b4: {  	s9 =	simm.s32 $0x4  }
0x1b5: {  	v18 =	vmov s9;
	v13 =	vor.u32 $0x3, v7  }
0x1b6: {  	v18 =	vand.u32 $0x38, v18;
	v14 =	vor.u32 $0x4, v5;
	v16 =	vor.u32 v13, v16  }
0x1b7: {  	v15 =	vadd.f32 v17, v15;
	v17 =	vor.u32 v14, v18  }
0x1b8: {  	v19 =	vadd.s32 s9, v4  }
0x1b9: {  	v15 =	vmul.f32 v15, v6;
	_ =	sdelay $0x1  }
0x1ba: {  	[tilespmem:v16+s25+$0x0] =	vst.idx.msk $0xffff, v15  }
0x1bb: {  	v17 =	vld.idx.msk [tilespmem:v17+s24+$0x0], $0xffff  }
0x1bc: {  	v19 =	vld.idx.msk [tilespmem:v19+s15+$0x0], $0xffff;
	_ =	sdelay $0x1  }
0x1bd: {  	s10 =	simm.s32 $0x5  }
0x1be: {  	v20 =	vmov s10;
	v15 =	vor.u32 $0x4, v7  }
0x1bf: {  	v20 =	vand.u32 $0x38, v20;
	v16 =	vor.u32 $0x5, v5;
	v18 =	vor.u32 v15, v18  }
0x1c0: {  	v17 =	vadd.f32 v19, v17;
	v19 =	vor.u32 v16, v20  }
0x1c1: {  	v21 =	vadd.s32 s10, v4  }
0x1c2: {  	v17 =	vmul.f32 v17, v6;
	_ =	sdelay $0x1  }
0x1c3: {  	[tilespmem:v18+s25+$0x0] =	vst.idx.msk $0xffff, v17  }
0x1c4: {  	v19 =	vld.idx.msk [tilespmem:v19+s24+$0x0], $0xffff  }
0x1c5: {  	v21 =	vld.idx.msk [tilespmem:v21+s15+$0x0], $0xffff;
	_ =	sdelay $0x1  }
0x1c6: {  	s11 =	simm.s32 $0x6  }
0x1c7: {  	v22 =	vmov s11;
	v17 =	vor.u32 $0x5, v7  }
0x1c8: {  	v22 =	vand.u32 $0x38, v22;
	v18 =	vor.u32 $0x6, v5;
	v20 =	vor.u32 v17, v20  }
0x1c9: {  	v19 =	vadd.f32 v21, v19;
	v21 =	vor.u32 v18, v22  }
0x1ca: {  	v23 =	vadd.s32 s11, v4  }
0x1cb: {  	v19 =	vmul.f32 v19, v6;
	_ =	sdelay $0x1  }
0x1cc: {  	[tilespmem:v20+s25+$0x0] =	vst.idx.msk $0xffff, v19  }
0x1cd: {  	v21 =	vld.idx.msk [tilespmem:v21+s24+$0x0], $0xffff  }
0x1ce: {  	v23 =	vld.idx.msk [tilespmem:v23+s15+$0x0], $0xffff;
	_ =	sdelay $0x1  }
0x1cf: {  	s30 =	simm.s32 $0x7  }
0x1d0: {  	v24 =	vmov s30;
	v19 =	vor.u32 $0x6, v7  }
0x1d1: {  	v24 =	vand.u32 $0x38, v24;
	v20 =	vor.u32 $0x7, v5;
	v22 =	vor.u32 v19, v22  }
0x1d2: {  	v21 =	vadd.f32 v23, v21;
	v23 =	vor.u32 v20, v24  }
0x1d3: {  	v25 =	vadd.s32 s30, v4  }
0x1d4: {  	v21 =	vmul.f32 v21, v6;
	_ =	sdelay $0x1  }
0x1d5: {  	[tilespmem:v22+s25+$0x0] =	vst.idx.msk $0xffff, v21  }
0x1d6: {  	v21 =	vor.u32 $0x7, v7;
	v23 =	vld.idx.msk [tilespmem:v23+s24+$0x0], $0xffff  }
0x1d7: {  	s8 =	simm.s32 $0xF;
	v22 =	vor.u32 v21, v24;
	v24 =	vld.idx.msk [tilespmem:v25+s15+$0x0], $0xffff  }
.LBB2_14:
0x1d8: {  	p3 =	sne.s32 s8, $0x3F;
	s9 =	smov.u32 s8;
	s8 =	sadd.s32 $0x8, s8  }
0x1d9: {  	_ =	sdelay $0x1  }
0x1da: {  	s10 =	sadd.s32 $0xFFFFFFF9, s9  }
0x1db: {  	v25 =	vor.u32 s10, v5;
	v26 =	vadd.s32 s10, v4;
	v23 =	vadd.f32 v24, v23;
	_ =	sdelay $0x1  }
0x1dc: {  	v23 =	vmul.f32 v23, v6;
	_ =	sdelay $0x1  }
0x1dd: {  	[tilespmem:v22+s25+$0x0] =	vst.idx.msk $0xffff, v23  }
0x1de: {  	v22 =	vld.idx.msk [tilespmem:v25+s24+$0x0], $0xffff  }
0x1df: {  	v23 =	vld.idx.msk [tilespmem:v26+s15+$0x0], $0xffff;
	_ =	sdelay $0x2  }
0x1e0: {  	s11 =	sadd.s32 $0xFFFFFFFA, s9  }
0x1e1: {  	v24 =	vor.u32 s10, v7;
	v25 =	vmov s11  }
0x1e2: {  	v25 =	vand.u32 $0x38, v25  }
0x1e3: {  	v26 =	vadd.s32 s11, v4;
	v22 =	vadd.f32 v23, v22;
	v23 =	vor.u32 v8, v25;
	_ =	sdelay $0x1  }
0x1e4: {  	v22 =	vmul.f32 v22, v6;
	_ =	sdelay $0x1  }
0x1e5: {  	[tilespmem:v24+s25+$0x0] =	vst.idx.msk $0xffff, v22  }
0x1e6: {  	v22 =	vld.idx.msk [tilespmem:v23+s24+$0x0], $0xffff  }
0x1e7: {  	v23 =	vld.idx.msk [tilespmem:v26+s15+$0x0], $0xffff;
	_ =	sdelay $0x2  }
0x1e8: {  	s10 =	sadd.s32 $0xFFFFFFFB, s9;
	v24 =	vor.u32 v9, v25  }
0x1e9: {  	v25 =	vmov s10  }
0x1ea: {  	v25 =	vand.u32 $0x38, v25  }
0x1eb: {  	v26 =	vadd.s32 s10, v4;
	v22 =	vadd.f32 v23, v22;
	v23 =	vor.u32 v10, v25;
	_ =	sdelay $0x1  }
0x1ec: {  	v22 =	vmul.f32 v22, v6;
	_ =	sdelay $0x1  }
0x1ed: {  	[tilespmem:v24+s25+$0x0] =	vst.idx.msk $0xffff, v22  }
0x1ee: {  	v22 =	vld.idx.msk [tilespmem:v23+s24+$0x0], $0xffff  }
0x1ef: {  	v23 =	vld.idx.msk [tilespmem:v26+s15+$0x0], $0xffff;
	_ =	sdelay $0x1  }
0x1f0: {  	v24 =	vor.u32 v11, v25  }
0x1f1: {  	s10 =	sadd.s32 $0xFFFFFFFC, s9  }
0x1f2: {  	v25 =	vmov s10  }
0x1f3: {  	v25 =	vand.u32 $0x38, v25  }
0x1f4: {  	v26 =	vadd.s32 s10, v4;
	v22 =	vadd.f32 v23, v22;
	v23 =	vor.u32 v12, v25;
	_ =	sdelay $0x1  }
0x1f5: {  	v22 =	vmul.f32 v22, v6;
	_ =	sdelay $0x1  }
0x1f6: {  	[tilespmem:v24+s25+$0x0] =	vst.idx.msk $0xffff, v22  }
0x1f7: {  	v22 =	vld.idx.msk [tilespmem:v23+s24+$0x0], $0xffff  }
0x1f8: {  	v23 =	vld.idx.msk [tilespmem:v26+s15+$0x0], $0xffff  }
0x1f9: {  	v24 =	vor.u32 v13, v25;
	_ =	sdelay $0x1  }
0x1fa: {  	s10 =	sadd.s32 $0xFFFFFFFD, s9  }
0x1fb: {  	v25 =	vmov s10  }
0x1fc: {  	v25 =	vand.u32 $0x38, v25  }
0x1fd: {  	v26 =	vadd.s32 s10, v4;
	v22 =	vadd.f32 v23, v22;
	v23 =	vor.u32 v14, v25;
	_ =	sdelay $0x1  }
0x1fe: {  	v22 =	vmul.f32 v22, v6;
	_ =	sdelay $0x1  }
0x1ff: {  	[tilespmem:v24+s25+$0x0] =	vst.idx.msk $0xffff, v22  }
0x200: {  	v22 =	vld.idx.msk [tilespmem:v23+s24+$0x0], $0xffff  }
0x201: {  	v24 =	vor.u32 v15, v25;
	v23 =	vld.idx.msk [tilespmem:v26+s15+$0x0], $0xffff;
	_ =	sdelay $0x2  }
0x202: {  	s10 =	sadd.s32 $0xFFFFFFFE, s9  }
0x203: {  	v25 =	vmov s10  }
0x204: {  	v25 =	vand.u32 $0x38, v25  }
0x205: {  	v26 =	vadd.s32 s10, v4;
	v22 =	vadd.f32 v23, v22;
	v23 =	vor.u32 v16, v25;
	_ =	sdelay $0x1  }
0x206: {  	v22 =	vmul.f32 v22, v6;
	_ =	sdelay $0x1  }
0x207: {  	[tilespmem:v24+s25+$0x0] =	vst.idx.msk $0xffff, v22  }
0x208: {  	v22 =	vld.idx.msk [tilespmem:v23+s24+$0x0], $0xffff;
	v23 =	vor.u32 v17, v25  }
0x209: {  	v24 =	vld.idx.msk [tilespmem:v26+s15+$0x0], $0xffff;
	_ =	sdelay $0x2  }
0x20a: {  	s10 =	sadd.s32 $0xFFFFFFFF, s9  }
0x20b: {  	v25 =	vmov s10  }
0x20c: {  	v25 =	vand.u32 $0x38, v25  }
0x20d: {  	v26 =	vadd.s32 s10, v4;
	v22 =	vadd.f32 v24, v22;
	v24 =	vor.u32 v18, v25;
	_ =	sdelay $0x1  }
0x20e: {  	v22 =	vmul.f32 v22, v6;
	_ =	sdelay $0x1  }
0x20f: {  	[tilespmem:v23+s25+$0x0] =	vst.idx.msk $0xffff, v22;
	v23 =	vor.u32 v19, v25  }
0x210: {  	v22 =	vld.idx.msk [tilespmem:v24+s24+$0x0], $0xffff  }
0x211: {  	v24 =	vld.idx.msk [tilespmem:v26+s15+$0x0], $0xffff;
	_ =	sdelay $0x3  }
0x212: {  	v25 =	vmov s9  }
0x213: {  	v25 =	vand.u32 $0x38, v25  }
0x214: {  	v26 =	vadd.s32 s9, v4;
	v22 =	vadd.f32 v24, v22;
	v24 =	vor.u32 v20, v25;
	_ =	sdelay $0x1  }
.Ltmp5:
0x215: {  	v27 =	vmul.f32 v22, v6;
	(pc) =	sbr.rel @p3 .LBB2_14-.Ltmp5, $4  }
0x216: {  	v22 =	vor.u32 v21, v25  }
0x217: {  	[tilespmem:v23+s25+$0x0] =	vst.idx.msk $0xffff, v27  }
0x218: {  	v23 =	vld.idx.msk [tilespmem:v24+s24+$0x0], $0xffff  }
0x219: {  	v24 =	vld.idx.msk [tilespmem:v26+s15+$0x0], $0xffff  }
0x21a: {  	_ =	sdelay $0x1  }
0x21b: {  	s18 =	sadd.s32 $0x1, s18  }
0x21c: {  	p0 =	sne.s32 s18, $0x14  }
.Ltmp6:
0x21d: {  	v4 =	vadd.f32 v24, v23;
	(pc) =	sbr.rel @p0 .LBB2_13-.Ltmp6, $3  }
0x21e: {  	_ = 	snop  }
0x21f: {  	v4 =	vmul.f32 v4, v6;
	_ =	sdelay $0x1  }
0x220: {  	[tilespmem:v22+s25+$0x0] =	vst.idx.msk $0xffff, v4  }
0x221: {  	s8 =	sld [smem:s2+$0x2]  }
0x222: {  	s9 =	sadd.s32 s6, s13  }
0x223: {  	p3 =	seq.s32 s20, $0x9;
	s9 =	sshll.u32 s9, $0x3  }
0x224: {  	s9 =	sadd.s32 s4, s9;
	p0 =	slt.s32 @!p3 s8, $0x1  }
0x225: {  	[hbm4b:s9+s5] =	stream.linear.scatter [tilespmem:s25], [sflag:$0x5], $0x5000, $0x38;
	[tilespmem:$0x1C190] =	vst v63  }
0x226: {  	s2 =	sadd.s32 $0x2, s2;
	p0 =	por p0, p3  }
0x227: {  	s10 =	smul.u32 @!p0 $0x500, s2  }
0x228: {  	p1 =	slt.s32 @!p3 s8, $0x11  }
0x229: {  	p1 =	por p1, p3;
	s11 =	simm.s32 @!p0 $0x8190;
	s9 =	sshra.s32 @!p0 s10, $0x2  }
0x22a: {  	s13 =	smul.u32 @!p1 $0x500, s2;
	s10 =	simm.s32 @!p0 $0x10;
	s9 =	sadd.s32 @!p0 $0x3200, s9  }
0x22b: {  	[tilespmem:s11], [sflag:$0x3] =	stream.indirect.gather @!p0 [hbm4b:s7+s10], $0x40, s9, s10, $0xb8;
	[tilespmem:$0x1C190] =	vst v63  }
0x22c: {  	p0 =	slt.s32 @!p3 s8, $0x21  }
0x22d: {  	s9 =	sshra.s32 @!p1 s13, $0x2;
	s10 =	simm.s32 @!p1 $0x10;
	p0 =	por p0, p3  }
0x22e: {  	s11 =	simm.s32 @!p1 $0x8590;
	s9 =	sadd.s32 @!p1 $0x3210, s9;
	s13 =	smul.u32 @!p0 $0x500, s2  }
0x22f: {  	[tilespmem:s11], [sflag:$0x3] =	stream.indirect.gather @!p1 [hbm4b:s7+s10], $0x40, s9, s10, $0xb8;
	[tilespmem:$0x1C190] =	vst v63  }
0x230: {  	p1 =	slt.s32 @!p3 s8, $0x31  }
0x231: {  	s10 =	simm.s32 @!p0 $0x10;
	p1 =	por p1, p3;
	s9 =	sshra.s32 @!p0 s13, $0x2  }
0x232: {  	s11 =	simm.s32 @!p0 $0x8990;
	s13 =	smul.u32 @!p1 $0x500, s2;
	s9 =	sadd.s32 @!p0 $0x3220, s9  }
0x233: {  	[tilespmem:s11], [sflag:$0x3] =	stream.indirect.gather @!p0 [hbm4b:s7+s10], $0x40, s9, s10, $0xb8;
	[tilespmem:$0x1C190] =	vst v63  }
0x234: {  	p0 =	slt.s32 @!p3 s8, $0x41  }
0x235: {  	s9 =	sshra.s32 @!p1 s13, $0x2;
	s10 =	simm.s32 @!p1 $0x10;
	p0 =	por p0, p3  }
0x236: {  	s11 =	simm.s32 @!p1 $0x8D90;
	s9 =	sadd.s32 @!p1 $0x3230, s9;
	s13 =	smul.u32 @!p0 $0x500, s2  }
0x237: {  	[tilespmem:s11], [sflag:$0x3] =	stream.indirect.gather @!p1 [hbm4b:s7+s10], $0x40, s9, s10, $0xb8;
	[tilespmem:$0x1C190] =	vst v63  }
0x238: {  	p1 =	slt.s32 @!p3 s8, $0x51  }
0x239: {  	s10 =	simm.s32 @!p0 $0x10;
	p1 =	por p1, p3;
	s9 =	sshra.s32 @!p0 s13, $0x2  }
0x23a: {  	s11 =	simm.s32 @!p0 $0x9190;
	s13 =	smul.u32 @!p1 $0x500, s2;
	s9 =	sadd.s32 @!p0 $0x3240, s9  }
0x23b: {  	[tilespmem:s11], [sflag:$0x3] =	stream.indirect.gather @!p0 [hbm4b:s7+s10], $0x40, s9, s10, $0xb8;
	[tilespmem:$0x1C190] =	vst v63  }
0x23c: {  	p0 =	slt.s32 @!p3 s8, $0x61  }
0x23d: {  	s9 =	sshra.s32 @!p1 s13, $0x2;
	s10 =	simm.s32 @!p1 $0x10;
	p0 =	por p0, p3  }
0x23e: {  	s11 =	simm.s32 @!p1 $0x9590;
	s9 =	sadd.s32 @!p1 $0x3250, s9;
	s13 =	smul.u32 @!p0 $0x500, s2  }
0x23f: {  	[tilespmem:s11], [sflag:$0x3] =	stream.indirect.gather @!p1 [hbm4b:s7+s10], $0x40, s9, s10, $0xb8;
	[tilespmem:$0x1C190] =	vst v63  }
0x240: {  	p1 =	slt.s32 @!p3 s8, $0x71  }
0x241: {  	s10 =	simm.s32 @!p0 $0x10;
	p1 =	por p1, p3;
	s9 =	sshra.s32 @!p0 s13, $0x2  }
0x242: {  	s11 =	simm.s32 @!p0 $0x9990;
	s13 =	smul.u32 @!p1 $0x500, s2;
	s9 =	sadd.s32 @!p0 $0x3260, s9  }
0x243: {  	[tilespmem:s11], [sflag:$0x3] =	stream.indirect.gather @!p0 [hbm4b:s7+s10], $0x40, s9, s10, $0xb8;
	[tilespmem:$0x1C190] =	vst v63  }
0x244: {  	p0 =	slt.s32 @!p3 s8, $0x81  }
0x245: {  	s9 =	sshra.s32 @!p1 s13, $0x2;
	s10 =	simm.s32 @!p1 $0x10;
	p0 =	por p0, p3  }
0x246: {  	s11 =	simm.s32 @!p1 $0x9D90;
	s9 =	sadd.s32 @!p1 $0x3270, s9;
	s13 =	smul.u32 @!p0 $0x500, s2  }
0x247: {  	[tilespmem:s11], [sflag:$0x3] =	stream.indirect.gather @!p1 [hbm4b:s7+s10], $0x40, s9, s10, $0xb8;
	[tilespmem:$0x1C190] =	vst v63  }
0x248: {  	p1 =	slt.s32 @!p3 s8, $0x91  }
0x249: {  	s10 =	simm.s32 @!p0 $0x10;
	p1 =	por p1, p3;
	s9 =	sshra.s32 @!p0 s13, $0x2  }
0x24a: {  	s11 =	simm.s32 @!p0 $0xA190;
	s13 =	smul.u32 @!p1 $0x500, s2;
	s9 =	sadd.s32 @!p0 $0x3280, s9  }
0x24b: {  	[tilespmem:s11], [sflag:$0x3] =	stream.indirect.gather @!p0 [hbm4b:s7+s10], $0x40, s9, s10, $0xb8;
	[tilespmem:$0x1C190] =	vst v63  }
0x24c: {  	p0 =	slt.s32 @!p3 s8, $0xA1  }
0x24d: {  	s9 =	sshra.s32 @!p1 s13, $0x2;
	s10 =	simm.s32 @!p1 $0x10;
	p0 =	por p0, p3  }
0x24e: {  	s11 =	simm.s32 @!p1 $0xA590;
	s9 =	sadd.s32 @!p1 $0x3290, s9;
	s13 =	smul.u32 @!p0 $0x500, s2  }
0x24f: {  	[tilespmem:s11], [sflag:$0x3] =	stream.indirect.gather @!p1 [hbm4b:s7+s10], $0x40, s9, s10, $0xb8;
	[tilespmem:$0x1C190] =	vst v63  }
0x250: {  	p1 =	slt.s32 @!p3 s8, $0xB1  }
0x251: {  	s10 =	simm.s32 @!p0 $0x10;
	p1 =	por p1, p3;
	s9 =	sshra.s32 @!p0 s13, $0x2  }
0x252: {  	s11 =	simm.s32 @!p0 $0xA990;
	s13 =	smul.u32 @!p1 $0x500, s2;
	s9 =	sadd.s32 @!p0 $0x32A0, s9  }
0x253: {  	[tilespmem:s11], [sflag:$0x3] =	stream.indirect.gather @!p0 [hbm4b:s7+s10], $0x40, s9, s10, $0xb8;
	[tilespmem:$0x1C190] =	vst v63  }
0x254: {  	p0 =	slt.s32 @!p3 s8, $0xC1  }
0x255: {  	s9 =	sshra.s32 @!p1 s13, $0x2;
	s10 =	simm.s32 @!p1 $0x10;
	p0 =	por p0, p3  }
0x256: {  	s11 =	simm.s32 @!p1 $0xAD90;
	s9 =	sadd.s32 @!p1 $0x32B0, s9;
	s13 =	smul.u32 @!p0 $0x500, s2  }
0x257: {  	[tilespmem:s11], [sflag:$0x3] =	stream.indirect.gather @!p1 [hbm4b:s7+s10], $0x40, s9, s10, $0xb8;
	[tilespmem:$0x1C190] =	vst v63  }
0x258: {  	p1 =	slt.s32 @!p3 s8, $0xD1  }
0x259: {  	s10 =	simm.s32 @!p0 $0x10;
	p1 =	por p1, p3;
	s9 =	sshra.s32 @!p0 s13, $0x2  }
0x25a: {  	s11 =	simm.s32 @!p0 $0xB190;
	s13 =	smul.u32 @!p1 $0x500, s2;
	s9 =	sadd.s32 @!p0 $0x32C0, s9  }
0x25b: {  	[tilespmem:s11], [sflag:$0x3] =	stream.indirect.gather @!p0 [hbm4b:s7+s10], $0x40, s9, s10, $0xb8;
	[tilespmem:$0x1C190] =	vst v63  }
0x25c: {  	p0 =	slt.s32 @!p3 s8, $0xE1  }
0x25d: {  	s9 =	sshra.s32 @!p1 s13, $0x2;
	s10 =	simm.s32 @!p1 $0x10;
	p0 =	por p0, p3  }
0x25e: {  	s11 =	simm.s32 @!p1 $0xB590;
	s9 =	sadd.s32 @!p1 $0x32D0, s9;
	s13 =	smul.u32 @!p0 $0x500, s2  }
0x25f: {  	[tilespmem:s11], [sflag:$0x3] =	stream.indirect.gather @!p1 [hbm4b:s7+s10], $0x40, s9, s10, $0xb8;
	[tilespmem:$0x1C190] =	vst v63  }
0x260: {  	p1 =	slt.s32 @!p3 s8, $0xF1  }
0x261: {  	s10 =	simm.s32 @!p0 $0x10;
	p1 =	por p1, p3;
	s9 =	sshra.s32 @!p0 s13, $0x2  }
0x262: {  	s11 =	simm.s32 @!p0 $0xB990;
	s13 =	smul.u32 @!p1 $0x500, s2;
	s9 =	sadd.s32 @!p0 $0x32E0, s9  }
0x263: {  	[tilespmem:s11], [sflag:$0x3] =	stream.indirect.gather @!p0 [hbm4b:s7+s10], $0x40, s9, s10, $0xb8;
	[tilespmem:$0x1C190] =	vst v63  }
0x264: {  	p0 =	slt.s32 @!p3 s8, $0x101  }
0x265: {  	s9 =	sshra.s32 @!p1 s13, $0x2;
	s10 =	simm.s32 @!p1 $0x10;
	p0 =	por p0, p3  }
0x266: {  	s11 =	simm.s32 @!p1 $0xBD90;
	s9 =	sadd.s32 @!p1 $0x32F0, s9;
	s13 =	smul.u32 @!p0 $0x500, s2  }
0x267: {  	[tilespmem:s11], [sflag:$0x3] =	stream.indirect.gather @!p1 [hbm4b:s7+s10], $0x40, s9, s10, $0xb8;
	[tilespmem:$0x1C190] =	vst v63  }
0x268: {  	p1 =	slt.s32 @!p3 s8, $0x111  }
0x269: {  	s10 =	simm.s32 @!p0 $0x10;
	p1 =	por p1, p3;
	s9 =	sshra.s32 @!p0 s13, $0x2  }
0x26a: {  	s11 =	simm.s32 @!p0 $0xC190;
	s13 =	smul.u32 @!p1 $0x500, s2;
	s9 =	sadd.s32 @!p0 $0x3300, s9  }
0x26b: {  	[tilespmem:s11], [sflag:$0x3] =	stream.indirect.gather @!p0 [hbm4b:s7+s10], $0x40, s9, s10, $0xb8;
	[tilespmem:$0x1C190] =	vst v63  }
0x26c: {  	p0 =	slt.s32 @!p3 s8, $0x121  }
0x26d: {  	s9 =	sshra.s32 @!p1 s13, $0x2;
	s10 =	simm.s32 @!p1 $0x10;
	p0 =	por p0, p3  }
0x26e: {  	s11 =	simm.s32 @!p1 $0xC590;
	s9 =	sadd.s32 @!p1 $0x3310, s9;
	s13 =	smul.u32 @!p0 $0x500, s2  }
0x26f: {  	[tilespmem:s11], [sflag:$0x3] =	stream.indirect.gather @!p1 [hbm4b:s7+s10], $0x40, s9, s10, $0xb8;
	[tilespmem:$0x1C190] =	vst v63  }
0x270: {  	s30 =	sld [smem:$0x7ED];
	p1 =	slt.s32 @!p3 s8, $0x131  }
0x271: {  	s10 =	simm.s32 @!p0 $0xC990;
	p1 =	por p1, p3;
	s9 =	sshra.s32 @!p0 s13, $0x2  }
0x272: {  	s2 =	smul.u32 @!p1 $0x500, s2;
	s8 =	sadd.s32 @!p0 $0x3320, s9;
	s9 =	simm.s32 @!p0 $0x10  }
0x273: {  	[tilespmem:s10], [sflag:$0x3] =	stream.indirect.gather @!p0 [hbm4b:s7+s9], $0x40, s8, s9, $0xb8;
	[tilespmem:$0x1C190] =	vst v63  }
0x274: {  	s2 =	sshra.s32 @!p1 s2, $0x2;
	s8 =	simm.s32 @!p1 $0x10  }
0x275: {  	s9 =	simm.s32 @!p1 $0xCD90;
	p0 =	seq.s32 s30, $0x1;
	s2 =	sadd.s32 @!p1 $0x3330, s2  }
0x276: {  	[tilespmem:s9], [sflag:$0x3] =	stream.indirect.gather @!p1 [hbm4b:s7+s8], $0x40, s2, s8, $0xb8;
	[tilespmem:$0x1C190] =	vst v63  }
0x277: {  	s2 =	simm.s32 @!p0 $0x4  }
0x278: {  	_ =	swait.ge @!p0 [sflag:s2], $0x400  }
0x279: {  	s8 =	sld [smem:$0x7EE];
	_ =	sdelay $0x1  }
0x27a: {  	[sflag:s2] =	ssyncset.done @!p0 $0x0  }
0x27b: {  	[sflag:s2] =	ssyncadd.s32 @!p0 $0xFFFFFC00;
	p0 =	seq.s32 s8, $0x1  }
0x27c: {  	s2 =	simm.s32 @!p0 $0x4  }
0x27d: {  	_ =	swait.ge @!p0 [sflag:s2], $0x400  }
0x27e: {  	s9 =	sld [smem:$0x7EF];
	_ =	sdelay $0x1  }
0x27f: {  	[sflag:s2] =	ssyncset.done @!p0 $0x0  }
0x280: {  	[sflag:s2] =	ssyncadd.s32 @!p0 $0xFFFFFC00;
	p0 =	seq.s32 s9, $0x1  }
0x281: {  	s2 =	simm.s32 @!p0 $0x4  }
0x282: {  	_ =	swait.ge @!p0 [sflag:s2], $0x400  }
0x283: {  	s10 =	sld [smem:$0x7F0];
	_ =	sdelay $0x1  }
0x284: {  	[sflag:s2] =	ssyncset.done @!p0 $0x0  }
0x285: {  	[sflag:s2] =	ssyncadd.s32 @!p0 $0xFFFFFC00;
	p0 =	seq.s32 s10, $0x1  }
0x286: {  	s2 =	simm.s32 @!p0 $0x4  }
0x287: {  	_ =	swait.ge @!p0 [sflag:s2], $0x400  }
0x288: {  	s11 =	sld [smem:$0x7F1];
	_ =	sdelay $0x1  }
0x289: {  	[sflag:s2] =	ssyncset.done @!p0 $0x0  }
0x28a: {  	[sflag:s2] =	ssyncadd.s32 @!p0 $0xFFFFFC00;
	p0 =	seq.s32 s11, $0x1  }
0x28b: {  	s2 =	simm.s32 @!p0 $0x4  }
0x28c: {  	_ =	swait.ge @!p0 [sflag:s2], $0x400  }
0x28d: {  	s13 =	sld [smem:$0x7F2];
	_ =	sdelay $0x1  }
0x28e: {  	[sflag:s2] =	ssyncset.done @!p0 $0x0  }
0x28f: {  	[sflag:s2] =	ssyncadd.s32 @!p0 $0xFFFFFC00;
	p0 =	seq.s32 s13, $0x1  }
0x290: {  	s2 =	simm.s32 @!p0 $0x4  }
0x291: {  	_ =	swait.ge @!p0 [sflag:s2], $0x400  }
0x292: {  	s18 =	sld [smem:$0x7F3];
	_ =	sdelay $0x1  }
0x293: {  	[sflag:s2] =	ssyncset.done @!p0 $0x0  }
0x294: {  	[sflag:s2] =	ssyncadd.s32 @!p0 $0xFFFFFC00;
	p0 =	seq.s32 s18, $0x1  }
0x295: {  	s2 =	simm.s32 @!p0 $0x4  }
0x296: {  	_ =	swait.ge @!p0 [sflag:s2], $0x400  }
0x297: {  	s30 =	sld [smem:$0x7F4];
	_ =	sdelay $0x1  }
0x298: {  	[sflag:s2] =	ssyncset.done @!p0 $0x0  }
0x299: {  	[sflag:s2] =	ssyncadd.s32 @!p0 $0xFFFFFC00;
	p0 =	seq.s32 s30, $0x1  }
0x29a: {  	s2 =	simm.s32 @!p0 $0x4  }
0x29b: {  	_ =	swait.ge @!p0 [sflag:s2], $0x400  }
0x29c: {  	s8 =	sld [smem:$0x7F5];
	_ =	sdelay $0x1  }
0x29d: {  	[sflag:s2] =	ssyncset.done @!p0 $0x0  }
0x29e: {  	[sflag:s2] =	ssyncadd.s32 @!p0 $0xFFFFFC00;
	p0 =	seq.s32 s8, $0x1  }
0x29f: {  	s2 =	simm.s32 @!p0 $0x4  }
0x2a0: {  	_ =	swait.ge @!p0 [sflag:s2], $0x400  }
0x2a1: {  	s9 =	sld [smem:$0x7F6];
	_ =	sdelay $0x1  }
0x2a2: {  	[sflag:s2] =	ssyncset.done @!p0 $0x0  }
0x2a3: {  	[sflag:s2] =	ssyncadd.s32 @!p0 $0xFFFFFC00;
	p0 =	seq.s32 s9, $0x1  }
0x2a4: {  	s2 =	simm.s32 @!p0 $0x4  }
0x2a5: {  	_ =	swait.ge @!p0 [sflag:s2], $0x400  }
0x2a6: {  	s10 =	sld [smem:$0x7F7];
	_ =	sdelay $0x1  }
0x2a7: {  	[sflag:s2] =	ssyncset.done @!p0 $0x0  }
0x2a8: {  	[sflag:s2] =	ssyncadd.s32 @!p0 $0xFFFFFC00;
	p0 =	seq.s32 s10, $0x1  }
0x2a9: {  	s2 =	simm.s32 @!p0 $0x4  }
0x2aa: {  	_ =	swait.ge @!p0 [sflag:s2], $0x400  }
0x2ab: {  	s11 =	sld [smem:$0x7F8];
	_ =	sdelay $0x1  }
0x2ac: {  	[sflag:s2] =	ssyncset.done @!p0 $0x0  }
0x2ad: {  	[sflag:s2] =	ssyncadd.s32 @!p0 $0xFFFFFC00;
	p0 =	seq.s32 s11, $0x1  }
0x2ae: {  	s2 =	simm.s32 @!p0 $0x4  }
0x2af: {  	_ =	swait.ge @!p0 [sflag:s2], $0x400  }
0x2b0: {  	s13 =	sld [smem:$0x7F9];
	_ =	sdelay $0x1  }
0x2b1: {  	[sflag:s2] =	ssyncset.done @!p0 $0x0  }
0x2b2: {  	[sflag:s2] =	ssyncadd.s32 @!p0 $0xFFFFFC00;
	p0 =	seq.s32 s13, $0x1  }
0x2b3: {  	s2 =	simm.s32 @!p0 $0x4  }
0x2b4: {  	_ =	swait.ge @!p0 [sflag:s2], $0x400  }
0x2b5: {  	s18 =	sld [smem:$0x7FA];
	_ =	sdelay $0x1  }
0x2b6: {  	[sflag:s2] =	ssyncset.done @!p0 $0x0  }
0x2b7: {  	[sflag:s2] =	ssyncadd.s32 @!p0 $0xFFFFFC00;
	p0 =	seq.s32 s18, $0x1  }
0x2b8: {  	s2 =	simm.s32 @!p0 $0x4  }
0x2b9: {  	_ =	swait.ge @!p0 [sflag:s2], $0x400  }
0x2ba: {  	s30 =	sld [smem:$0x7FD];
	_ =	sdelay $0x1  }
0x2bb: {  	[sflag:s2] =	ssyncset.done @!p0 $0x0  }
0x2bc: {  	[sflag:s2] =	ssyncadd.s32 @!p0 $0xFFFFFC00;
	p0 =	seq.s32 s30, $0x1  }
.Ltmp7:
0x2bd: {  	_ = 	snop;
	(pc) =	sbr.rel @p0 .LBB2_18-.Ltmp7, $1  }
0x2be: {  	_ =	sdelay $0x3  }
0x2bf: {  	_ =	swait.ge [sflag:s26], $0x400  }
0x2c0: {  	s2 =	sld [smem:$0x7FB]  }
0x2c1: {  	s11 =	sld [smem:$0x7FC];
	_ =	sdelay $0x2  }
0x2c2: {  	p6 =	seq.s32 s2, $0x1;
	p1 =	seq.s32 s11, $0x1  }
0x2c3: {  	s8 =	simm.s32 @!p2 $0x0;
	p0 =	por p1, p6  }
0x2c4: {  	[sflag:s26] =	ssyncset.done $0x0;
	s8 =	simm.s32 @p2 $0x1;
	p2 =	slt.u32 @!p0 s0, $0x111  }
0x2c5: {  	[smem:$0x7EA] =	sst s8;
	s8 =	simm.s32 @!p2 $0x0;
	p3 =	por @!p6 p2, p1  }
0x2c6: {  	[sflag:s26] =	ssyncadd.s32 $0xFFFFFC00;
	s8 =	simm.s32 @p2 $0x1;
	p3 =	por p3, p6  }
0x2c7: {  	s2 =	simm.s32 @!p6 $0x4;
	[smem:$0x7E9] =	sst s8;
	p4 =	slt.u32 @!p3 s0, $0x121  }
0x2c8: {  	_ =	swait.ge @!p6 [sflag:s2], $0x400;
	s8 =	simm.s32 @!p4 $0x0  }
0x2c9: {  	[sflag:s2] =	ssyncset.done @!p6 $0x0;
	s8 =	simm.s32 @p4 $0x1  }
0x2ca: {  	[sflag:s2] =	ssyncadd.s32 @!p6 $0xFFFFFC00;
	s2 =	simm.s32 @!p0 $0x4;
	[smem:$0x7E8] =	sst s8  }
0x2cb: {  	_ =	swait.ge @!p0 [sflag:s2], $0x400  }
0x2cc: {  	[sflag:s2] =	ssyncset.done @!p0 $0x0  }
0x2cd: {  	[sflag:s2] =	ssyncadd.s32 @!p0 $0xFFFFFC00;
	s2 =	simm.s32 @!p3 $0x4  }
0x2ce: {  	_ =	swait.ge @!p3 [sflag:s2], $0x400  }
0x2cf: {  	p4 =	por @!p0 p4, p2;
	s13 =	sld [smem:$0x7E8]  }
0x2d0: {  	p4 =	por @!p6 p4, p1;
	s18 =	sld [smem:$0x7E9]  }
0x2d1: {  	p4 =	por p4, p6  }
0x2d2: {  	p5 =	slt.u32 @!p4 s0, $0x131;
	p2 =	seq.s32 s13, $0x1  }
0x2d3: {  	[sflag:s2] =	ssyncset.done @!p3 $0x0;
	p5 =	por @!p3 p5, p2;
	p2 =	seq.s32 s18, $0x1  }
0x2d4: {  	s0 =	simm.s32 @!p4 $0x4;
	[sflag:s2] =	ssyncadd.s32 @!p3 $0xFFFFFC00;
	p0 =	por @!p0 p5, p2  }
0x2d5: {  	s30 =	sld [smem:$0x7EA];
	_ =	swait.ge @!p4 [sflag:s0], $0x400;
	p0 =	por @!p6 p0, p1  }
0x2d6: {  	[sflag:s0] =	ssyncset.done @!p4 $0x0;
	p0 =	por p0, p6  }
0x2d7: {  	[sflag:s0] =	ssyncadd.s32 @!p4 $0xFFFFFC00;
	s0 =	simm.s32 @!p0 $0x4  }
0x2d8: {  	_ =	swait.ge @!p0 [sflag:s0], $0x400  }
0x2d9: {  	[sflag:s0] =	ssyncset.done @!p0 $0x0  }
0x2da: {  	p2 =	seq.s32 s30, $0x1;
	[sflag:s0] =	ssyncadd.s32 @!p0 $0xFFFFFC00  }
.LBB2_18:
0x2db: {  	s2 =	simm.s32 @!p2 $0x6  }
0x2dc: {  	s0 =	smul.u32 $0x140, s21;
	_ =	swait.ge @!p2 [sflag:s2], $0x5000  }
0x2dd: {  	[sflag:s2] =	ssyncset.done @!p2 $0x0  }
0x2de: {  	v3 =	vmov s0;
	[sflag:s2] =	ssyncadd.s32 @!p2 $0xFFFFB000;
	s2 =	simm.s32 $0x0  }
.LBB2_19:
0x2df: {  	_ =	sdelay $0x2  }
0x2e0: {  	s8 =	sshll.u32 s2, $0x4  }
0x2e1: {  	v5 =	vld.idx.msk [tilespmem:v3+s8+$0x0 ss:$0x1], $0xffff  }
0x2e2: {  	v4 =	vld.idx.msk [tilespmem:v3+s8+$0x1900 ss:$0x1], $0xffff;
	_ =	sdelay $0x3  }
0x2e3: {  	s9 =	simm.s32 $0x0  }
0x2e4: {  	v5 =	vshll.u32 v5, $0x6;
	v7 =	vadd.s32 s9, v4  }
0x2e5: {  	v6 =	vor.u32 s9, v5;
	_ =	sdelay $0x3  }
0x2e6: {  	v10 =	vld.idx.msk [tilespmem:v7+s15+$0x0], $0xffff  }
0x2e7: {  	v9 =	vld.idx.msk [tilespmem:v6+s28+$0x0], $0xffff  }
0x2e8: {  	v7 =	vmov s8  }
0x2e9: {  	s30 =	simm.s32 $0x1;
	v6 =	vld.idx.msk [tilespmem:v3+s8+$0x4B10 ss:$0x1], $0xffff;
	v7 =	vshll.u32 v7, $0x6  }
0x2ea: {  	v11 =	vmov s30;
	v7 =	vor.u32 v2, v7  }
0x2eb: {  	v11 =	vand.u32 $0x38, v11;
	v8 =	vor.u32 $0x1, v5;
	v12 =	vor.u32 s9, v7  }
0x2ec: {  	v9 =	vadd.f32 v10, v9;
	v10 =	vor.u32 v8, v11  }
0x2ed: {  	v13 =	vadd.s32 s30, v4  }
0x2ee: {  	v9 =	vmul.f32 v9, v6;
	_ =	sdelay $0x1  }
0x2ef: {  	[tilespmem:v12+s29+$0x0] =	vst.idx.msk $0xffff, v9  }
0x2f0: {  	v12 =	vld.idx.msk [tilespmem:v10+s28+$0x0], $0xffff  }
0x2f1: {  	v13 =	vld.idx.msk [tilespmem:v13+s15+$0x0], $0xffff;
	_ =	sdelay $0x1  }
0x2f2: {  	s10 =	simm.s32 $0x2  }
0x2f3: {  	v14 =	vmov s10;
	v9 =	vor.u32 $0x1, v7  }
0x2f4: {  	v14 =	vand.u32 $0x38, v14;
	v10 =	vor.u32 $0x2, v5;
	v11 =	vor.u32 v9, v11  }
0x2f5: {  	v12 =	vadd.f32 v13, v12;
	v13 =	vor.u32 v10, v14  }
0x2f6: {  	v15 =	vadd.s32 s10, v4  }
0x2f7: {  	v12 =	vmul.f32 v12, v6;
	_ =	sdelay $0x1  }
0x2f8: {  	[tilespmem:v11+s29+$0x0] =	vst.idx.msk $0xffff, v12  }
0x2f9: {  	v13 =	vld.idx.msk [tilespmem:v13+s28+$0x0], $0xffff  }
0x2fa: {  	v15 =	vld.idx.msk [tilespmem:v15+s15+$0x0], $0xffff;
	_ =	sdelay $0x1  }
0x2fb: {  	s11 =	simm.s32 $0x3  }
0x2fc: {  	v16 =	vmov s11;
	v11 =	vor.u32 $0x2, v7  }
0x2fd: {  	v16 =	vand.u32 $0x38, v16;
	v12 =	vor.u32 $0x3, v5;
	v14 =	vor.u32 v11, v14  }
0x2fe: {  	v13 =	vadd.f32 v15, v13;
	v15 =	vor.u32 v12, v16  }
0x2ff: {  	v17 =	vadd.s32 s11, v4  }
0x300: {  	v13 =	vmul.f32 v13, v6;
	_ =	sdelay $0x1  }
0x301: {  	[tilespmem:v14+s29+$0x0] =	vst.idx.msk $0xffff, v13  }
0x302: {  	v15 =	vld.idx.msk [tilespmem:v15+s28+$0x0], $0xffff  }
0x303: {  	v17 =	vld.idx.msk [tilespmem:v17+s15+$0x0], $0xffff;
	_ =	sdelay $0x1  }
0x304: {  	s13 =	simm.s32 $0x4  }
0x305: {  	v18 =	vmov s13;
	v13 =	vor.u32 $0x3, v7  }
0x306: {  	v18 =	vand.u32 $0x38, v18;
	v14 =	vor.u32 $0x4, v5;
	v16 =	vor.u32 v13, v16  }
0x307: {  	v15 =	vadd.f32 v17, v15;
	v17 =	vor.u32 v14, v18  }
0x308: {  	v19 =	vadd.s32 s13, v4  }
0x309: {  	v15 =	vmul.f32 v15, v6;
	_ =	sdelay $0x1  }
0x30a: {  	[tilespmem:v16+s29+$0x0] =	vst.idx.msk $0xffff, v15  }
0x30b: {  	v17 =	vld.idx.msk [tilespmem:v17+s28+$0x0], $0xffff  }
0x30c: {  	v19 =	vld.idx.msk [tilespmem:v19+s15+$0x0], $0xffff;
	_ =	sdelay $0x1  }
0x30d: {  	s18 =	simm.s32 $0x5  }
0x30e: {  	v20 =	vmov s18;
	v15 =	vor.u32 $0x4, v7  }
0x30f: {  	v20 =	vand.u32 $0x38, v20;
	v16 =	vor.u32 $0x5, v5;
	v18 =	vor.u32 v15, v18  }
0x310: {  	v17 =	vadd.f32 v19, v17;
	v19 =	vor.u32 v16, v20  }
0x311: {  	v21 =	vadd.s32 s18, v4  }
0x312: {  	v17 =	vmul.f32 v17, v6;
	_ =	sdelay $0x1  }
0x313: {  	[tilespmem:v18+s29+$0x0] =	vst.idx.msk $0xffff, v17  }
0x314: {  	v19 =	vld.idx.msk [tilespmem:v19+s28+$0x0], $0xffff  }
0x315: {  	v21 =	vld.idx.msk [tilespmem:v21+s15+$0x0], $0xffff;
	_ =	sdelay $0x1  }
0x316: {  	s21 =	simm.s32 $0x6  }
0x317: {  	v22 =	vmov s21;
	v17 =	vor.u32 $0x5, v7  }
0x318: {  	v22 =	vand.u32 $0x38, v22;
	v18 =	vor.u32 $0x6, v5;
	v20 =	vor.u32 v17, v20  }
0x319: {  	v19 =	vadd.f32 v21, v19;
	v21 =	vor.u32 v18, v22  }
0x31a: {  	v23 =	vadd.s32 s21, v4  }
0x31b: {  	v19 =	vmul.f32 v19, v6;
	_ =	sdelay $0x1  }
0x31c: {  	[tilespmem:v20+s29+$0x0] =	vst.idx.msk $0xffff, v19  }
0x31d: {  	v21 =	vld.idx.msk [tilespmem:v21+s28+$0x0], $0xffff  }
0x31e: {  	v23 =	vld.idx.msk [tilespmem:v23+s15+$0x0], $0xffff;
	_ =	sdelay $0x1  }
0x31f: {  	s30 =	simm.s32 $0x7  }
0x320: {  	v24 =	vmov s30;
	v19 =	vor.u32 $0x6, v7  }
0x321: {  	v24 =	vand.u32 $0x38, v24;
	v20 =	vor.u32 $0x7, v5;
	v22 =	vor.u32 v19, v22  }
0x322: {  	v21 =	vadd.f32 v23, v21;
	v23 =	vor.u32 v20, v24  }
0x323: {  	v25 =	vadd.s32 s30, v4  }
0x324: {  	v21 =	vmul.f32 v21, v6;
	_ =	sdelay $0x1  }
0x325: {  	[tilespmem:v22+s29+$0x0] =	vst.idx.msk $0xffff, v21  }
0x326: {  	v21 =	vor.u32 $0x7, v7;
	v23 =	vld.idx.msk [tilespmem:v23+s28+$0x0], $0xffff  }
0x327: {  	s8 =	simm.s32 $0xF;
	v22 =	vor.u32 v21, v24;
	v24 =	vld.idx.msk [tilespmem:v25+s15+$0x0], $0xffff  }
.LBB2_20:
0x328: {  	p0 =	sne.s32 s8, $0x3F;
	s9 =	smov.u32 s8;
	s8 =	sadd.s32 $0x8, s8  }
0x329: {  	_ =	sdelay $0x1  }
0x32a: {  	s10 =	sadd.s32 $0xFFFFFFF9, s9  }
0x32b: {  	v25 =	vor.u32 s10, v5;
	v26 =	vadd.s32 s10, v4;
	v23 =	vadd.f32 v24, v23;
	_ =	sdelay $0x1  }
0x32c: {  	v23 =	vmul.f32 v23, v6;
	_ =	sdelay $0x1  }
0x32d: {  	[tilespmem:v22+s29+$0x0] =	vst.idx.msk $0xffff, v23  }
0x32e: {  	v22 =	vld.idx.msk [tilespmem:v25+s28+$0x0], $0xffff  }
0x32f: {  	v23 =	vld.idx.msk [tilespmem:v26+s15+$0x0], $0xffff;
	_ =	sdelay $0x2  }
0x330: {  	s11 =	sadd.s32 $0xFFFFFFFA, s9  }
0x331: {  	v24 =	vor.u32 s10, v7;
	v25 =	vmov s11  }
0x332: {  	v25 =	vand.u32 $0x38, v25  }
0x333: {  	v26 =	vadd.s32 s11, v4;
	v22 =	vadd.f32 v23, v22;
	v23 =	vor.u32 v8, v25;
	_ =	sdelay $0x1  }
0x334: {  	v22 =	vmul.f32 v22, v6;
	_ =	sdelay $0x1  }
0x335: {  	[tilespmem:v24+s29+$0x0] =	vst.idx.msk $0xffff, v22  }
0x336: {  	v22 =	vld.idx.msk [tilespmem:v23+s28+$0x0], $0xffff  }
0x337: {  	v23 =	vld.idx.msk [tilespmem:v26+s15+$0x0], $0xffff;
	_ =	sdelay $0x2  }
0x338: {  	s10 =	sadd.s32 $0xFFFFFFFB, s9;
	v24 =	vor.u32 v9, v25  }
0x339: {  	v25 =	vmov s10  }
0x33a: {  	v25 =	vand.u32 $0x38, v25  }
0x33b: {  	v26 =	vadd.s32 s10, v4;
	v22 =	vadd.f32 v23, v22;
	v23 =	vor.u32 v10, v25;
	_ =	sdelay $0x1  }
0x33c: {  	v22 =	vmul.f32 v22, v6;
	_ =	sdelay $0x1  }
0x33d: {  	[tilespmem:v24+s29+$0x0] =	vst.idx.msk $0xffff, v22  }
0x33e: {  	v22 =	vld.idx.msk [tilespmem:v23+s28+$0x0], $0xffff  }
0x33f: {  	v23 =	vld.idx.msk [tilespmem:v26+s15+$0x0], $0xffff;
	_ =	sdelay $0x1  }
0x340: {  	v24 =	vor.u32 v11, v25  }
0x341: {  	s10 =	sadd.s32 $0xFFFFFFFC, s9  }
0x342: {  	v25 =	vmov s10  }
0x343: {  	v25 =	vand.u32 $0x38, v25  }
0x344: {  	v26 =	vadd.s32 s10, v4;
	v22 =	vadd.f32 v23, v22;
	v23 =	vor.u32 v12, v25;
	_ =	sdelay $0x1  }
0x345: {  	v22 =	vmul.f32 v22, v6;
	_ =	sdelay $0x1  }
0x346: {  	[tilespmem:v24+s29+$0x0] =	vst.idx.msk $0xffff, v22  }
0x347: {  	v22 =	vld.idx.msk [tilespmem:v23+s28+$0x0], $0xffff  }
0x348: {  	v23 =	vld.idx.msk [tilespmem:v26+s15+$0x0], $0xffff  }
0x349: {  	v24 =	vor.u32 v13, v25;
	_ =	sdelay $0x1  }
0x34a: {  	s10 =	sadd.s32 $0xFFFFFFFD, s9  }
0x34b: {  	v25 =	vmov s10  }
0x34c: {  	v25 =	vand.u32 $0x38, v25  }
0x34d: {  	v26 =	vadd.s32 s10, v4;
	v22 =	vadd.f32 v23, v22;
	v23 =	vor.u32 v14, v25;
	_ =	sdelay $0x1  }
0x34e: {  	v22 =	vmul.f32 v22, v6;
	_ =	sdelay $0x1  }
0x34f: {  	[tilespmem:v24+s29+$0x0] =	vst.idx.msk $0xffff, v22  }
0x350: {  	v22 =	vld.idx.msk [tilespmem:v23+s28+$0x0], $0xffff  }
0x351: {  	v24 =	vor.u32 v15, v25;
	v23 =	vld.idx.msk [tilespmem:v26+s15+$0x0], $0xffff;
	_ =	sdelay $0x2  }
0x352: {  	s10 =	sadd.s32 $0xFFFFFFFE, s9  }
0x353: {  	v25 =	vmov s10  }
0x354: {  	v25 =	vand.u32 $0x38, v25  }
0x355: {  	v26 =	vadd.s32 s10, v4;
	v22 =	vadd.f32 v23, v22;
	v23 =	vor.u32 v16, v25;
	_ =	sdelay $0x1  }
0x356: {  	v22 =	vmul.f32 v22, v6;
	_ =	sdelay $0x1  }
0x357: {  	[tilespmem:v24+s29+$0x0] =	vst.idx.msk $0xffff, v22  }
0x358: {  	v22 =	vld.idx.msk [tilespmem:v23+s28+$0x0], $0xffff;
	v23 =	vor.u32 v17, v25  }
0x359: {  	v24 =	vld.idx.msk [tilespmem:v26+s15+$0x0], $0xffff;
	_ =	sdelay $0x2  }
0x35a: {  	s10 =	sadd.s32 $0xFFFFFFFF, s9  }
0x35b: {  	v25 =	vmov s10  }
0x35c: {  	v25 =	vand.u32 $0x38, v25  }
0x35d: {  	v26 =	vadd.s32 s10, v4;
	v22 =	vadd.f32 v24, v22;
	v24 =	vor.u32 v18, v25;
	_ =	sdelay $0x1  }
0x35e: {  	v22 =	vmul.f32 v22, v6;
	_ =	sdelay $0x1  }
0x35f: {  	[tilespmem:v23+s29+$0x0] =	vst.idx.msk $0xffff, v22;
	v23 =	vor.u32 v19, v25  }
0x360: {  	v22 =	vld.idx.msk [tilespmem:v24+s28+$0x0], $0xffff  }
0x361: {  	v24 =	vld.idx.msk [tilespmem:v26+s15+$0x0], $0xffff;
	_ =	sdelay $0x3  }
0x362: {  	v25 =	vmov s9  }
0x363: {  	v25 =	vand.u32 $0x38, v25  }
0x364: {  	v26 =	vadd.s32 s9, v4;
	v22 =	vadd.f32 v24, v22;
	v24 =	vor.u32 v20, v25;
	_ =	sdelay $0x1  }
.Ltmp8:
0x365: {  	v27 =	vmul.f32 v22, v6;
	(pc) =	sbr.rel @p0 .LBB2_20-.Ltmp8, $4  }
0x366: {  	v22 =	vor.u32 v21, v25  }
0x367: {  	[tilespmem:v23+s29+$0x0] =	vst.idx.msk $0xffff, v27  }
0x368: {  	v23 =	vld.idx.msk [tilespmem:v24+s28+$0x0], $0xffff  }
0x369: {  	v24 =	vld.idx.msk [tilespmem:v26+s15+$0x0], $0xffff  }
0x36a: {  	_ =	sdelay $0x1  }
0x36b: {  	s2 =	sadd.s32 $0x1, s2  }
0x36c: {  	p0 =	sne.s32 s2, $0x14  }
.Ltmp9:
0x36d: {  	v4 =	vadd.f32 v24, v23;
	(pc) =	sbr.rel @p0 .LBB2_19-.Ltmp9, $3  }
0x36e: {  	_ = 	snop  }
0x36f: {  	v4 =	vmul.f32 v4, v6;
	_ =	sdelay $0x1  }
0x370: {  	[tilespmem:v22+s29+$0x0] =	vst.idx.msk $0xffff, v4  }
0x371: {  	s20 =	sadd.s32 $0x1, s20  }
0x372: {  	p0 =	sne.s32 s20, $0xA  }
.Ltmp10:
0x373: {  	s0 =	sadd.s32 s6, s0;
	(pc) =	sbr.rel @p0 .LBB2_8-.Ltmp10, $4  }
0x374: {  	s0 =	sshll.u32 s0, $0x3  }
0x375: {  	s0 =	sand.u32 $0x1FFFFE00, s0  }
0x376: {  	s0 =	sadd.s32 s4, s0  }
0x377: {  	[hbm4b:s0+s5] =	stream.linear.scatter [tilespmem:s29], [sflag:$0x6], $0x5000, $0x38;
	[tilespmem:$0x1C190] =	vst v63  }
0x378: {  	s0 =	simm.s32 $0x5  }
0x379: {  	_ =	swait.ge [sflag:s0], $0x5000  }
0x37a: {  	[sflag:s0] =	ssyncset.done $0x0  }
0x37b: {  	[sflag:s0] =	ssyncadd.s32 $0xFFFFB000  }
0x37c: {  	_ =	swait.ge [sflag:s31], $0x5000  }
0x37d: {  	[sflag:s31] =	ssyncset.done $0x0  }
0x37e: {  	[sflag:s31] =	ssyncadd.s32 $0xFFFFB000  }
0x37f: {  	_ =	swait.ge [sflag:s3], $0x1900  }
0x380: {  	s1 =	sadd.s32 $0x1, s1;
	s30 =	rddreg [dreg:$0xb]  }
0x381: {  	p0 =	sne.s32 s1, s30  }
.Ltmp11:
0x382: {  	_ = 	snop;
	(pc) =	sbr.rel @p0 .LBB2_1-.Ltmp11, $3  }
0x383: {  	_ =	sdelay $0x1  }
0x384: {  	[sflag:s3] =	ssyncset.done $0x0  }
0x385: {  	[sflag:s3] =	ssyncadd.s32 $0xFFFFE700  }
0x386: {  	_ =	sfence.sel $0x180000  }
0x387: {  	[bflag:$0x0] =	sbarrier.arrive $0xFFFF  }
0x388: {  	_ =	strace $0x90000047  }
0x389: {  	s0 =	stileid.u32;
	[bflag:$0x2] =	sbarrier.arrive $0xFFFF  }
0x38a: {  	p0 =	sne.s32 s0, $0x0;
	s0 =	rddreg [dreg:$0x7]  }
0x38b: {  	s0 =	sadd.s32 @!p0 $0x100000, s0  }
0x38c: {  	[sflag:s0] =	ssyncadd.tile.s32 @!p0 $0x1;
	_ =	shalt  }
.Lfunc_end2:
_tile_overlayer_lowered:
.L_overlay_start_2:
0x38d: {  	(tag) =	ssettag $0x2  }
0x38e: {  	s0 =	rddreg [dreg:$0x0];
	s2 =	stileid.u32  }
0x38f: {  	s1 =	rddreg [dreg:$0x1];
	p0 =	sne.s32 s2, $0x0  }
0x390: {  	s3 =	rddreg [dreg:$0x2];
	[bflag:$0x3] =	sbarrier.arrive $0xFFFF;
	s2 =	simm.s32 @!p0 $0x1C07  }
0x391: {  	[timem:s3], [sflag:s2] =	dma.local @!p0 [hbm:s0], s1  }
0x392: {  	s0 =	simm.s32 @!p0 $0x7  }
0x393: {  	_ =	swait.ge @!p0 [sflag:s0], s1  }
0x394: {  	s1 =	ssub.s32 @!p0 $0x0, s1;
	[sflag:s0] =	ssyncset.done @!p0 $0x0  }
0x395: {  	[sflag:s0] =	ssyncadd.s32 @!p0 s1  }
0x396: {  	[bflag:$0x3] =	sbarrier.arrive $0xFFFF  }
0x397: {  	_ =	shalt  }

// kernel: sparse-core-data-format-call.cloned.1.call-start
scs
called_computation_lowered:
.L_overlay_start_0:
0x0: {  	s2 =	sld [smem:$0x3FD9]  }
0x1: {  	s3 =	sld [smem:$0x3FFE];
	_ =	sdelay $0x1  }
0x2: {  	s1 =	srdreg.scid  }
0x3: {  	s0 =	sand.u32 $0x1, s1  }
0x4: {  	s15 =	sshll.u32 s0, $0xA;
	s2 =	sadd.s32 s3, s2  }
0x5: {  	s2 =	sadd.s32 s2, s15  }
0x6: {  	[smem:$0x3FC3] =	sst s2  }
0x7: {  	_ = 	snop  }
0x8: {  	s2 =	sld [smem:$0x3FD0];
	_ =	sdelay $0x2  }
0x9: {  	s16 =	simm.s32 $0xA;
	s4 =	simm.s32 $0x10  }
0xa: {  	[smem:s4], [sflag:s16] =	dma.local [hbm:s2], $0x1  }
0xb: {  	_ =	swait.eq [sflag:s16], $0x1  }
0xc: {  	[sflag:s16] =	ssyncset.done $0x0  }
0xd: {  	[sflag:s16] =	ssyncadd.s32 $0xFFFFFFFF  }
0xe: {  	s17 =	sld [smem:$0x10];
	(tm) =	ssettm $0x1  }
0xf: {  	s18 =	sld [smem:$0x3FFB];
	_ =	sdelay $0x3  }
0x10: {  	_ =	strace s18  }
0x11: {  	s3 =	sld [smem:$0x3FFC];
	_ =	sdelay $0x3  }
0x12: {  	_ =	strace s3  }
0x13: {  	s3 =	sld [smem:$0x3FFD];
	_ =	sdelay $0x3  }
0x14: {  	_ =	strace s3  }
0x15: {  	_ =	strace $0x8FFFFFFF  }
0x16: {  	s19 =	sld [smem:$0x3FDB];
	_ =	sdelay $0x1  }
0x17: {  	s20 =	simm.s32 $_scs_section_size  }
0x18: {  	s5 =	simm.s32 $_size__tile_overlayer_lowered;
	s6 =	simm.s32 $_tile_overlayer_lowered  }
0x19: {  	s23 =	simm.s32 $0x1BFF;
	s22 =	sshll.u32 s6, $0x1;
	s3 =	sadd.s32 s20, s19  }
0x1a: {  	s7 =	simm.s32 $0x0;
	s21 =	sshll.u32 s5, $0x1;
	s5 =	sadd.s32 s22, s3  }
0x1b: {  	[timem:s7], [sflag:s23] =	dma.local [hbm:s5], s21  }
0x1c: {  	_ =	swait.ge [sflag:s23], s21  }
0x1d: {  	s4 =	ssub.s32 $0x0, s21;
	[sflag:s23] =	ssyncset.done $0x0  }
0x1e: {  	[sflag:s23] =	ssyncadd.s32 s4;
	_ =	sdelay $0x1  }
0x1f: {  	s24 =	simm.s32 $0x1B8B  }
0x20: {  	_ =	swait.ge [sflag:s24], $0x1  }
0x21: {  	[sflag:s24] =	ssyncset.done $0x0  }
0x22: {  	s26 =	simm.s32 $0x1B8E;
	s25 =	sld [smem:$0x3FFE];
	[sflag:s24] =	ssyncadd.s32 $0xFFFFFFFF  }
0x23: {  	s27 =	simm.s32 $execute0_lowered;
	[smem:$0x3FD2] =	sst s26  }
0x24: {  	s5 =	sshll.u32 s27, $0x1;
	_ =	strace $0x80000049;
	[dreg:$0x1] =	wrdreg $0xFFFFFFFF  }
0x25: {  	s28 =	simm.s32 $_size_execute0_lowered;
	s3 =	sadd.s32 s3, s5;
	[dreg:$0x0] =	wrdreg $0x0  }
0x26: {  	s5 =	sshll.u32 s28, $0x1;
	[dreg:$0x2] =	wrdreg s3  }
0x27: {  	[dreg:$0x3] =	wrdreg s5  }
0x28: {  	[dreg:$0x4] =	wrdreg $0xC0  }
0x29: {  	_ =	task [dreg:s7], $0x5FFFF  }
0x2a: {  	[dreg:$0x1] =	wrdreg $0xFFFFFFFF  }
0x2b: {  	[dreg:$0x0] =	wrdreg $0x60  }
0x2c: {  	[dreg:$0x2] =	wrdreg s25  }
0x2d: {  	[dreg:$0x3] =	wrdreg s17  }
0x2e: {  	[dreg:$0x4] =	wrdreg $0x9  }
0x2f: {  	_ =	task.clear_ibuf [dreg:s7], $0x5FFFF;
	_ =	strace $0x90000049  }
0x30: {  	s29 =	simm.s32 $0x9;
	_ =	strace $0x8000004B  }
0x31: {  	_ =	swait.ge [sflag:s29], $0x1  }
0x32: {  	[sflag:s29] =	ssyncadd.s32 $0xFFFFFFFF  }
0x33: {  	_ =	strace $0x9000004B  }
0x34: {  	_ =	sfence  }
0x35: {  	s30 =	sld [smem:$0x0];
	_ =	sdelay $0x2  }
0x36: {  	s31 =	sshll.u32 s1, $0xD;
	s1 =	sshrl.u32 s1, $0x2  }
0x37: {  	s3 =	sand.u32 $0x4000, s31;
	s1 =	sadd.s32 s1, s30  }
0x38: {  	s0 =	sor.u32 s3, s0;
	s1 =	sshll.u32 s1, $0x11  }
0x39: {  	s0 =	sor.u32 s1, s0  }
0x3a: {  	s0 =	sadd.s32 $0x8F2B, s0  }
0x3b: {  	[sflag:s0] =	ssyncadd.remote.s32 $0x1  }
0x3c: {  	_ =	sfence.sel $0xFFFF  }
0x3d: {  	[dreg:$0x0] =	wrdreg $0xFFFFFFFF;
	(pc) =	sbr.abs _section_cstart, $3  }
0x3e: {  	[dreg:$0x1] =	wrdreg $0xFFFFFFFF  }
0x3f: {  	_ =	task.clear_ibuf [dreg:s7], $0x2FFFF;
	_ =	strace $0x9FFFFFFF  }
0x40: {  	(tm) =	ssettm $0x7FFFFFFF  }
0x41: {  	_ =	shalt  }
tec
execute0_lowered:
.L_overlay_start_1:
0x0: {  	(tag) =	ssettag $0x1  }
0x1: {  	s0 =	srdreg.scid  }
0x2: {  	s1 =	sshll.u32 s0, $0x4  }
0x3: {  	s4 =	rddreg [dreg:$0x0];
	s0 =	stileid.u32;
	s1 =	sand.u32 $0x10, s1  }
0x4: {  	s2 =	rddreg [dreg:$0x1];
	s7 =	simm.s32 $0x1;
	s1 =	sor.u32 s0, s1  }
0x5: {  	s8 =	simm.s32 $0x2;
	s11 =	simm.s32 $0x0;
	s3 =	sshll.u32 s1, $0x7  }
0x6: {  	s10 =	simm.s32 $0x0;
	s4 =	sadd.s32 $0xC00, s4;
	s6 =	ssub.s32 $0x32000, s3  }
.Ltmp0:
0x7: {  	s1 =	rddreg [dreg:$0x2];
	s5 =	sand.u32 $0xF80, s6;
	(pc) =	sbr.rel .LBB1_1-.Ltmp0, $4  }
0x8: {  	_ =	strace $0x8000004A;
	s9 =	smov.u32 s3;
	p0 =	sne.s32 s5, $0x0  }
0x9: {  	s6 =	sshrl.u32 s6, $0xC;
	s5 =	simm.s32 $0x1;
	s7 =	simm.s32 @!p0 $0x0  }
0xa: {  	[sflag:s5] =	ssyncpa.u1 $0x0;
	p0 =	por $0x0, $0x0;
	s6 =	sadd.s32 s7, s6  }
0xb: {  	[sflag:s8] =	ssyncpa.u1 $0x0;
	s8 =	simm.s32 $0x190000;
	s7 =	sadd.s32 $0x1, s6  }
.LBB1_4:
0xc: {  	s14 =	sshll.u32 s11, $0x3  }
0xd: {  	s30 =	sand.u32 $0x7F, s11;
	s15 =	sand.u32 $0xFFFFFC00, s14  }
0xe: {  	s11 =	sor.u32 s30, s15  }
0xf: {  	s15 =	smulhi.u32 $0x51EB851F, s11  }
0x10: {  	s14 =	smulhi.u32 $0x51EB851F, s14  }
0x11: {  	s15 =	sshrl.u32 s15, $0x10  }
0x12: {  	s14 =	sshrl.u32 s14, $0x10;
	s15 =	smul.u32 $0x32000, s15  }
0x13: {  	s14 =	sand.u32 $0x3F, s14  }
0x14: {  	s14 =	smul.u32 $0x6400, s14;
	s11 =	ssub.s32 s11, s15  }
0x15: {  	[tilespmem:s13+$0x810 ss:$0x81] =	vst.msk $0xffff, v2;
	s15 =	sand.u32 $0x7, s11  }
0x16: {  	[tilespmem:s13+$0x1020 ss:$0x81] =	vst.msk $0xffff, v0;
	s14 =	sadd.s32 s2, s14;
	s11 =	sshrl.u32 s11, $0x3;
	s15 =	sshll.u32 s15, $0x12  }
0x17: {  	[tilespmem:s13+$0x0 ss:$0x81] =	vst.msk $0xffff, v1;
	s11 =	sadd.s32 s11, s14;
	s31 =	sor.u32 $0x400, s15  }
0x18: {  	[hbm4b:s11+s31] =	stream.strided.scatter [tilespmem:s12], [sflag:$0x2], $0x2000, s8, s31, $0x20;
	[tilespmem:$0x8080] =	vst v63  }
.LBB1_5:
0x19: {  	s13 =	sadd.s32 $0x1000, s9  }
0x1a: {  	p2 =	sgt.s32 s13, $0x31FFF  }
0x1b: {  	s13 =	smov.u32 @p2 s3;
	p2 =	sne.s32 s10, s7  }
.Ltmp1:
0x1c: {  	p1 =	slt.u32 s10, $0x2;
	(pc) =	sbr.rel @!p2 .LBB1_6-.Ltmp1, $4  }
0x1d: {  	s12 =	simm.s32 @!p1 $0x2  }
0x1e: {  	s14 =	sadd.s32 $0x1, s10;
	_ =	swait.ge @!p1 [sflag:s12], $0x2000  }
0x1f: {  	s11 =	smov.u32 s9;
	p0 =	por !p0, !p0;
	[sflag:s12] =	ssyncset.done @!p1 $0x0  }
0x20: {  	s10 =	smov.u32 s14;
	s9 =	smov.u32 s13;
	[sflag:s12] =	ssyncadd.s32 @!p1 $0xFFFFE000  }
.LBB1_1:
0x21: {  	p1 =	sge.u32 s10, s6  }
0x22: {  	s12 =	sand.u32 @!p1 $0x1FFFFFF, s9  }
0x23: {  	s13 =	smulhi.u32 @!p1 $0x147AE15, s12;
	_ =	sdelay $0x1  }
0x24: {  	s13 =	sshrl.u32 @!p1 s13, $0xA  }
0x25: {  	s13 =	smul.u32 @!p1 $0x32000, s13;
	_ =	sdelay $0x1  }
0x26: {  	s31 =	sadd.s32 $0xFFFFFFFF, s10;
	s14 =	sxor.u32 @!p1 $0xFFFFFFFF, s10;
	s12 =	ssub.s32 @!p1 s12, s13  }
0x27: {  	s15 =	simm.s32 @!p1 $0x80;
	s14 =	sshll.u32 @!p1 s14, $0xD;
	s12 =	sshll.u32 @!p1 s12, $0x4  }
0x28: {  	s13 =	sand.u32 @!p1 $0x2000, s14;
	s14 =	simm.s32 @!p1 $0x40;
	s12 =	sadd.s32 @!p1 s4, s12  }
0x29: {  	[tilespmem:s13], [sflag:$0x1] =	stream.strided.gather @!p1 [hbm4b:s12+s14], $0x2000, s15, s14, $0x38;
	[tilespmem:$0x8080] =	vst v63  }
0x2a: {  	p1 =	sge.u32 s31, s6  }
.Ltmp2:
0x2b: {  	_ = 	snop;
	(pc) =	sbr.rel @p1 .LBB1_5-.Ltmp2, $1  }
0x2c: {  	_ =	sdelay $0x3  }
0x2d: {  	s12 =	simm.s32 $0x1  }
0x2e: {  	_ =	swait.ge [sflag:s5], $0x2000;
	s12 =	simm.s32 @!p0 $0x0  }
0x2f: {  	[sflag:s5] =	ssyncset.done $0x0;
	s13 =	sshll.u32 s12, $0xD  }
0x30: {  	[sflag:s5] =	ssyncadd.s32 $0xFFFFE000;
	s16 =	sor.u32 $0x20, s13  }
0x31: {  	s12 =	smul.u32 $0x8100, s12;
	v3 =	vld [tilespmem:s16+$0x10]  }
0x32: {  	s30 =	sand.u32 $0x1, s10;
	v2 =	vld [tilespmem:s16+$0xFFFFFFF0]  }
0x33: {  	s13 =	smul.u32 $0x8100, s30;
	s12 =	sshrl.u32 s12, $0x2;
	v0 =	vld [tilespmem:s16+$0x0]  }
0x34: {  	v1 =	vld [tilespmem:s16+$0xFFFFFFE0];
	s14 =	sor.u32 $0x4000, s12  }
0x35: {  	s31 =	sshrl.u32 s13, $0x2;
	s13 =	sadd.s32 $0x0, s14  }
0x36: {  	s15 =	simm.s32 $0x4;
	s16 =	sadd.s32 $0x40, s16;
	s12 =	sor.u32 $0x4000, s31;
	[tilespmem:s13+$0x1830 ss:$0x81] =	vst.msk $0xffff, v3  }
.LBB1_3:
0x37: {  	v3 =	vld [tilespmem:s16+$0x10];
	p1 =	sne.s32 s15, $0x1FC;
	[tilespmem:s13+$0x810 ss:$0x81] =	vst.msk $0xffff, v2;
	s17 =	smov.u32 s15;
	s15 =	sadd.s32 $0x4, s15  }
.Ltmp3:
0x38: {  	v2 =	vld [tilespmem:s16+$0xFFFFFFF0];
	[tilespmem:s13+$0x1020 ss:$0x81] =	vst.msk $0xffff, v0;
	(pc) =	sbr.rel @p1 .LBB1_3-.Ltmp3, $4  }
0x39: {  	v0 =	vld [tilespmem:s16+$0x0];
	[tilespmem:s13+$0x0 ss:$0x81] =	vst.msk $0xffff, v1  }
0x3a: {  	s13 =	sshra.s32 s17, $0x2;
	v1 =	vld [tilespmem:s16+$0xFFFFFFE0]  }
0x3b: {  	s13 =	sadd.s32 s13, s14  }
0x3c: {  	s16 =	sadd.s32 $0x40, s16;
	[tilespmem:s13+$0x1830 ss:$0x81] =	vst.msk $0xffff, v3  }
.Ltmp4:
0x3d: {  	_ = 	snop;
	(pc) =	sbr.rel .LBB1_4-.Ltmp4, $1  }
0x3e: {  	_ =	sdelay $0x3  }
.LBB1_6:
0x3f: {  	_ =	sfence.sel $0x180000  }
0x40: {  	s2 =	simm.s32 $0x1;
	[bflag:$0x0] =	sbarrier.arrive $0xFFFF  }
0x41: {  	s31 =	simm.s32 $0x2;
	[sflag:s2] =	ssyncpa.u1 $0x1  }
0x42: {  	[sflag:s31] =	ssyncpa.u1 $0x1  }
0x43: {  	p0 =	sne.s32 s0, $0x0;
	_ =	strace $0x9000004A  }
0x44: {  	s0 =	sadd.s32 @!p0 $0x100000, s1;
	[bflag:$0x2] =	sbarrier.arrive $0xFFFF  }
0x45: {  	[sflag:s0] =	ssyncadd.tile.s32 @!p0 $0x1;
	_ =	shalt  }
.Lfunc_end1:
_tile_overlayer_lowered:
.L_overlay_start_2:
0x46: {  	(tag) =	ssettag $0x2  }
0x47: {  	s0 =	rddreg [dreg:$0x0];
	s2 =	stileid.u32  }
0x48: {  	s1 =	rddreg [dreg:$0x1];
	p0 =	sne.s32 s2, $0x0  }
0x49: {  	s3 =	rddreg [dreg:$0x2];
	[bflag:$0x3] =	sbarrier.arrive $0xFFFF;
	s2 =	simm.s32 @!p0 $0x1C01  }
0x4a: {  	[timem:s3], [sflag:s2] =	dma.local @!p0 [hbm:s0], s1  }
0x4b: {  	s0 =	simm.s32 @!p0 $0x1  }
0x4c: {  	_ =	swait.ge @!p0 [sflag:s0], s1  }
0x4d: {  	s1 =	ssub.s32 @!p0 $0x0, s1;
	[sflag:s0] =	ssyncset.done @!p0 $0x0  }
0x4e: {  	[sflag:s0] =	ssyncadd.s32 @!p0 s1  }
0x4f: {  	[bflag:$0x3] =	sbarrier.arrive $0xFFFF  }
0x50: {  	_ =	shalt  }

</sc_bundles>
